<compile_context>
chip_gen: v7x
topology: tpu7x:2x2x1
jax: 0.10.2.dev20260603
libtpu: 0.0.44.dev20260713+nightly
codegen_flags: <defaults>
</compile_context>

<pallas_src>
import dataclasses
import functools

import jax
import jax.numpy as jnp
from jax import lax
from jax.experimental import pallas as pl
from jax.experimental.pallas import tpu as pltpu
from jax.experimental.pallas import tpu_sc as plsc

B, C, H, W = 4, 10, 512, 512
WPR = W // 32
NLANES = 16
SLABS = 8
ROWS_PER_SLAB = H // SLABS
MAXIT = H + W

_I32MIN = -2147483647 - 1


def _iota():
    return lax.iota(jnp.int32, NLANES)


def _lane_scalar(vec, lane):
    return jnp.max(jnp.where(_iota() == lane, vec, _I32MIN))


def _sc_flood(grid, scal):
    mesh = plsc.VectorSubcoreMesh(core_axis_name="c", subcore_axis_name="s",
                                  num_cores=2, num_subcores=16)
    cp = pltpu.CompilerParams()
    if "needs_layout_passes" in pltpu.CompilerParams.__dataclass_fields__:
        cp = dataclasses.replace(cp, needs_layout_passes=False)

    @functools.partial(
        pl.kernel,
        mesh=mesh,
        out_type=[
            jax.ShapeDtypeStruct((B, H * WPR), jnp.int32),
            jax.ShapeDtypeStruct((B, NLANES), jnp.int32),
        ],
        scratch_types=[
            pltpu.VMEM((ROWS_PER_SLAB, W), jnp.float32),
            pltpu.VMEM((ROWS_PER_SLAB * WPR,), jnp.int32),
            pltpu.VMEM((H * WPR,), jnp.int32),
            pltpu.VMEM((H * WPR,), jnp.int32),
            pltpu.VMEM((NLANES, NLANES), jnp.float32),
            pltpu.VMEM((NLANES,), jnp.int32),
            pltpu.VMEM((NLANES,), jnp.int32),
            pltpu.VMEM_SHARED((2, H * WPR), jnp.int32),
            pltpu.VMEM_SHARED((2, NLANES), jnp.int32),
            pltpu.SemaphoreType.DMA,
        ],
        compiler_params=cp,
    )
    def k(grid_hbm, scal_hbm, mask_hbm, info_hbm,
          rowbuf, packslice, region, maskw, valbuf, scalbuf, infovec,
          packed_sh, seed_sh, dsem):
        core = lax.axis_index("c")
        sub = lax.axis_index("s")
        bic = sub // SLABS
        b = core * 2 + bic
        slab = sub % SLABS
        iota = _iota()
        zero16 = jnp.zeros((NLANES,), jnp.int32)

        pltpu.sync_copy(scal_hbm, scalbuf)
        sv = scalbuf[...]
        seed_y = _lane_scalar(sv, 0)
        seed_x = _lane_scalar(sv, 1)
        tgt_ch = _lane_scalar(sv, 2)

        is_fill_tile = slab == 0
        handles = [
            pltpu.async_copy(grid_hbm.at[b, cc, seed_y, pl.ds(seed_x, 1)],
                             valbuf.at[cc, pl.ds(0, 1)], dsem)
            for cc in range(C)
        ]
        for h in handles:
            h.wait()
        vals = plsc.load_gather(
            valbuf, [jnp.minimum(iota, C - 1), iota * 0])
        has = (vals > 0.5) & (iota < C)
        valid = jnp.max(plsc.all_reduce_population_count(has)) > 0
        ffs = jnp.max(plsc.all_reduce_ffs(has))
        seed_ch = jnp.where(valid, jnp.minimum(ffs, C - 1), 0)

        r0 = slab * ROWS_PER_SLAB
        pltpu.sync_copy(
            grid_hbm.at[b, seed_ch, pl.ds(r0, ROWS_PER_SLAB), :], rowbuf)

        col0 = iota * 32

        @pl.loop(0, ROWS_PER_SLAB)
        def _pack_row(i):
            irow = jnp.full((NLANES,), i, jnp.int32)
            acc = zero16
            for kk in range(32):
                v = plsc.load_gather(rowbuf, [irow, col0 + kk])
                bitc = (1 << kk) if kk < 31 else _I32MIN
                acc = acc | jnp.where(v > 0.5, jnp.int32(bitc), 0)
            packslice[pl.ds(i * WPR, NLANES)] = acc

        pltpu.sync_copy(packslice,
                        packed_sh.at[bic, pl.ds(r0 * WPR, ROWS_PER_SLAB * WPR)])
        plsc.subcore_barrier()

        @pl.when(is_fill_tile)
        def _fill():
            pltpu.sync_copy(packed_sh.at[bic], region)

            @pl.loop(0, H // 8)
            def _zrow(r8):
                for dr in range(8):
                    maskw[pl.ds((r8 * 8 + dr) * WPR, NLANES)] = zero16

            lane0 = lax.shift_right_logical(seed_x, 5)
            bit0 = seed_x & 31
            regrow = region[pl.ds(seed_y * WPR, NLANES)]
            init = jnp.where(
                (iota == lane0) & valid,
                lax.shift_left(jnp.int32(1), bit0), 0) & regrow
            maskw[pl.ds(seed_y * WPR, NLANES)] = init
            init_changed = jnp.any(init != 0)

            def step_cond(carry):
                ylo, yhi, it, changed = carry
                return changed & (it < MAXIT)

            def update_row(r, prev):
                base = r * WPR
                m = maskw[pl.ds(base, NLANES)]
                reg = region[pl.ds(base, NLANES)]
                xl = plsc.load_gather(
                    maskw, [base + jnp.maximum(iota - 1, 0)])
                xl = jnp.where(iota >= 1, xl, 0)
                xr = plsc.load_gather(
                    maskw, [base + jnp.minimum(iota + 1, NLANES - 1)])
                xr = jnp.where(iota <= NLANES - 2, xr, 0)
                new = (m
                       | lax.shift_left(m, 1)
                       | lax.shift_right_logical(m, 1)
                       | lax.shift_right_logical(xl, 31)
                       | lax.shift_left(xr, 31)
                       | prev) & reg
                return m, new, reg, base

            def sync_step(carry):
                ylo, yhi, it, _ = carry
                lo = jnp.maximum(ylo - 1, 0)
                hi = jnp.minimum(yhi + 1, H - 1)

                def row_body(r, rc):
                    prev_old, chg, lorow, hirow = rc
                    nxt = maskw[pl.ds(jnp.minimum(r + 1, H - 1) * WPR,
                                      NLANES)]
                    nxt = jnp.where(r < H - 1, nxt, 0)
                    m, new, reg, base = update_row(r, prev_old | nxt)
                    maskw[pl.ds(base, NLANES)] = new
                    chg = chg | (new ^ m)
                    lorow = jnp.where(r == lo, new, lorow)
                    hirow = jnp.where(r == hi, new, hirow)
                    return m, chg, lorow, hirow

                _, chg, lorow, hirow = lax.fori_loop(
                    lo, hi + 1, row_body, (zero16, zero16, zero16, zero16))
                changed = jnp.any(chg != 0)
                ylo2 = jnp.where(jnp.any(lorow != 0), lo, ylo)
                yhi2 = jnp.where(jnp.any(hirow != 0), hi, yhi)
                return ylo2, yhi2, it + 1, changed

            lax.while_loop(
                step_cond, sync_step,
                (seed_y, seed_y, jnp.int32(0), init_changed))

            pltpu.sync_copy(maskw, mask_hbm.at[b])
            infovec[...] = (jnp.where(iota == 0, seed_ch, 0)
                            | jnp.where(iota == 1, tgt_ch, 0))
            pltpu.sync_copy(infovec, info_hbm.at[b])

    return k(grid, scal)


def _tc_fix_body(info_ref, g_ref, pm_ref, o_ref, mbuf):
    j = pl.program_id(1)

    @pl.when(j == 0)
    def _expand():
        pw = pm_ref[0]
        lo = (pw & 0xFFFF).astype(jnp.float32)
        hi = lax.shift_right_logical(pw, 16).astype(jnp.float32)
        wq = lax.broadcasted_iota(jnp.int32, (WPR, W), 0)
        xq = lax.broadcasted_iota(jnp.int32, (WPR, W), 1)
        onehot = (lax.shift_right_logical(xq, 5) == wq).astype(jnp.float32)
        slo = jnp.dot(lo, onehot, preferred_element_type=jnp.float32,
                      precision=lax.Precision.HIGHEST)
        shi = jnp.dot(hi, onehot, preferred_element_type=jnp.float32,
                      precision=lax.Precision.HIGHEST)
        xb = lax.broadcasted_iota(jnp.int32, (H, W), 1) & 31
        word = jnp.where(xb >= 16, shi.astype(jnp.int32),
                         slo.astype(jnp.int32))
        bit = lax.shift_right_logical(word, xb & 15) & 1
        mbuf[...] = bit.astype(jnp.float32)

    m = mbuf[...]
    val = jnp.where(j == 1, 1.0, 0.0)
    g = g_ref[0, 0]
    o_ref[0, 0] = g * (1.0 - m) + m * val


def _tc_fix(grid, maskp, info):
    grid_spec = pltpu.PrefetchScalarGridSpec(
        num_scalar_prefetch=1,
        grid=(B, 2),
        in_specs=[
            pl.BlockSpec((1, 1, H, W),
                         lambda b, j, info: (b, info[b, j], 0, 0)),
            pl.BlockSpec((1, H, WPR), lambda b, j, info: (b, 0, 0)),
        ],
        out_specs=pl.BlockSpec((1, 1, H, W),
                               lambda b, j, info: (b, info[b, j], 0, 0)),
        scratch_shapes=[pltpu.VMEM((H, W), jnp.float32)],
    )
    return pl.pallas_call(
        _tc_fix_body,
        grid_spec=grid_spec,
        out_shape=jax.ShapeDtypeStruct((B, C, H, W), jnp.float32),
        input_output_aliases={1: 0},
    )(info, grid, maskp)


def kernel(grid, seed_y, seed_x, target_color):
    sy = jnp.asarray(seed_y, jnp.int32)
    sx = jnp.asarray(seed_x, jnp.int32)
    tc = jnp.asarray(target_color, jnp.int32)
    scal = (jnp.zeros((NLANES,), jnp.int32)
            .at[0].set(sy).at[1].set(sx).at[2].set(tc))
    maskp, info = _sc_flood(grid, scal)
    return _tc_fix(grid, maskp.reshape(B, H, WPR), info)

# --- scband reference (transcript-rebuilt; emitter-appended) ---
"""Pipeline reference for scband-flood-fill-operation-42580305773207 (READ-ONLY COPY).

The authoritative reference and input builder live on the scoring server;
editing this copy changes nothing except your own understanding.
"""

import jax, jax.numpy as jnp
import numpy as np

B, C, H, W = 4, 10, 512, 512

def setup_inputs(seed: int = 0):
    key = jax.random.key(seed)
    grid = jax.random.uniform(key, (B, C, H, W), dtype=jnp.float32)
    return {"grid": grid, "seed_y": 256, "seed_x": 256, "target_color": 3}


def _flood_fill(grid, seed_y, seed_x, target_color):
    B_, C_, H_, W_ = grid.shape

    def fill_one(gb):
        # find seed color: first channel with value > 0.5 at seed point
        vals = gb[:, seed_y, seed_x]
        has = vals > 0.5
        valid = jnp.any(has)
        seed_color = jnp.argmax(has)
        # region of same 'color' (channel active > 0.5); mask computation is
        # non-differentiable, so stop_gradient for the boolean propagation
        g_ng = jax.lax.stop_gradient(gb)
        region = jnp.take(g_ng, seed_color, axis=0) > 0.5
        init = jnp.zeros((H_, W_), dtype=bool).at[seed_y, seed_x].set(True) & region

        def body(m, _):
            up = jnp.pad(m[1:, :], ((0, 1), (0, 0)))
            down = jnp.pad(m[:-1, :], ((1, 0), (0, 0)))
            left = jnp.pad(m[:, 1:], ((0, 0), (0, 1)))
            right = jnp.pad(m[:, :-1], ((0, 0), (1, 0)))
            return (m | up | down | left | right) & region, None

        mask, _ = jax.lax.scan(body, init, None, length=H_ + W_)
        mask = mask & valid
        seed_ch = jnp.take(gb, seed_color, axis=0)
        res = gb.at[seed_color].set(jnp.where(mask, 0.0, seed_ch))
        tgt_ch = jnp.take(res, target_color, axis=0)
        res = res.at[target_color].set(jnp.where(mask, 1.0, tgt_ch))
        return res

    return jax.vmap(fill_one)(grid)


def reference(grid, seed_y, seed_x, target_color):
    return _flood_fill(grid, seed_y, seed_x, target_color)

if __name__ == "__main__":
    import jax
    _d = setup_inputs()
    print(jax.jit(kernel)(*tuple(_d.values())))

</pallas_src>

<mosaic_0001>
#map = affine_map<(d0, d1) -> (0, 0, 0, 0)>
#map1 = affine_map<(d0, d1) -> (0)>
#map2 = affine_map<(d0, d1) -> (0, 0)>
module attributes {stable_mosaic.version = 14 : i64} {
  func.func @k(%arg0: i32, %arg1: i32, %arg2: memref<4x10x512x512xf32, #tpu.memory_space<hbm>>, %arg3: memref<16xi32, #tpu.memory_space<hbm>>, %arg4: memref<4x8192xi32, #tpu.memory_space<hbm>>, %arg5: memref<4x16xi32, #tpu.memory_space<hbm>>, %arg6: memref<64x512xf32, #tpu.memory_space<vmem>>, %arg7: memref<1024xi32, #tpu.memory_space<vmem>>, %arg8: memref<8192xi32, #tpu.memory_space<vmem>>, %arg9: memref<8192xi32, #tpu.memory_space<vmem>>, %arg10: memref<16x16xf32, #tpu.memory_space<vmem>>, %arg11: memref<16xi32, #tpu.memory_space<vmem>>, %arg12: memref<16xi32, #tpu.memory_space<vmem>>, %arg13: memref<2x8192xi32, #tpu.memory_space<vmem_shared>>, %arg14: memref<2x16xi32, #tpu.memory_space<vmem_shared>>, %arg15: memref<!tpu.dma_semaphore, #tpu.memory_space<semaphore_mem>>) attributes {dimension_semantics = [#tpu.dimension_semantics<core_parallel>, #tpu.dimension_semantics<subcore_parallel>], iteration_bounds = array<i64: 2, 16>, scalar_prefetch = 0 : i64, scratch_operands = 10 : i64, tpu.core_type = #tpu.core_type<sc_vector_subcore>, window_params = [{transform_indices = #map}, {transform_indices = #map1}, {transform_indices = #map2}, {transform_indices = #map2}]} {
    %jit3A = arith.constant 8 : i32
    %div3A = arith.divsi %arg1, %jit3A : i32
    %sign3A = arith.constant 0 : i32
    %sign3A_0 = arith.cmpi sgt, %arg1, %sign3A : i32
    %sign3A_1 = arith.extui %sign3A_0 : i1 to i32
    %sign3A_2 = arith.constant 0 : i32
    %sign3A_3 = arith.cmpi slt, %arg1, %sign3A_2 : i32
    %sign3A_4 = arith.extui %sign3A_3 : i1 to i32
    %sign3A_5 = arith.subi %sign3A_1, %sign3A_4 : i32
    %sign3A_6 = arith.constant 0 : i32
    %sign3A_7 = arith.cmpi sgt, %jit3A, %sign3A_6 : i32
    %sign3A_8 = arith.extui %sign3A_7 : i1 to i32
    %sign3A_9 = arith.constant 0 : i32
    %sign3A_10 = arith.cmpi slt, %jit3A, %sign3A_9 : i32
    %sign3A_11 = arith.extui %sign3A_10 : i1 to i32
    %sign3A_12 = arith.subi %sign3A_8, %sign3A_11 : i32
    %ne3A = arith.cmpi ne, %sign3A_5, %sign3A_12 : i32
    %rem3A = arith.remsi %arg1, %jit3A : i32
    %ne3A_13 = arith.constant 0 : i32
    %ne3A_14 = arith.cmpi ne, %rem3A, %ne3A_13 : i32
    %and3A = arith.andi %ne3A, %ne3A_14 : i1
    %sub3A = arith.constant 1 : i32
    %sub3A_15 = arith.subi %div3A, %sub3A : i32
    %select_n3A = arith.select %and3A, %sub3A_15, %div3A : i32
    %mul3A = arith.constant 2 : i32
    %mul3A_16 = arith.muli %arg0, %mul3A : i32
    %add3A = arith.addi %mul3A_16, %select_n3A : i32
    %jit3A_17 = arith.constant 8 : i32
    %eq3A = arith.constant 0 : i32
    %eq3A_18 = arith.cmpi eq, %jit3A_17, %eq3A : i32
    %jit3A_19 = arith.constant 1 : i32
    %select_n3A_20 = arith.select %eq3A_18, %jit3A_19, %jit3A_17 : i32
    %rem3A_21 = arith.remsi %arg1, %select_n3A_20 : i32
    %ne3A_22 = arith.constant 0 : i32
    %ne3A_23 = arith.cmpi ne, %rem3A_21, %ne3A_22 : i32
    %lt3A = arith.constant 0 : i32
    %lt3A_24 = arith.cmpi slt, %rem3A_21, %lt3A : i32
    %lt3A_25 = arith.constant 0 : i32
    %lt3A_26 = arith.cmpi slt, %select_n3A_20, %lt3A_25 : i32
    %ne3A_27 = arith.xori %lt3A_24, %lt3A_26 : i1
    %and3A_28 = arith.andi %ne3A_27, %ne3A_23 : i1
    %add3A_29 = arith.addi %rem3A_21, %select_n3A_20 : i32
    %select_n3A_30 = arith.select %and3A_28, %add3A_29, %rem3A_21 : i32
    %iota3A = tpu.iota {dimensions = array<i32: 0>} : vector<16xi32>
    %broadcast_in_dim3A = arith.constant 0 : i32
    %broadcast_in_dim3A_31 = vector.broadcast %broadcast_in_dim3A : i32 to vector<16xi32>
    "tpu.region"() ({
      %run_scoped3A = tpu.sem_alloc : memref<!tpu.dma_semaphore, #tpu.memory_space<semaphore_mem>>
      tpu.enqueue_dma source(%arg3 : memref<16xi32, #tpu.memory_space<hbm>>) target(%arg11 : memref<16xi32, #tpu.memory_space<vmem>>) target_semaphore(%run_scoped3A : memref<!tpu.dma_semaphore, #tpu.memory_space<semaphore_mem>>)
      tpu.wait_dma2 semaphore(%run_scoped3A : memref<!tpu.dma_semaphore, #tpu.memory_space<semaphore_mem>>) src(%arg3 : memref<16xi32, #tpu.memory_space<hbm>>) dst(%arg11 : memref<16xi32, #tpu.memory_space<vmem>>)
      tpu.yield
    }) : () -> ()
    %get3A = arith.constant 0 : index
    %get3A_32 = tpu.vector_load %arg11[%get3A] {strides = array<i32>} : memref<16xi32, #tpu.memory_space<vmem>>, vector<16xi32>,
    %iota3A_33 = tpu.iota {dimensions = array<i32: 0>} : vector<16xi32>
    %eq3A_34 = arith.constant 0 : i32
    %eq3A_35 = vector.broadcast %eq3A_34 : i32 to vector<16xi32>
    %eq3A_36 = arith.cmpi eq, %iota3A_33, %eq3A_35 : vector<16xi32>
    %jit3A_37 = arith.constant -2147483648 : i32
    %broadcast_in_dim3A_38 = vector.broadcast %jit3A_37 : i32 to vector<16xi32>
    %select_n3A_39 = arith.select %eq3A_36, %get3A_32, %broadcast_in_dim3A_38 : vector<16xi1>, vector<16xi32>
    %reduce_max3A = arith.constant true
    %reduce_max3A_40 = vector.broadcast %reduce_max3A : i1 to vector<16xi1>
    %reduce_max3A_41 = arith.constant -2147483648 : i32
    %reduce_max3A_42 = vector.broadcast %reduce_max3A_41 : i32 to vector<16xi32>
    %reduce_max3A_43 = arith.xori %select_n3A_39, %reduce_max3A_42 : vector<16xi32>
    %reduce_max3A_44 = tpu.scan <max>, %reduce_max3A_43 masked %reduce_max3A_40 : vector<16xi32>, vector<16xi1> -> vector<16xi32>
    %reduce_max3A_45 = arith.xori %reduce_max3A_44, %reduce_max3A_42 : vector<16xi32>
    %reduce_max3A_46 = vector.extract %reduce_max3A_45[15] : i32 from vector<16xi32>
    %iota3A_47 = tpu.iota {dimensions = array<i32: 0>} : vector<16xi32>
    %eq3A_48 = arith.constant 1 : i32
    %eq3A_49 = vector.broadcast %eq3A_48 : i32 to vector<16xi32>
    %eq3A_50 = arith.cmpi eq, %iota3A_47, %eq3A_49 : vector<16xi32>
    %jit3A_51 = arith.constant -2147483648 : i32
    %broadcast_in_dim3A_52 = vector.broadcast %jit3A_51 : i32 to vector<16xi32>
    %select_n3A_53 = arith.select %eq3A_50, %get3A_32, %broadcast_in_dim3A_52 : vector<16xi1>, vector<16xi32>
    %reduce_max3A_54 = arith.constant true
    %reduce_max3A_55 = vector.broadcast %reduce_max3A_54 : i1 to vector<16xi1>
    %reduce_max3A_56 = arith.constant -2147483648 : i32
    %reduce_max3A_57 = vector.broadcast %reduce_max3A_56 : i32 to vector<16xi32>
    %reduce_max3A_58 = arith.xori %select_n3A_53, %reduce_max3A_57 : vector<16xi32>
    %reduce_max3A_59 = tpu.scan <max>, %reduce_max3A_58 masked %reduce_max3A_55 : vector<16xi32>, vector<16xi1> -> vector<16xi32>
    %reduce_max3A_60 = arith.xori %reduce_max3A_59, %reduce_max3A_57 : vector<16xi32>
    %reduce_max3A_61 = vector.extract %reduce_max3A_60[15] : i32 from vector<16xi32>
    %iota3A_62 = tpu.iota {dimensions = array<i32: 0>} : vector<16xi32>
    %eq3A_63 = arith.constant 2 : i32
    %eq3A_64 = vector.broadcast %eq3A_63 : i32 to vector<16xi32>
    %eq3A_65 = arith.cmpi eq, %iota3A_62, %eq3A_64 : vector<16xi32>
    %jit3A_66 = arith.constant -2147483648 : i32
    %broadcast_in_dim3A_67 = vector.broadcast %jit3A_66 : i32 to vector<16xi32>
    %select_n3A_68 = arith.select %eq3A_65, %get3A_32, %broadcast_in_dim3A_67 : vector<16xi1>, vector<16xi32>
    %reduce_max3A_69 = arith.constant true
    %reduce_max3A_70 = vector.broadcast %reduce_max3A_69 : i1 to vector<16xi1>
    %reduce_max3A_71 = arith.constant -2147483648 : i32
    %reduce_max3A_72 = vector.broadcast %reduce_max3A_71 : i32 to vector<16xi32>
    %reduce_max3A_73 = arith.xori %select_n3A_68, %reduce_max3A_72 : vector<16xi32>
    %reduce_max3A_74 = tpu.scan <max>, %reduce_max3A_73 masked %reduce_max3A_70 : vector<16xi32>, vector<16xi1> -> vector<16xi32>
    %reduce_max3A_75 = arith.xori %reduce_max3A_74, %reduce_max3A_72 : vector<16xi32>
    %reduce_max3A_76 = vector.extract %reduce_max3A_75[15] : i32 from vector<16xi32>
    %eq3A_77 = arith.constant 0 : i32
    %eq3A_78 = arith.cmpi eq, %select_n3A_30, %eq3A_77 : i32
    %dma_start3A = arith.constant 0 : i32
    %dma_start3A_79 = arith.constant 0 : i32
    %dma_start3A_80 = arith.constant 0 : i32
    %dma_start3A_81 = tpu.memref_slice %arg10[%dma_start3A_79, %dma_start3A_80] : memref<16x16xf32, #tpu.memory_space<vmem>> -> memref<1x1xf32, #tpu.memory_space<vmem>>
    %dma_start3A_82 = tpu.memref_squeeze %dma_start3A_81 : memref<1x1xf32, #tpu.memory_space<vmem>> -> memref<1xf32, #tpu.memory_space<vmem>>
    %dma_start3A_83 = tpu.memref_slice %arg2[%add3A, %dma_start3A, %reduce_max3A_46, %reduce_max3A_61] : memref<4x10x512x512xf32, #tpu.memory_space<hbm>> -> memref<1x1x1x1xf32, #tpu.memory_space<hbm>>
    %dma_start3A_84 = tpu.memref_squeeze %dma_start3A_83 : memref<1x1x1x1xf32, #tpu.memory_space<hbm>> -> memref<1xf32, #tpu.memory_space<hbm>>
    %dma_start3A_85 = arith.constant 0 : i32
    %dma_start3A_86 = tpu.memref_slice %arg10[%dma_start3A_79, %dma_start3A_85] : memref<16x16xf32, #tpu.memory_space<vmem>> -> memref<1x1xf32, #tpu.memory_space<vmem>>
    %dma_start3A_87 = tpu.memref_squeeze %dma_start3A_86 : memref<1x1xf32, #tpu.memory_space<vmem>> -> memref<1xf32, #tpu.memory_space<vmem>>
    %dma_start3A_88 = tpu.memref_slice %arg2[%add3A, %dma_start3A, %reduce_max3A_46, %reduce_max3A_61] : memref<4x10x512x512xf32, #tpu.memory_space<hbm>> -> memref<1x1x1x1xf32, #tpu.memory_space<hbm>>
    %dma_start3A_89 = tpu.memref_squeeze %dma_start3A_88 : memref<1x1x1x1xf32, #tpu.memory_space<hbm>> -> memref<1xf32, #tpu.memory_space<hbm>>
    tpu.enqueue_dma source(%dma_start3A_89 : memref<1xf32, #tpu.memory_space<hbm>>) target(%dma_start3A_87 : memref<1xf32, #tpu.memory_space<vmem>>) target_semaphore(%arg15 : memref<!tpu.dma_semaphore, #tpu.memory_space<semaphore_mem>>)
    %dma_start3A_90 = arith.constant 1 : i32
    %dma_start3A_91 = arith.constant 1 : i32
    %dma_start3A_92 = arith.constant 0 : i32
    %dma_start3A_93 = tpu.memref_slice %arg10[%dma_start3A_91, %dma_start3A_92] : memref<16x16xf32, #tpu.memory_space<vmem>> -> memref<1x1xf32, #tpu.memory_space<vmem>>
    %dma_start3A_94 = tpu.memref_squeeze %dma_start3A_93 : memref<1x1xf32, #tpu.memory_space<vmem>> -> memref<1xf32, #tpu.memory_space<vmem>>
    %dma_start3A_95 = tpu.memref_slice %arg2[%add3A, %dma_start3A_90, %reduce_max3A_46, %reduce_max3A_61] : memref<4x10x512x512xf32, #tpu.memory_space<hbm>> -> memref<1x1x1x1xf32, #tpu.memory_space<hbm>>
    %dma_start3A_96 = tpu.memref_squeeze %dma_start3A_95 : memref<1x1x1x1xf32, #tpu.memory_space<hbm>> -> memref<1xf32, #tpu.memory_space<hbm>>
    %dma_start3A_97 = arith.constant 0 : i32
    %dma_start3A_98 = tpu.memref_slice %arg10[%dma_start3A_91, %dma_start3A_97] : memref<16x16xf32, #tpu.memory_space<vmem>> -> memref<1x1xf32, #tpu.memory_space<vmem>>
    %dma_start3A_99 = tpu.memref_squeeze %dma_start3A_98 : memref<1x1xf32, #tpu.memory_space<vmem>> -> memref<1xf32, #tpu.memory_space<vmem>>
    %dma_start3A_100 = tpu.memref_slice %arg2[%add3A, %dma_start3A_90, %reduce_max3A_46, %reduce_max3A_61] : memref<4x10x512x512xf32, #tpu.memory_space<hbm>> -> memref<1x1x1x1xf32, #tpu.memory_space<hbm>>
    %dma_start3A_101 = tpu.memref_squeeze %dma_start3A_100 : memref<1x1x1x1xf32, #tpu.memory_space<hbm>> -> memref<1xf32, #tpu.memory_space<hbm>>
    tpu.enqueue_dma source(%dma_start3A_101 : memref<1xf32, #tpu.memory_space<hbm>>) target(%dma_start3A_99 : memref<1xf32, #tpu.memory_space<vmem>>) target_semaphore(%arg15 : memref<!tpu.dma_semaphore, #tpu.memory_space<semaphore_mem>>)
    %dma_start3A_102 = arith.constant 2 : i32
    %dma_start3A_103 = arith.constant 2 : i32
    %dma_start3A_104 = arith.constant 0 : i32
    %dma_start3A_105 = tpu.memref_slice %arg10[%dma_start3A_103, %dma_start3A_104] : memref<16x16xf32, #tpu.memory_space<vmem>> -> memref<1x1xf32, #tpu.memory_space<vmem>>
    %dma_start3A_106 = tpu.memref_squeeze %dma_start3A_105 : memref<1x1xf32, #tpu.memory_space<vmem>> -> memref<1xf32, #tpu.memory_space<vmem>>
    %dma_start3A_107 = tpu.memref_slice %arg2[%add3A, %dma_start3A_102, %reduce_max3A_46, %reduce_max3A_61] : memref<4x10x512x512xf32, #tpu.memory_space<hbm>> -> memref<1x1x1x1xf32, #tpu.memory_space<hbm>>
    %dma_start3A_108 = tpu.memref_squeeze %dma_start3A_107 : memref<1x1x1x1xf32, #tpu.memory_space<hbm>> -> memref<1xf32, #tpu.memory_space<hbm>>
    %dma_start3A_109 = arith.constant 0 : i32
    %dma_start3A_110 = tpu.memref_slice %arg10[%dma_start3A_103, %dma_start3A_109] : memref<16x16xf32, #tpu.memory_space<vmem>> -> memref<1x1xf32, #tpu.memory_space<vmem>>
    %dma_start3A_111 = tpu.memref_squeeze %dma_start3A_110 : memref<1x1xf32, #tpu.memory_space<vmem>> -> memref<1xf32, #tpu.memory_space<vmem>>
    %dma_start3A_112 = tpu.memref_slice %arg2[%add3A, %dma_start3A_102, %reduce_max3A_46, %reduce_max3A_61] : memref<4x10x512x512xf32, #tpu.memory_space<hbm>> -> memref<1x1x1x1xf32, #tpu.memory_space<hbm>>
    %dma_start3A_113 = tpu.memref_squeeze %dma_start3A_112 : memref<1x1x1x1xf32, #tpu.memory_space<hbm>> -> memref<1xf32, #tpu.memory_space<hbm>>
    tpu.enqueue_dma source(%dma_start3A_113 : memref<1xf32, #tpu.memory_space<hbm>>) target(%dma_start3A_111 : memref<1xf32, #tpu.memory_space<vmem>>) target_semaphore(%arg15 : memref<!tpu.dma_semaphore, #tpu.memory_space<semaphore_mem>>)
    %dma_start3A_114 = arith.constant 3 : i32
    %dma_start3A_115 = arith.constant 3 : i32
    %dma_start3A_116 = arith.constant 0 : i32
    %dma_start3A_117 = tpu.memref_slice %arg10[%dma_start3A_115, %dma_start3A_116] : memref<16x16xf32, #tpu.memory_space<vmem>> -> memref<1x1xf32, #tpu.memory_space<vmem>>
    %dma_start3A_118 = tpu.memref_squeeze %dma_start3A_117 : memref<1x1xf32, #tpu.memory_space<vmem>> -> memref<1xf32, #tpu.memory_space<vmem>>
    %dma_start3A_119 = tpu.memref_slice %arg2[%add3A, %dma_start3A_114, %reduce_max3A_46, %reduce_max3A_61] : memref<4x10x512x512xf32, #tpu.memory_space<hbm>> -> memref<1x1x1x1xf32, #tpu.memory_space<hbm>>
    %dma_start3A_120 = tpu.memref_squeeze %dma_start3A_119 : memref<1x1x1x1xf32, #tpu.memory_space<hbm>> -> memref<1xf32, #tpu.memory_space<hbm>>
    %dma_start3A_121 = arith.constant 0 : i32
    %dma_start3A_122 = tpu.memref_slice %arg10[%dma_start3A_115, %dma_start3A_121] : memref<16x16xf32, #tpu.memory_space<vmem>> -> memref<1x1xf32, #tpu.memory_space<vmem>>
    %dma_start3A_123 = tpu.memref_squeeze %dma_start3A_122 : memref<1x1xf32, #tpu.memory_space<vmem>> -> memref<1xf32, #tpu.memory_space<vmem>>
    %dma_start3A_124 = tpu.memref_slice %arg2[%add3A, %dma_start3A_114, %reduce_max3A_46, %reduce_max3A_61] : memref<4x10x512x512xf32, #tpu.memory_space<hbm>> -> memref<1x1x1x1xf32, #tpu.memory_space<hbm>>
    %dma_start3A_125 = tpu.memref_squeeze %dma_start3A_124 : memref<1x1x1x1xf32, #tpu.memory_space<hbm>> -> memref<1xf32, #tpu.memory_space<hbm>>
    tpu.enqueue_dma source(%dma_start3A_125 : memref<1xf32, #tpu.memory_space<hbm>>) target(%dma_start3A_123 : memref<1xf32, #tpu.memory_space<vmem>>) target_semaphore(%arg15 : memref<!tpu.dma_semaphore, #tpu.memory_space<semaphore_mem>>)
    %dma_start3A_126 = arith.constant 4 : i32
    %dma_start3A_127 = arith.constant 4 : i32
    %dma_start3A_128 = arith.constant 0 : i32
    %dma_start3A_129 = tpu.memref_slice %arg10[%dma_start3A_127, %dma_start3A_128] : memref<16x16xf32, #tpu.memory_space<vmem>> -> memref<1x1xf32, #tpu.memory_space<vmem>>
    %dma_start3A_130 = tpu.memref_squeeze %dma_start3A_129 : memref<1x1xf32, #tpu.memory_space<vmem>> -> memref<1xf32, #tpu.memory_space<vmem>>
    %dma_start3A_131 = tpu.memref_slice %arg2[%add3A, %dma_start3A_126, %reduce_max3A_46, %reduce_max3A_61] : memref<4x10x512x512xf32, #tpu.memory_space<hbm>> -> memref<1x1x1x1xf32, #tpu.memory_space<hbm>>
    %dma_start3A_132 = tpu.memref_squeeze %dma_start3A_131 : memref<1x1x1x1xf32, #tpu.memory_space<hbm>> -> memref<1xf32, #tpu.memory_space<hbm>>
    %dma_start3A_133 = arith.constant 0 : i32
    %dma_start3A_134 = tpu.memref_slice %arg10[%dma_start3A_127, %dma_start3A_133] : memref<16x16xf32, #tpu.memory_space<vmem>> -> memref<1x1xf32, #tpu.memory_space<vmem>>
    %dma_start3A_135 = tpu.memref_squeeze %dma_start3A_134 : memref<1x1xf32, #tpu.memory_space<vmem>> -> memref<1xf32, #tpu.memory_space<vmem>>
    %dma_start3A_136 = tpu.memref_slice %arg2[%add3A, %dma_start3A_126, %reduce_max3A_46, %reduce_max3A_61] : memref<4x10x512x512xf32, #tpu.memory_space<hbm>> -> memref<1x1x1x1xf32, #tpu.memory_space<hbm>>
    %dma_start3A_137 = tpu.memref_squeeze %dma_start3A_136 : memref<1x1x1x1xf32, #tpu.memory_space<hbm>> -> memref<1xf32, #tpu.memory_space<hbm>>
    tpu.enqueue_dma source(%dma_start3A_137 : memref<1xf32, #tpu.memory_space<hbm>>) target(%dma_start3A_135 : memref<1xf32, #tpu.memory_space<vmem>>) target_semaphore(%arg15 : memref<!tpu.dma_semaphore, #tpu.memory_space<semaphore_mem>>)
    %dma_start3A_138 = arith.constant 5 : i32
    %dma_start3A_139 = arith.constant 5 : i32
    %dma_start3A_140 = arith.constant 0 : i32
    %dma_start3A_141 = tpu.memref_slice %arg10[%dma_start3A_139, %dma_start3A_140] : memref<16x16xf32, #tpu.memory_space<vmem>> -> memref<1x1xf32, #tpu.memory_space<vmem>>
    %dma_start3A_142 = tpu.memref_squeeze %dma_start3A_141 : memref<1x1xf32, #tpu.memory_space<vmem>> -> memref<1xf32, #tpu.memory_space<vmem>>
    %dma_start3A_143 = tpu.memref_slice %arg2[%add3A, %dma_start3A_138, %reduce_max3A_46, %reduce_max3A_61] : memref<4x10x512x512xf32, #tpu.memory_space<hbm>> -> memref<1x1x1x1xf32, #tpu.memory_space<hbm>>
    %dma_start3A_144 = tpu.memref_squeeze %dma_start3A_143 : memref<1x1x1x1xf32, #tpu.memory_space<hbm>> -> memref<1xf32, #tpu.memory_space<hbm>>
    %dma_start3A_145 = arith.constant 0 : i32
    %dma_start3A_146 = tpu.memref_slice %arg10[%dma_start3A_139, %dma_start3A_145] : memref<16x16xf32, #tpu.memory_space<vmem>> -> memref<1x1xf32, #tpu.memory_space<vmem>>
    %dma_start3A_147 = tpu.memref_squeeze %dma_start3A_146 : memref<1x1xf32, #tpu.memory_space<vmem>> -> memref<1xf32, #tpu.memory_space<vmem>>
    %dma_start3A_148 = tpu.memref_slice %arg2[%add3A, %dma_start3A_138, %reduce_max3A_46, %reduce_max3A_61] : memref<4x10x512x512xf32, #tpu.memory_space<hbm>> -> memref<1x1x1x1xf32, #tpu.memory_space<hbm>>
    %dma_start3A_149 = tpu.memref_squeeze %dma_start3A_148 : memref<1x1x1x1xf32, #tpu.memory_space<hbm>> -> memref<1xf32, #tpu.memory_space<hbm>>
    tpu.enqueue_dma source(%dma_start3A_149 : memref<1xf32, #tpu.memory_space<hbm>>) target(%dma_start3A_147 : memref<1xf32, #tpu.memory_space<vmem>>) target_semaphore(%arg15 : memref<!tpu.dma_semaphore, #tpu.memory_space<semaphore_mem>>)
    %dma_start3A_150 = arith.constant 6 : i32
    %dma_start3A_151 = arith.constant 6 : i32
    %dma_start3A_152 = arith.constant 0 : i32
    %dma_start3A_153 = tpu.memref_slice %arg10[%dma_start3A_151, %dma_start3A_152] : memref<16x16xf32, #tpu.memory_space<vmem>> -> memref<1x1xf32, #tpu.memory_space<vmem>>
    %dma_start3A_154 = tpu.memref_squeeze %dma_start3A_153 : memref<1x1xf32, #tpu.memory_space<vmem>> -> memref<1xf32, #tpu.memory_space<vmem>>
    %dma_start3A_155 = tpu.memref_slice %arg2[%add3A, %dma_start3A_150, %reduce_max3A_46, %reduce_max3A_61] : memref<4x10x512x512xf32, #tpu.memory_space<hbm>> -> memref<1x1x1x1xf32, #tpu.memory_space<hbm>>
    %dma_start3A_156 = tpu.memref_squeeze %dma_start3A_155 : memref<1x1x1x1xf32, #tpu.memory_space<hbm>> -> memref<1xf32, #tpu.memory_space<hbm>>
    %dma_start3A_157 = arith.constant 0 : i32
    %dma_start3A_158 = tpu.memref_slice %arg10[%dma_start3A_151, %dma_start3A_157] : memref<16x16xf32, #tpu.memory_space<vmem>> -> memref<1x1xf32, #tpu.memory_space<vmem>>
    %dma_start3A_159 = tpu.memref_squeeze %dma_start3A_158 : memref<1x1xf32, #tpu.memory_space<vmem>> -> memref<1xf32, #tpu.memory_space<vmem>>
    %dma_start3A_160 = tpu.memref_slice %arg2[%add3A, %dma_start3A_150, %reduce_max3A_46, %reduce_max3A_61] : memref<4x10x512x512xf32, #tpu.memory_space<hbm>> -> memref<1x1x1x1xf32, #tpu.memory_space<hbm>>
    %dma_start3A_161 = tpu.memref_squeeze %dma_start3A_160 : memref<1x1x1x1xf32, #tpu.memory_space<hbm>> -> memref<1xf32, #tpu.memory_space<hbm>>
    tpu.enqueue_dma source(%dma_start3A_161 : memref<1xf32, #tpu.memory_space<hbm>>) target(%dma_start3A_159 : memref<1xf32, #tpu.memory_space<vmem>>) target_semaphore(%arg15 : memref<!tpu.dma_semaphore, #tpu.memory_space<semaphore_mem>>)
    %dma_start3A_162 = arith.constant 7 : i32
    %dma_start3A_163 = arith.constant 7 : i32
    %dma_start3A_164 = arith.constant 0 : i32
    %dma_start3A_165 = tpu.memref_slice %arg10[%dma_start3A_163, %dma_start3A_164] : memref<16x16xf32, #tpu.memory_space<vmem>> -> memref<1x1xf32, #tpu.memory_space<vmem>>
    %dma_start3A_166 = tpu.memref_squeeze %dma_start3A_165 : memref<1x1xf32, #tpu.memory_space<vmem>> -> memref<1xf32, #tpu.memory_space<vmem>>
    %dma_start3A_167 = tpu.memref_slice %arg2[%add3A, %dma_start3A_162, %reduce_max3A_46, %reduce_max3A_61] : memref<4x10x512x512xf32, #tpu.memory_space<hbm>> -> memref<1x1x1x1xf32, #tpu.memory_space<hbm>>
    %dma_start3A_168 = tpu.memref_squeeze %dma_start3A_167 : memref<1x1x1x1xf32, #tpu.memory_space<hbm>> -> memref<1xf32, #tpu.memory_space<hbm>>
    %dma_start3A_169 = arith.constant 0 : i32
    %dma_start3A_170 = tpu.memref_slice %arg10[%dma_start3A_163, %dma_start3A_169] : memref<16x16xf32, #tpu.memory_space<vmem>> -> memref<1x1xf32, #tpu.memory_space<vmem>>
    %dma_start3A_171 = tpu.memref_squeeze %dma_start3A_170 : memref<1x1xf32, #tpu.memory_space<vmem>> -> memref<1xf32, #tpu.memory_space<vmem>>
    %dma_start3A_172 = tpu.memref_slice %arg2[%add3A, %dma_start3A_162, %reduce_max3A_46, %reduce_max3A_61] : memref<4x10x512x512xf32, #tpu.memory_space<hbm>> -> memref<1x1x1x1xf32, #tpu.memory_space<hbm>>
    %dma_start3A_173 = tpu.memref_squeeze %dma_start3A_172 : memref<1x1x1x1xf32, #tpu.memory_space<hbm>> -> memref<1xf32, #tpu.memory_space<hbm>>
    tpu.enqueue_dma source(%dma_start3A_173 : memref<1xf32, #tpu.memory_space<hbm>>) target(%dma_start3A_171 : memref<1xf32, #tpu.memory_space<vmem>>) target_semaphore(%arg15 : memref<!tpu.dma_semaphore, #tpu.memory_space<semaphore_mem>>)
    %dma_start3A_174 = arith.constant 8 : i32
    %dma_start3A_175 = arith.constant 8 : i32
    %dma_start3A_176 = arith.constant 0 : i32
    %dma_start3A_177 = tpu.memref_slice %arg10[%dma_start3A_175, %dma_start3A_176] : memref<16x16xf32, #tpu.memory_space<vmem>> -> memref<1x1xf32, #tpu.memory_space<vmem>>
    %dma_start3A_178 = tpu.memref_squeeze %dma_start3A_177 : memref<1x1xf32, #tpu.memory_space<vmem>> -> memref<1xf32, #tpu.memory_space<vmem>>
    %dma_start3A_179 = tpu.memref_slice %arg2[%add3A, %dma_start3A_174, %reduce_max3A_46, %reduce_max3A_61] : memref<4x10x512x512xf32, #tpu.memory_space<hbm>> -> memref<1x1x1x1xf32, #tpu.memory_space<hbm>>
    %dma_start3A_180 = tpu.memref_squeeze %dma_start3A_179 : memref<1x1x1x1xf32, #tpu.memory_space<hbm>> -> memref<1xf32, #tpu.memory_space<hbm>>
    %dma_start3A_181 = arith.constant 0 : i32
    %dma_start3A_182 = tpu.memref_slice %arg10[%dma_start3A_175, %dma_start3A_181] : memref<16x16xf32, #tpu.memory_space<vmem>> -> memref<1x1xf32, #tpu.memory_space<vmem>>
    %dma_start3A_183 = tpu.memref_squeeze %dma_start3A_182 : memref<1x1xf32, #tpu.memory_space<vmem>> -> memref<1xf32, #tpu.memory_space<vmem>>
    %dma_start3A_184 = tpu.memref_slice %arg2[%add3A, %dma_start3A_174, %reduce_max3A_46, %reduce_max3A_61] : memref<4x10x512x512xf32, #tpu.memory_space<hbm>> -> memref<1x1x1x1xf32, #tpu.memory_space<hbm>>
    %dma_start3A_185 = tpu.memref_squeeze %dma_start3A_184 : memref<1x1x1x1xf32, #tpu.memory_space<hbm>> -> memref<1xf32, #tpu.memory_space<hbm>>
    tpu.enqueue_dma source(%dma_start3A_185 : memref<1xf32, #tpu.memory_space<hbm>>) target(%dma_start3A_183 : memref<1xf32, #tpu.memory_space<vmem>>) target_semaphore(%arg15 : memref<!tpu.dma_semaphore, #tpu.memory_space<semaphore_mem>>)
    %dma_start3A_186 = arith.constant 9 : i32
    %dma_start3A_187 = arith.constant 9 : i32
    %dma_start3A_188 = arith.constant 0 : i32
    %dma_start3A_189 = tpu.memref_slice %arg10[%dma_start3A_187, %dma_start3A_188] : memref<16x16xf32, #tpu.memory_space<vmem>> -> memref<1x1xf32, #tpu.memory_space<vmem>>
    %dma_start3A_190 = tpu.memref_squeeze %dma_start3A_189 : memref<1x1xf32, #tpu.memory_space<vmem>> -> memref<1xf32, #tpu.memory_space<vmem>>
    %dma_start3A_191 = tpu.memref_slice %arg2[%add3A, %dma_start3A_186, %reduce_max3A_46, %reduce_max3A_61] : memref<4x10x512x512xf32, #tpu.memory_space<hbm>> -> memref<1x1x1x1xf32, #tpu.memory_space<hbm>>
    %dma_start3A_192 = tpu.memref_squeeze %dma_start3A_191 : memref<1x1x1x1xf32, #tpu.memory_space<hbm>> -> memref<1xf32, #tpu.memory_space<hbm>>
    %dma_start3A_193 = arith.constant 0 : i32
    %dma_start3A_194 = tpu.memref_slice %arg10[%dma_start3A_187, %dma_start3A_193] : memref<16x16xf32, #tpu.memory_space<vmem>> -> memref<1x1xf32, #tpu.memory_space<vmem>>
    %dma_start3A_195 = tpu.memref_squeeze %dma_start3A_194 : memref<1x1xf32, #tpu.memory_space<vmem>> -> memref<1xf32, #tpu.memory_space<vmem>>
    %dma_start3A_196 = tpu.memref_slice %arg2[%add3A, %dma_start3A_186, %reduce_max3A_46, %reduce_max3A_61] : memref<4x10x512x512xf32, #tpu.memory_space<hbm>> -> memref<1x1x1x1xf32, #tpu.memory_space<hbm>>
    %dma_start3A_197 = tpu.memref_squeeze %dma_start3A_196 : memref<1x1x1x1xf32, #tpu.memory_space<hbm>> -> memref<1xf32, #tpu.memory_space<hbm>>
    tpu.enqueue_dma source(%dma_start3A_197 : memref<1xf32, #tpu.memory_space<hbm>>) target(%dma_start3A_195 : memref<1xf32, #tpu.memory_space<vmem>>) target_semaphore(%arg15 : memref<!tpu.dma_semaphore, #tpu.memory_space<semaphore_mem>>)
    %dma_wait3A = arith.constant 0 : i32
    %dma_wait3A_198 = arith.constant 0 : i32
    %dma_wait3A_199 = arith.constant 0 : i32
    %dma_wait3A_200 = tpu.memref_slice %arg10[%dma_wait3A_198, %dma_wait3A_199] : memref<16x16xf32, #tpu.memory_space<vmem>> -> memref<1x1xf32, #tpu.memory_space<vmem>>
    %dma_wait3A_201 = tpu.memref_squeeze %dma_wait3A_200 : memref<1x1xf32, #tpu.memory_space<vmem>> -> memref<1xf32, #tpu.memory_space<vmem>>
    %dma_wait3A_202 = tpu.memref_slice %arg2[%add3A, %dma_wait3A, %reduce_max3A_46, %reduce_max3A_61] : memref<4x10x512x512xf32, #tpu.memory_space<hbm>> -> memref<1x1x1x1xf32, #tpu.memory_space<hbm>>
    %dma_wait3A_203 = tpu.memref_squeeze %dma_wait3A_202 : memref<1x1x1x1xf32, #tpu.memory_space<hbm>> -> memref<1xf32, #tpu.memory_space<hbm>>
    %dma_wait3A_204 = arith.constant 0 : i32
    %dma_wait3A_205 = tpu.memref_slice %arg10[%dma_wait3A_198, %dma_wait3A_204] : memref<16x16xf32, #tpu.memory_space<vmem>> -> memref<1x1xf32, #tpu.memory_space<vmem>>
    %dma_wait3A_206 = tpu.memref_squeeze %dma_wait3A_205 : memref<1x1xf32, #tpu.memory_space<vmem>> -> memref<1xf32, #tpu.memory_space<vmem>>
    %dma_wait3A_207 = tpu.memref_slice %arg2[%add3A, %dma_wait3A, %reduce_max3A_46, %reduce_max3A_61] : memref<4x10x512x512xf32, #tpu.memory_space<hbm>> -> memref<1x1x1x1xf32, #tpu.memory_space<hbm>>
    %dma_wait3A_208 = tpu.memref_squeeze %dma_wait3A_207 : memref<1x1x1x1xf32, #tpu.memory_space<hbm>> -> memref<1xf32, #tpu.memory_space<hbm>>
    tpu.wait_dma2 semaphore(%arg15 : memref<!tpu.dma_semaphore, #tpu.memory_space<semaphore_mem>>) src(%dma_wait3A_208 : memref<1xf32, #tpu.memory_space<hbm>>) dst(%dma_wait3A_206 : memref<1xf32, #tpu.memory_space<vmem>>)
    %dma_wait3A_209 = arith.constant 1 : i32
    %dma_wait3A_210 = arith.constant 1 : i32
    %dma_wait3A_211 = arith.constant 0 : i32
    %dma_wait3A_212 = tpu.memref_slice %arg10[%dma_wait3A_210, %dma_wait3A_211] : memref<16x16xf32, #tpu.memory_space<vmem>> -> memref<1x1xf32, #tpu.memory_space<vmem>>
    %dma_wait3A_213 = tpu.memref_squeeze %dma_wait3A_212 : memref<1x1xf32, #tpu.memory_space<vmem>> -> memref<1xf32, #tpu.memory_space<vmem>>
    %dma_wait3A_214 = tpu.memref_slice %arg2[%add3A, %dma_wait3A_209, %reduce_max3A_46, %reduce_max3A_61] : memref<4x10x512x512xf32, #tpu.memory_space<hbm>> -> memref<1x1x1x1xf32, #tpu.memory_space<hbm>>
    %dma_wait3A_215 = tpu.memref_squeeze %dma_wait3A_214 : memref<1x1x1x1xf32, #tpu.memory_space<hbm>> -> memref<1xf32, #tpu.memory_space<hbm>>
    %dma_wait3A_216 = arith.constant 0 : i32
    %dma_wait3A_217 = tpu.memref_slice %arg10[%dma_wait3A_210, %dma_wait3A_216] : memref<16x16xf32, #tpu.memory_space<vmem>> -> memref<1x1xf32, #tpu.memory_space<vmem>>
    %dma_wait3A_218 = tpu.memref_squeeze %dma_wait3A_217 : memref<1x1xf32, #tpu.memory_space<vmem>> -> memref<1xf32, #tpu.memory_space<vmem>>
    %dma_wait3A_219 = tpu.memref_slice %arg2[%add3A, %dma_wait3A_209, %reduce_max3A_46, %reduce_max3A_61] : memref<4x10x512x512xf32, #tpu.memory_space<hbm>> -> memref<1x1x1x1xf32, #tpu.memory_space<hbm>>
    %dma_wait3A_220 = tpu.memref_squeeze %dma_wait3A_219 : memref<1x1x1x1xf32, #tpu.memory_space<hbm>> -> memref<1xf32, #tpu.memory_space<hbm>>
    tpu.wait_dma2 semaphore(%arg15 : memref<!tpu.dma_semaphore, #tpu.memory_space<semaphore_mem>>) src(%dma_wait3A_220 : memref<1xf32, #tpu.memory_space<hbm>>) dst(%dma_wait3A_218 : memref<1xf32, #tpu.memory_space<vmem>>)
    %dma_wait3A_221 = arith.constant 2 : i32
    %dma_wait3A_222 = arith.constant 2 : i32
    %dma_wait3A_223 = arith.constant 0 : i32
    %dma_wait3A_224 = tpu.memref_slice %arg10[%dma_wait3A_222, %dma_wait3A_223] : memref<16x16xf32, #tpu.memory_space<vmem>> -> memref<1x1xf32, #tpu.memory_space<vmem>>
    %dma_wait3A_225 = tpu.memref_squeeze %dma_wait3A_224 : memref<1x1xf32, #tpu.memory_space<vmem>> -> memref<1xf32, #tpu.memory_space<vmem>>
    %dma_wait3A_226 = tpu.memref_slice %arg2[%add3A, %dma_wait3A_221, %reduce_max3A_46, %reduce_max3A_61] : memref<4x10x512x512xf32, #tpu.memory_space<hbm>> -> memref<1x1x1x1xf32, #tpu.memory_space<hbm>>
    %dma_wait3A_227 = tpu.memref_squeeze %dma_wait3A_226 : memref<1x1x1x1xf32, #tpu.memory_space<hbm>> -> memref<1xf32, #tpu.memory_space<hbm>>
    %dma_wait3A_228 = arith.constant 0 : i32
    %dma_wait3A_229 = tpu.memref_slice %arg10[%dma_wait3A_222, %dma_wait3A_228] : memref<16x16xf32, #tpu.memory_space<vmem>> -> memref<1x1xf32, #tpu.memory_space<vmem>>
    %dma_wait3A_230 = tpu.memref_squeeze %dma_wait3A_229 : memref<1x1xf32, #tpu.memory_space<vmem>> -> memref<1xf32, #tpu.memory_space<vmem>>
    %dma_wait3A_231 = tpu.memref_slice %arg2[%add3A, %dma_wait3A_221, %reduce_max3A_46, %reduce_max3A_61] : memref<4x10x512x512xf32, #tpu.memory_space<hbm>> -> memref<1x1x1x1xf32, #tpu.memory_space<hbm>>
    %dma_wait3A_232 = tpu.memref_squeeze %dma_wait3A_231 : memref<1x1x1x1xf32, #tpu.memory_space<hbm>> -> memref<1xf32, #tpu.memory_space<hbm>>
    tpu.wait_dma2 semaphore(%arg15 : memref<!tpu.dma_semaphore, #tpu.memory_space<semaphore_mem>>) src(%dma_wait3A_232 : memref<1xf32, #tpu.memory_space<hbm>>) dst(%dma_wait3A_230 : memref<1xf32, #tpu.memory_space<vmem>>)
    %dma_wait3A_233 = arith.constant 3 : i32
    %dma_wait3A_234 = arith.constant 3 : i32
    %dma_wait3A_235 = arith.constant 0 : i32
    %dma_wait3A_236 = tpu.memref_slice %arg10[%dma_wait3A_234, %dma_wait3A_235] : memref<16x16xf32, #tpu.memory_space<vmem>> -> memref<1x1xf32, #tpu.memory_space<vmem>>
    %dma_wait3A_237 = tpu.memref_squeeze %dma_wait3A_236 : memref<1x1xf32, #tpu.memory_space<vmem>> -> memref<1xf32, #tpu.memory_space<vmem>>
    %dma_wait3A_238 = tpu.memref_slice %arg2[%add3A, %dma_wait3A_233, %reduce_max3A_46, %reduce_max3A_61] : memref<4x10x512x512xf32, #tpu.memory_space<hbm>> -> memref<1x1x1x1xf32, #tpu.memory_space<hbm>>
    %dma_wait3A_239 = tpu.memref_squeeze %dma_wait3A_238 : memref<1x1x1x1xf32, #tpu.memory_space<hbm>> -> memref<1xf32, #tpu.memory_space<hbm>>
    %dma_wait3A_240 = arith.constant 0 : i32
    %dma_wait3A_241 = tpu.memref_slice %arg10[%dma_wait3A_234, %dma_wait3A_240] : memref<16x16xf32, #tpu.memory_space<vmem>> -> memref<1x1xf32, #tpu.memory_space<vmem>>
    %dma_wait3A_242 = tpu.memref_squeeze %dma_wait3A_241 : memref<1x1xf32, #tpu.memory_space<vmem>> -> memref<1xf32, #tpu.memory_space<vmem>>
    %dma_wait3A_243 = tpu.memref_slice %arg2[%add3A, %dma_wait3A_233, %reduce_max3A_46, %reduce_max3A_61] : memref<4x10x512x512xf32, #tpu.memory_space<hbm>> -> memref<1x1x1x1xf32, #tpu.memory_space<hbm>>
    %dma_wait3A_244 = tpu.memref_squeeze %dma_wait3A_243 : memref<1x1x1x1xf32, #tpu.memory_space<hbm>> -> memref<1xf32, #tpu.memory_space<hbm>>
    tpu.wait_dma2 semaphore(%arg15 : memref<!tpu.dma_semaphore, #tpu.memory_space<semaphore_mem>>) src(%dma_wait3A_244 : memref<1xf32, #tpu.memory_space<hbm>>) dst(%dma_wait3A_242 : memref<1xf32, #tpu.memory_space<vmem>>)
    %dma_wait3A_245 = arith.constant 4 : i32
    %dma_wait3A_246 = arith.constant 4 : i32
    %dma_wait3A_247 = arith.constant 0 : i32
    %dma_wait3A_248 = tpu.memref_slice %arg10[%dma_wait3A_246, %dma_wait3A_247] : memref<16x16xf32, #tpu.memory_space<vmem>> -> memref<1x1xf32, #tpu.memory_space<vmem>>
    %dma_wait3A_249 = tpu.memref_squeeze %dma_wait3A_248 : memref<1x1xf32, #tpu.memory_space<vmem>> -> memref<1xf32, #tpu.memory_space<vmem>>
    %dma_wait3A_250 = tpu.memref_slice %arg2[%add3A, %dma_wait3A_245, %reduce_max3A_46, %reduce_max3A_61] : memref<4x10x512x512xf32, #tpu.memory_space<hbm>> -> memref<1x1x1x1xf32, #tpu.memory_space<hbm>>
    %dma_wait3A_251 = tpu.memref_squeeze %dma_wait3A_250 : memref<1x1x1x1xf32, #tpu.memory_space<hbm>> -> memref<1xf32, #tpu.memory_space<hbm>>
    %dma_wait3A_252 = arith.constant 0 : i32
    %dma_wait3A_253 = tpu.memref_slice %arg10[%dma_wait3A_246, %dma_wait3A_252] : memref<16x16xf32, #tpu.memory_space<vmem>> -> memref<1x1xf32, #tpu.memory_space<vmem>>
    %dma_wait3A_254 = tpu.memref_squeeze %dma_wait3A_253 : memref<1x1xf32, #tpu.memory_space<vmem>> -> memref<1xf32, #tpu.memory_space<vmem>>
    %dma_wait3A_255 = tpu.memref_slice %arg2[%add3A, %dma_wait3A_245, %reduce_max3A_46, %reduce_max3A_61] : memref<4x10x512x512xf32, #tpu.memory_space<hbm>> -> memref<1x1x1x1xf32, #tpu.memory_space<hbm>>
    %dma_wait3A_256 = tpu.memref_squeeze %dma_wait3A_255 : memref<1x1x1x1xf32, #tpu.memory_space<hbm>> -> memref<1xf32, #tpu.memory_space<hbm>>
    tpu.wait_dma2 semaphore(%arg15 : memref<!tpu.dma_semaphore, #tpu.memory_space<semaphore_mem>>) src(%dma_wait3A_256 : memref<1xf32, #tpu.memory_space<hbm>>) dst(%dma_wait3A_254 : memref<1xf32, #tpu.memory_space<vmem>>)
    %dma_wait3A_257 = arith.constant 5 : i32
    %dma_wait3A_258 = arith.constant 5 : i32
    %dma_wait3A_259 = arith.constant 0 : i32
    %dma_wait3A_260 = tpu.memref_slice %arg10[%dma_wait3A_258, %dma_wait3A_259] : memref<16x16xf32, #tpu.memory_space<vmem>> -> memref<1x1xf32, #tpu.memory_space<vmem>>
    %dma_wait3A_261 = tpu.memref_squeeze %dma_wait3A_260 : memref<1x1xf32, #tpu.memory_space<vmem>> -> memref<1xf32, #tpu.memory_space<vmem>>
    %dma_wait3A_262 = tpu.memref_slice %arg2[%add3A, %dma_wait3A_257, %reduce_max3A_46, %reduce_max3A_61] : memref<4x10x512x512xf32, #tpu.memory_space<hbm>> -> memref<1x1x1x1xf32, #tpu.memory_space<hbm>>
    %dma_wait3A_263 = tpu.memref_squeeze %dma_wait3A_262 : memref<1x1x1x1xf32, #tpu.memory_space<hbm>> -> memref<1xf32, #tpu.memory_space<hbm>>
    %dma_wait3A_264 = arith.constant 0 : i32
    %dma_wait3A_265 = tpu.memref_slice %arg10[%dma_wait3A_258, %dma_wait3A_264] : memref<16x16xf32, #tpu.memory_space<vmem>> -> memref<1x1xf32, #tpu.memory_space<vmem>>
    %dma_wait3A_266 = tpu.memref_squeeze %dma_wait3A_265 : memref<1x1xf32, #tpu.memory_space<vmem>> -> memref<1xf32, #tpu.memory_space<vmem>>
    %dma_wait3A_267 = tpu.memref_slice %arg2[%add3A, %dma_wait3A_257, %reduce_max3A_46, %reduce_max3A_61] : memref<4x10x512x512xf32, #tpu.memory_space<hbm>> -> memref<1x1x1x1xf32, #tpu.memory_space<hbm>>
    %dma_wait3A_268 = tpu.memref_squeeze %dma_wait3A_267 : memref<1x1x1x1xf32, #tpu.memory_space<hbm>> -> memref<1xf32, #tpu.memory_space<hbm>>
    tpu.wait_dma2 semaphore(%arg15 : memref<!tpu.dma_semaphore, #tpu.memory_space<semaphore_mem>>) src(%dma_wait3A_268 : memref<1xf32, #tpu.memory_space<hbm>>) dst(%dma_wait3A_266 : memref<1xf32, #tpu.memory_space<vmem>>)
    %dma_wait3A_269 = arith.constant 6 : i32
    %dma_wait3A_270 = arith.constant 6 : i32
    %dma_wait3A_271 = arith.constant 0 : i32
    %dma_wait3A_272 = tpu.memref_slice %arg10[%dma_wait3A_270, %dma_wait3A_271] : memref<16x16xf32, #tpu.memory_space<vmem>> -> memref<1x1xf32, #tpu.memory_space<vmem>>
    %dma_wait3A_273 = tpu.memref_squeeze %dma_wait3A_272 : memref<1x1xf32, #tpu.memory_space<vmem>> -> memref<1xf32, #tpu.memory_space<vmem>>
    %dma_wait3A_274 = tpu.memref_slice %arg2[%add3A, %dma_wait3A_269, %reduce_max3A_46, %reduce_max3A_61] : memref<4x10x512x512xf32, #tpu.memory_space<hbm>> -> memref<1x1x1x1xf32, #tpu.memory_space<hbm>>
    %dma_wait3A_275 = tpu.memref_squeeze %dma_wait3A_274 : memref<1x1x1x1xf32, #tpu.memory_space<hbm>> -> memref<1xf32, #tpu.memory_space<hbm>>
    %dma_wait3A_276 = arith.constant 0 : i32
    %dma_wait3A_277 = tpu.memref_slice %arg10[%dma_wait3A_270, %dma_wait3A_276] : memref<16x16xf32, #tpu.memory_space<vmem>> -> memref<1x1xf32, #tpu.memory_space<vmem>>
    %dma_wait3A_278 = tpu.memref_squeeze %dma_wait3A_277 : memref<1x1xf32, #tpu.memory_space<vmem>> -> memref<1xf32, #tpu.memory_space<vmem>>
    %dma_wait3A_279 = tpu.memref_slice %arg2[%add3A, %dma_wait3A_269, %reduce_max3A_46, %reduce_max3A_61] : memref<4x10x512x512xf32, #tpu.memory_space<hbm>> -> memref<1x1x1x1xf32, #tpu.memory_space<hbm>>
    %dma_wait3A_280 = tpu.memref_squeeze %dma_wait3A_279 : memref<1x1x1x1xf32, #tpu.memory_space<hbm>> -> memref<1xf32, #tpu.memory_space<hbm>>
    tpu.wait_dma2 semaphore(%arg15 : memref<!tpu.dma_semaphore, #tpu.memory_space<semaphore_mem>>) src(%dma_wait3A_280 : memref<1xf32, #tpu.memory_space<hbm>>) dst(%dma_wait3A_278 : memref<1xf32, #tpu.memory_space<vmem>>)
    %dma_wait3A_281 = arith.constant 7 : i32
    %dma_wait3A_282 = arith.constant 7 : i32
    %dma_wait3A_283 = arith.constant 0 : i32
    %dma_wait3A_284 = tpu.memref_slice %arg10[%dma_wait3A_282, %dma_wait3A_283] : memref<16x16xf32, #tpu.memory_space<vmem>> -> memref<1x1xf32, #tpu.memory_space<vmem>>
    %dma_wait3A_285 = tpu.memref_squeeze %dma_wait3A_284 : memref<1x1xf32, #tpu.memory_space<vmem>> -> memref<1xf32, #tpu.memory_space<vmem>>
    %dma_wait3A_286 = tpu.memref_slice %arg2[%add3A, %dma_wait3A_281, %reduce_max3A_46, %reduce_max3A_61] : memref<4x10x512x512xf32, #tpu.memory_space<hbm>> -> memref<1x1x1x1xf32, #tpu.memory_space<hbm>>
    %dma_wait3A_287 = tpu.memref_squeeze %dma_wait3A_286 : memref<1x1x1x1xf32, #tpu.memory_space<hbm>> -> memref<1xf32, #tpu.memory_space<hbm>>
    %dma_wait3A_288 = arith.constant 0 : i32
    %dma_wait3A_289 = tpu.memref_slice %arg10[%dma_wait3A_282, %dma_wait3A_288] : memref<16x16xf32, #tpu.memory_space<vmem>> -> memref<1x1xf32, #tpu.memory_space<vmem>>
    %dma_wait3A_290 = tpu.memref_squeeze %dma_wait3A_289 : memref<1x1xf32, #tpu.memory_space<vmem>> -> memref<1xf32, #tpu.memory_space<vmem>>
    %dma_wait3A_291 = tpu.memref_slice %arg2[%add3A, %dma_wait3A_281, %reduce_max3A_46, %reduce_max3A_61] : memref<4x10x512x512xf32, #tpu.memory_space<hbm>> -> memref<1x1x1x1xf32, #tpu.memory_space<hbm>>
    %dma_wait3A_292 = tpu.memref_squeeze %dma_wait3A_291 : memref<1x1x1x1xf32, #tpu.memory_space<hbm>> -> memref<1xf32, #tpu.memory_space<hbm>>
    tpu.wait_dma2 semaphore(%arg15 : memref<!tpu.dma_semaphore, #tpu.memory_space<semaphore_mem>>) src(%dma_wait3A_292 : memref<1xf32, #tpu.memory_space<hbm>>) dst(%dma_wait3A_290 : memref<1xf32, #tpu.memory_space<vmem>>)
    %dma_wait3A_293 = arith.constant 8 : i32
    %dma_wait3A_294 = arith.constant 8 : i32
    %dma_wait3A_295 = arith.constant 0 : i32
    %dma_wait3A_296 = tpu.memref_slice %arg10[%dma_wait3A_294, %dma_wait3A_295] : memref<16x16xf32, #tpu.memory_space<vmem>> -> memref<1x1xf32, #tpu.memory_space<vmem>>
    %dma_wait3A_297 = tpu.memref_squeeze %dma_wait3A_296 : memref<1x1xf32, #tpu.memory_space<vmem>> -> memref<1xf32, #tpu.memory_space<vmem>>
    %dma_wait3A_298 = tpu.memref_slice %arg2[%add3A, %dma_wait3A_293, %reduce_max3A_46, %reduce_max3A_61] : memref<4x10x512x512xf32, #tpu.memory_space<hbm>> -> memref<1x1x1x1xf32, #tpu.memory_space<hbm>>
    %dma_wait3A_299 = tpu.memref_squeeze %dma_wait3A_298 : memref<1x1x1x1xf32, #tpu.memory_space<hbm>> -> memref<1xf32, #tpu.memory_space<hbm>>
    %dma_wait3A_300 = arith.constant 0 : i32
    %dma_wait3A_301 = tpu.memref_slice %arg10[%dma_wait3A_294, %dma_wait3A_300] : memref<16x16xf32, #tpu.memory_space<vmem>> -> memref<1x1xf32, #tpu.memory_space<vmem>>
    %dma_wait3A_302 = tpu.memref_squeeze %dma_wait3A_301 : memref<1x1xf32, #tpu.memory_space<vmem>> -> memref<1xf32, #tpu.memory_space<vmem>>
    %dma_wait3A_303 = tpu.memref_slice %arg2[%add3A, %dma_wait3A_293, %reduce_max3A_46, %reduce_max3A_61] : memref<4x10x512x512xf32, #tpu.memory_space<hbm>> -> memref<1x1x1x1xf32, #tpu.memory_space<hbm>>
    %dma_wait3A_304 = tpu.memref_squeeze %dma_wait3A_303 : memref<1x1x1x1xf32, #tpu.memory_space<hbm>> -> memref<1xf32, #tpu.memory_space<hbm>>
    tpu.wait_dma2 semaphore(%arg15 : memref<!tpu.dma_semaphore, #tpu.memory_space<semaphore_mem>>) src(%dma_wait3A_304 : memref<1xf32, #tpu.memory_space<hbm>>) dst(%dma_wait3A_302 : memref<1xf32, #tpu.memory_space<vmem>>)
    %dma_wait3A_305 = arith.constant 9 : i32
    %dma_wait3A_306 = arith.constant 9 : i32
    %dma_wait3A_307 = arith.constant 0 : i32
    %dma_wait3A_308 = tpu.memref_slice %arg10[%dma_wait3A_306, %dma_wait3A_307] : memref<16x16xf32, #tpu.memory_space<vmem>> -> memref<1x1xf32, #tpu.memory_space<vmem>>
    %dma_wait3A_309 = tpu.memref_squeeze %dma_wait3A_308 : memref<1x1xf32, #tpu.memory_space<vmem>> -> memref<1xf32, #tpu.memory_space<vmem>>
    %dma_wait3A_310 = tpu.memref_slice %arg2[%add3A, %dma_wait3A_305, %reduce_max3A_46, %reduce_max3A_61] : memref<4x10x512x512xf32, #tpu.memory_space<hbm>> -> memref<1x1x1x1xf32, #tpu.memory_space<hbm>>
    %dma_wait3A_311 = tpu.memref_squeeze %dma_wait3A_310 : memref<1x1x1x1xf32, #tpu.memory_space<hbm>> -> memref<1xf32, #tpu.memory_space<hbm>>
    %dma_wait3A_312 = arith.constant 0 : i32
    %dma_wait3A_313 = tpu.memref_slice %arg10[%dma_wait3A_306, %dma_wait3A_312] : memref<16x16xf32, #tpu.memory_space<vmem>> -> memref<1x1xf32, #tpu.memory_space<vmem>>
    %dma_wait3A_314 = tpu.memref_squeeze %dma_wait3A_313 : memref<1x1xf32, #tpu.memory_space<vmem>> -> memref<1xf32, #tpu.memory_space<vmem>>
    %dma_wait3A_315 = tpu.memref_slice %arg2[%add3A, %dma_wait3A_305, %reduce_max3A_46, %reduce_max3A_61] : memref<4x10x512x512xf32, #tpu.memory_space<hbm>> -> memref<1x1x1x1xf32, #tpu.memory_space<hbm>>
    %dma_wait3A_316 = tpu.memref_squeeze %dma_wait3A_315 : memref<1x1x1x1xf32, #tpu.memory_space<hbm>> -> memref<1xf32, #tpu.memory_space<hbm>>
    tpu.wait_dma2 semaphore(%arg15 : memref<!tpu.dma_semaphore, #tpu.memory_space<semaphore_mem>>) src(%dma_wait3A_316 : memref<1xf32, #tpu.memory_space<hbm>>) dst(%dma_wait3A_314 : memref<1xf32, #tpu.memory_space<vmem>>)
    %min3A = arith.constant 9 : i32
    %min3A_317 = vector.broadcast %min3A : i32 to vector<16xi32>
    %min3A_318 = arith.minsi %iota3A, %min3A_317 : vector<16xi32>
    %mul3A_319 = arith.constant 0 : i32
    %mul3A_320 = vector.broadcast %mul3A_319 : i32 to vector<16xi32>
    %mul3A_321 = arith.muli %iota3A, %mul3A_320 : vector<16xi32>
    %gather3A = tpu.vector_load_idx %arg10[%min3A_318, %mul3A_321] : memref<16x16xf32, #tpu.memory_space<vmem>>[vector<16xi32>, vector<16xi32>], vector<16xf32>,
    %gt3A = arith.constant 5.000000e-01 : f32
    %gt3A_322 = vector.broadcast %gt3A : f32 to vector<16xf32>
    %gt3A_323 = arith.cmpf ogt, %gather3A, %gt3A_322 : vector<16xf32>
    %lt3A_324 = arith.constant 10 : i32
    %lt3A_325 = vector.broadcast %lt3A_324 : i32 to vector<16xi32>
    %lt3A_326 = arith.cmpi slt, %iota3A, %lt3A_325 : vector<16xi32>
    %and3A_327 = arith.andi %gt3A_323, %lt3A_326 : vector<16xi1>
    %all_reduce_population_count3A = tpu.all_reduce %and3A_327 {dim = 0 : i64, kind = #tpu.reduction_kind<sum>} : vector<16xi1> -> vector<16xi32>
    %reduce_max3A_328 = arith.constant true
    %reduce_max3A_329 = vector.broadcast %reduce_max3A_328 : i1 to vector<16xi1>
    %reduce_max3A_330 = arith.constant -2147483648 : i32
    %reduce_max3A_331 = vector.broadcast %reduce_max3A_330 : i32 to vector<16xi32>
    %reduce_max3A_332 = arith.xori %all_reduce_population_count3A, %reduce_max3A_331 : vector<16xi32>
    %reduce_max3A_333 = tpu.scan <max>, %reduce_max3A_332 masked %reduce_max3A_329 : vector<16xi32>, vector<16xi1> -> vector<16xi32>
    %reduce_max3A_334 = arith.xori %reduce_max3A_333, %reduce_max3A_331 : vector<16xi32>
    %reduce_max3A_335 = vector.extract %reduce_max3A_334[15] : i32 from vector<16xi32>
    %gt3A_336 = arith.constant 0 : i32
    %gt3A_337 = arith.cmpi sgt, %reduce_max3A_335, %gt3A_336 : i32
    %all_reduce_ffs3A = tpu.all_reduce %and3A_327 {dim = 0 : i64, kind = #tpu.reduction_kind<find_first_set>} : vector<16xi1> -> vector<16xi32>
    %reduce_max3A_338 = arith.constant true
    %reduce_max3A_339 = vector.broadcast %reduce_max3A_338 : i1 to vector<16xi1>
    %reduce_max3A_340 = arith.constant -2147483648 : i32
    %reduce_max3A_341 = vector.broadcast %reduce_max3A_340 : i32 to vector<16xi32>
    %reduce_max3A_342 = arith.xori %all_reduce_ffs3A, %reduce_max3A_341 : vector<16xi32>
    %reduce_max3A_343 = tpu.scan <max>, %reduce_max3A_342 masked %reduce_max3A_339 : vector<16xi32>, vector<16xi1> -> vector<16xi32>
    %reduce_max3A_344 = arith.xori %reduce_max3A_343, %reduce_max3A_341 : vector<16xi32>
    %reduce_max3A_345 = vector.extract %reduce_max3A_344[15] : i32 from vector<16xi32>
    %min3A_346 = arith.constant 9 : i32
    %min3A_347 = arith.minsi %reduce_max3A_345, %min3A_346 : i32
    %jit3A_348 = arith.constant 0 : i32
    %select_n3A_349 = arith.select %gt3A_337, %min3A_347, %jit3A_348 : i32
    %mul3A_350 = arith.constant 64 : i32
    %mul3A_351 = arith.muli %select_n3A_30, %mul3A_350 : i32
    "tpu.region"() ({
      %run_scoped3A = tpu.sem_alloc : memref<!tpu.dma_semaphore, #tpu.memory_space<semaphore_mem>>
      %dma_start3A_362 = arith.constant 0 : i32
      %dma_start3A_363 = tpu.memref_slice %arg2[%add3A, %select_n3A_349, %mul3A_351, %dma_start3A_362] : memref<4x10x512x512xf32, #tpu.memory_space<hbm>> -> memref<1x1x64x512xf32, #tpu.memory_space<hbm>>
      %dma_start3A_364 = tpu.memref_squeeze %dma_start3A_363 : memref<1x1x64x512xf32, #tpu.memory_space<hbm>> -> memref<64x512xf32, #tpu.memory_space<hbm>>
      %dma_start3A_365 = arith.constant 0 : i32
      %dma_start3A_366 = tpu.memref_slice %arg2[%add3A, %select_n3A_349, %mul3A_351, %dma_start3A_365] : memref<4x10x512x512xf32, #tpu.memory_space<hbm>> -> memref<1x1x64x512xf32, #tpu.memory_space<hbm>>
      %dma_start3A_367 = tpu.memref_squeeze %dma_start3A_366 : memref<1x1x64x512xf32, #tpu.memory_space<hbm>> -> memref<64x512xf32, #tpu.memory_space<hbm>>
      tpu.enqueue_dma source(%dma_start3A_367 : memref<64x512xf32, #tpu.memory_space<hbm>>) target(%arg6 : memref<64x512xf32, #tpu.memory_space<vmem>>) target_semaphore(%run_scoped3A : memref<!tpu.dma_semaphore, #tpu.memory_space<semaphore_mem>>)
      %dma_wait3A_368 = arith.constant 0 : i32
      %dma_wait3A_369 = tpu.memref_slice %arg2[%add3A, %select_n3A_349, %mul3A_351, %dma_wait3A_368] : memref<4x10x512x512xf32, #tpu.memory_space<hbm>> -> memref<1x1x64x512xf32, #tpu.memory_space<hbm>>
      %dma_wait3A_370 = tpu.memref_squeeze %dma_wait3A_369 : memref<1x1x64x512xf32, #tpu.memory_space<hbm>> -> memref<64x512xf32, #tpu.memory_space<hbm>>
      %dma_wait3A_371 = arith.constant 0 : i32
      %dma_wait3A_372 = tpu.memref_slice %arg2[%add3A, %select_n3A_349, %mul3A_351, %dma_wait3A_371] : memref<4x10x512x512xf32, #tpu.memory_space<hbm>> -> memref<1x1x64x512xf32, #tpu.memory_space<hbm>>
      %dma_wait3A_373 = tpu.memref_squeeze %dma_wait3A_372 : memref<1x1x64x512xf32, #tpu.memory_space<hbm>> -> memref<64x512xf32, #tpu.memory_space<hbm>>
      tpu.wait_dma2 semaphore(%run_scoped3A : memref<!tpu.dma_semaphore, #tpu.memory_space<semaphore_mem>>) src(%dma_wait3A_373 : memref<64x512xf32, #tpu.memory_space<hbm>>) dst(%arg6 : memref<64x512xf32, #tpu.memory_space<vmem>>)
      tpu.yield
    }) : () -> ()
    %mul3A_352 = arith.constant 32 : i32
    %mul3A_353 = vector.broadcast %mul3A_352 : i32 to vector<16xi32>
    %mul3A_354 = arith.muli %iota3A, %mul3A_353 : vector<16xi32>
    %scan3A = arith.constant 0 : i32
    %scan3A_355 = arith.constant 64 : i32
    %scan3A_356 = arith.addi %scan3A, %scan3A_355 : i32
    %scan3A_357 = arith.constant 1 : i32
    scf.for %scan3A_362 = %scan3A to %scan3A_356 step %scan3A_357  : i32 {
      %mul3A_363 = arith.constant 1 : i32
      %mul3A_364 = arith.muli %scan3A_362, %mul3A_363 : i32
      %add3A_365 = arith.constant 0 : i32
      %add3A_366 = arith.addi %add3A_365, %mul3A_364 : i32
      %broadcast_in_dim3A_367 = vector.broadcast %add3A_366 : i32 to vector<16xi32>
      %add3A_368 = arith.constant 0 : i32
      %add3A_369 = vector.broadcast %add3A_368 : i32 to vector<16xi32>
      %add3A_370 = arith.addi %mul3A_354, %add3A_369 : vector<16xi32>
      %gather3A_371 = tpu.vector_load_idx %arg6[%broadcast_in_dim3A_367, %add3A_370] : memref<64x512xf32, #tpu.memory_space<vmem>>[vector<16xi32>, vector<16xi32>], vector<16xf32>,
      %gt3A_372 = arith.constant 5.000000e-01 : f32
      %gt3A_373 = vector.broadcast %gt3A_372 : f32 to vector<16xf32>
      %gt3A_374 = arith.cmpf ogt, %gather3A_371, %gt3A_373 : vector<16xf32>
      %jit3A_375 = arith.constant 1 : i32
      %jit3A_376 = arith.constant 0 : i32
      %broadcast_in_dim3A_377 = vector.broadcast %jit3A_375 : i32 to vector<16xi32>
      %broadcast_in_dim3A_378 = vector.broadcast %jit3A_376 : i32 to vector<16xi32>
      %select_n3A_379 = arith.select %gt3A_374, %broadcast_in_dim3A_377, %broadcast_in_dim3A_378 : vector<16xi1>, vector<16xi32>
      %or3A = arith.ori %broadcast_in_dim3A_31, %select_n3A_379 : vector<16xi32>
      %add3A_380 = arith.constant 1 : i32
      %add3A_381 = vector.broadcast %add3A_380 : i32 to vector<16xi32>
      %add3A_382 = arith.addi %mul3A_354, %add3A_381 : vector<16xi32>
      %gather3A_383 = tpu.vector_load_idx %arg6[%broadcast_in_dim3A_367, %add3A_382] : memref<64x512xf32, #tpu.memory_space<vmem>>[vector<16xi32>, vector<16xi32>], vector<16xf32>,
      %gt3A_384 = arith.constant 5.000000e-01 : f32
      %gt3A_385 = vector.broadcast %gt3A_384 : f32 to vector<16xf32>
      %gt3A_386 = arith.cmpf ogt, %gather3A_383, %gt3A_385 : vector<16xf32>
      %jit3A_387 = arith.constant 2 : i32
      %jit3A_388 = arith.constant 0 : i32
      %broadcast_in_dim3A_389 = vector.broadcast %jit3A_387 : i32 to vector<16xi32>
      %broadcast_in_dim3A_390 = vector.broadcast %jit3A_388 : i32 to vector<16xi32>
      %select_n3A_391 = arith.select %gt3A_386, %broadcast_in_dim3A_389, %broadcast_in_dim3A_390 : vector<16xi1>, vector<16xi32>
      %or3A_392 = arith.ori %or3A, %select_n3A_391 : vector<16xi32>
      %add3A_393 = arith.constant 2 : i32
      %add3A_394 = vector.broadcast %add3A_393 : i32 to vector<16xi32>
      %add3A_395 = arith.addi %mul3A_354, %add3A_394 : vector<16xi32>
      %gather3A_396 = tpu.vector_load_idx %arg6[%broadcast_in_dim3A_367, %add3A_395] : memref<64x512xf32, #tpu.memory_space<vmem>>[vector<16xi32>, vector<16xi32>], vector<16xf32>,
      %gt3A_397 = arith.constant 5.000000e-01 : f32
      %gt3A_398 = vector.broadcast %gt3A_397 : f32 to vector<16xf32>
      %gt3A_399 = arith.cmpf ogt, %gather3A_396, %gt3A_398 : vector<16xf32>
      %jit3A_400 = arith.constant 4 : i32
      %jit3A_401 = arith.constant 0 : i32
      %broadcast_in_dim3A_402 = vector.broadcast %jit3A_400 : i32 to vector<16xi32>
      %broadcast_in_dim3A_403 = vector.broadcast %jit3A_401 : i32 to vector<16xi32>
      %select_n3A_404 = arith.select %gt3A_399, %broadcast_in_dim3A_402, %broadcast_in_dim3A_403 : vector<16xi1>, vector<16xi32>
      %or3A_405 = arith.ori %or3A_392, %select_n3A_404 : vector<16xi32>
      %add3A_406 = arith.constant 3 : i32
      %add3A_407 = vector.broadcast %add3A_406 : i32 to vector<16xi32>
      %add3A_408 = arith.addi %mul3A_354, %add3A_407 : vector<16xi32>
      %gather3A_409 = tpu.vector_load_idx %arg6[%broadcast_in_dim3A_367, %add3A_408] : memref<64x512xf32, #tpu.memory_space<vmem>>[vector<16xi32>, vector<16xi32>], vector<16xf32>,
      %gt3A_410 = arith.constant 5.000000e-01 : f32
      %gt3A_411 = vector.broadcast %gt3A_410 : f32 to vector<16xf32>
      %gt3A_412 = arith.cmpf ogt, %gather3A_409, %gt3A_411 : vector<16xf32>
      %jit3A_413 = arith.constant 8 : i32
      %jit3A_414 = arith.constant 0 : i32
      %broadcast_in_dim3A_415 = vector.broadcast %jit3A_413 : i32 to vector<16xi32>
      %broadcast_in_dim3A_416 = vector.broadcast %jit3A_414 : i32 to vector<16xi32>
      %select_n3A_417 = arith.select %gt3A_412, %broadcast_in_dim3A_415, %broadcast_in_dim3A_416 : vector<16xi1>, vector<16xi32>
      %or3A_418 = arith.ori %or3A_405, %select_n3A_417 : vector<16xi32>
      %add3A_419 = arith.constant 4 : i32
      %add3A_420 = vector.broadcast %add3A_419 : i32 to vector<16xi32>
      %add3A_421 = arith.addi %mul3A_354, %add3A_420 : vector<16xi32>
      %gather3A_422 = tpu.vector_load_idx %arg6[%broadcast_in_dim3A_367, %add3A_421] : memref<64x512xf32, #tpu.memory_space<vmem>>[vector<16xi32>, vector<16xi32>], vector<16xf32>,
      %gt3A_423 = arith.constant 5.000000e-01 : f32
      %gt3A_424 = vector.broadcast %gt3A_423 : f32 to vector<16xf32>
      %gt3A_425 = arith.cmpf ogt, %gather3A_422, %gt3A_424 : vector<16xf32>
      %jit3A_426 = arith.constant 16 : i32
      %jit3A_427 = arith.constant 0 : i32
      %broadcast_in_dim3A_428 = vector.broadcast %jit3A_426 : i32 to vector<16xi32>
      %broadcast_in_dim3A_429 = vector.broadcast %jit3A_427 : i32 to vector<16xi32>
      %select_n3A_430 = arith.select %gt3A_425, %broadcast_in_dim3A_428, %broadcast_in_dim3A_429 : vector<16xi1>, vector<16xi32>
      %or3A_431 = arith.ori %or3A_418, %select_n3A_430 : vector<16xi32>
      %add3A_432 = arith.constant 5 : i32
      %add3A_433 = vector.broadcast %add3A_432 : i32 to vector<16xi32>
      %add3A_434 = arith.addi %mul3A_354, %add3A_433 : vector<16xi32>
      %gather3A_435 = tpu.vector_load_idx %arg6[%broadcast_in_dim3A_367, %add3A_434] : memref<64x512xf32, #tpu.memory_space<vmem>>[vector<16xi32>, vector<16xi32>], vector<16xf32>,
      %gt3A_436 = arith.constant 5.000000e-01 : f32
      %gt3A_437 = vector.broadcast %gt3A_436 : f32 to vector<16xf32>
      %gt3A_438 = arith.cmpf ogt, %gather3A_435, %gt3A_437 : vector<16xf32>
      %jit3A_439 = arith.constant 32 : i32
      %jit3A_440 = arith.constant 0 : i32
      %broadcast_in_dim3A_441 = vector.broadcast %jit3A_439 : i32 to vector<16xi32>
      %broadcast_in_dim3A_442 = vector.broadcast %jit3A_440 : i32 to vector<16xi32>
      %select_n3A_443 = arith.select %gt3A_438, %broadcast_in_dim3A_441, %broadcast_in_dim3A_442 : vector<16xi1>, vector<16xi32>
      %or3A_444 = arith.ori %or3A_431, %select_n3A_443 : vector<16xi32>
      %add3A_445 = arith.constant 6 : i32
      %add3A_446 = vector.broadcast %add3A_445 : i32 to vector<16xi32>
      %add3A_447 = arith.addi %mul3A_354, %add3A_446 : vector<16xi32>
      %gather3A_448 = tpu.vector_load_idx %arg6[%broadcast_in_dim3A_367, %add3A_447] : memref<64x512xf32, #tpu.memory_space<vmem>>[vector<16xi32>, vector<16xi32>], vector<16xf32>,
      %gt3A_449 = arith.constant 5.000000e-01 : f32
      %gt3A_450 = vector.broadcast %gt3A_449 : f32 to vector<16xf32>
      %gt3A_451 = arith.cmpf ogt, %gather3A_448, %gt3A_450 : vector<16xf32>
      %jit3A_452 = arith.constant 64 : i32
      %jit3A_453 = arith.constant 0 : i32
      %broadcast_in_dim3A_454 = vector.broadcast %jit3A_452 : i32 to vector<16xi32>
      %broadcast_in_dim3A_455 = vector.broadcast %jit3A_453 : i32 to vector<16xi32>
      %select_n3A_456 = arith.select %gt3A_451, %broadcast_in_dim3A_454, %broadcast_in_dim3A_455 : vector<16xi1>, vector<16xi32>
      %or3A_457 = arith.ori %or3A_444, %select_n3A_456 : vector<16xi32>
      %add3A_458 = arith.constant 7 : i32
      %add3A_459 = vector.broadcast %add3A_458 : i32 to vector<16xi32>
      %add3A_460 = arith.addi %mul3A_354, %add3A_459 : vector<16xi32>
      %gather3A_461 = tpu.vector_load_idx %arg6[%broadcast_in_dim3A_367, %add3A_460] : memref<64x512xf32, #tpu.memory_space<vmem>>[vector<16xi32>, vector<16xi32>], vector<16xf32>,
      %gt3A_462 = arith.constant 5.000000e-01 : f32
      %gt3A_463 = vector.broadcast %gt3A_462 : f32 to vector<16xf32>
      %gt3A_464 = arith.cmpf ogt, %gather3A_461, %gt3A_463 : vector<16xf32>
      %jit3A_465 = arith.constant 128 : i32
      %jit3A_466 = arith.constant 0 : i32
      %broadcast_in_dim3A_467 = vector.broadcast %jit3A_465 : i32 to vector<16xi32>
      %broadcast_in_dim3A_468 = vector.broadcast %jit3A_466 : i32 to vector<16xi32>
      %select_n3A_469 = arith.select %gt3A_464, %broadcast_in_dim3A_467, %broadcast_in_dim3A_468 : vector<16xi1>, vector<16xi32>
      %or3A_470 = arith.ori %or3A_457, %select_n3A_469 : vector<16xi32>
      %add3A_471 = arith.constant 8 : i32
      %add3A_472 = vector.broadcast %add3A_471 : i32 to vector<16xi32>
      %add3A_473 = arith.addi %mul3A_354, %add3A_472 : vector<16xi32>
      %gather3A_474 = tpu.vector_load_idx %arg6[%broadcast_in_dim3A_367, %add3A_473] : memref<64x512xf32, #tpu.memory_space<vmem>>[vector<16xi32>, vector<16xi32>], vector<16xf32>,
      %gt3A_475 = arith.constant 5.000000e-01 : f32
      %gt3A_476 = vector.broadcast %gt3A_475 : f32 to vector<16xf32>
      %gt3A_477 = arith.cmpf ogt, %gather3A_474, %gt3A_476 : vector<16xf32>
      %jit3A_478 = arith.constant 256 : i32
      %jit3A_479 = arith.constant 0 : i32
      %broadcast_in_dim3A_480 = vector.broadcast %jit3A_478 : i32 to vector<16xi32>
      %broadcast_in_dim3A_481 = vector.broadcast %jit3A_479 : i32 to vector<16xi32>
      %select_n3A_482 = arith.select %gt3A_477, %broadcast_in_dim3A_480, %broadcast_in_dim3A_481 : vector<16xi1>, vector<16xi32>
      %or3A_483 = arith.ori %or3A_470, %select_n3A_482 : vector<16xi32>
      %add3A_484 = arith.constant 9 : i32
      %add3A_485 = vector.broadcast %add3A_484 : i32 to vector<16xi32>
      %add3A_486 = arith.addi %mul3A_354, %add3A_485 : vector<16xi32>
      %gather3A_487 = tpu.vector_load_idx %arg6[%broadcast_in_dim3A_367, %add3A_486] : memref<64x512xf32, #tpu.memory_space<vmem>>[vector<16xi32>, vector<16xi32>], vector<16xf32>,
      %gt3A_488 = arith.constant 5.000000e-01 : f32
      %gt3A_489 = vector.broadcast %gt3A_488 : f32 to vector<16xf32>
      %gt3A_490 = arith.cmpf ogt, %gather3A_487, %gt3A_489 : vector<16xf32>
      %jit3A_491 = arith.constant 512 : i32
      %jit3A_492 = arith.constant 0 : i32
      %broadcast_in_dim3A_493 = vector.broadcast %jit3A_491 : i32 to vector<16xi32>
      %broadcast_in_dim3A_494 = vector.broadcast %jit3A_492 : i32 to vector<16xi32>
      %select_n3A_495 = arith.select %gt3A_490, %broadcast_in_dim3A_493, %broadcast_in_dim3A_494 : vector<16xi1>, vector<16xi32>
      %or3A_496 = arith.ori %or3A_483, %select_n3A_495 : vector<16xi32>
      %add3A_497 = arith.constant 10 : i32
      %add3A_498 = vector.broadcast %add3A_497 : i32 to vector<16xi32>
      %add3A_499 = arith.addi %mul3A_354, %add3A_498 : vector<16xi32>
      %gather3A_500 = tpu.vector_load_idx %arg6[%broadcast_in_dim3A_367, %add3A_499] : memref<64x512xf32, #tpu.memory_space<vmem>>[vector<16xi32>, vector<16xi32>], vector<16xf32>,
      %gt3A_501 = arith.constant 5.000000e-01 : f32
      %gt3A_502 = vector.broadcast %gt3A_501 : f32 to vector<16xf32>
      %gt3A_503 = arith.cmpf ogt, %gather3A_500, %gt3A_502 : vector<16xf32>
      %jit3A_504 = arith.constant 1024 : i32
      %jit3A_505 = arith.constant 0 : i32
      %broadcast_in_dim3A_506 = vector.broadcast %jit3A_504 : i32 to vector<16xi32>
      %broadcast_in_dim3A_507 = vector.broadcast %jit3A_505 : i32 to vector<16xi32>
      %select_n3A_508 = arith.select %gt3A_503, %broadcast_in_dim3A_506, %broadcast_in_dim3A_507 : vector<16xi1>, vector<16xi32>
      %or3A_509 = arith.ori %or3A_496, %select_n3A_508 : vector<16xi32>
      %add3A_510 = arith.constant 11 : i32
      %add3A_511 = vector.broadcast %add3A_510 : i32 to vector<16xi32>
      %add3A_512 = arith.addi %mul3A_354, %add3A_511 : vector<16xi32>
      %gather3A_513 = tpu.vector_load_idx %arg6[%broadcast_in_dim3A_367, %add3A_512] : memref<64x512xf32, #tpu.memory_space<vmem>>[vector<16xi32>, vector<16xi32>], vector<16xf32>,
      %gt3A_514 = arith.constant 5.000000e-01 : f32
      %gt3A_515 = vector.broadcast %gt3A_514 : f32 to vector<16xf32>
      %gt3A_516 = arith.cmpf ogt, %gather3A_513, %gt3A_515 : vector<16xf32>
      %jit3A_517 = arith.constant 2048 : i32
      %jit3A_518 = arith.constant 0 : i32
      %broadcast_in_dim3A_519 = vector.broadcast %jit3A_517 : i32 to vector<16xi32>
      %broadcast_in_dim3A_520 = vector.broadcast %jit3A_518 : i32 to vector<16xi32>
      %select_n3A_521 = arith.select %gt3A_516, %broadcast_in_dim3A_519, %broadcast_in_dim3A_520 : vector<16xi1>, vector<16xi32>
      %or3A_522 = arith.ori %or3A_509, %select_n3A_521 : vector<16xi32>
      %add3A_523 = arith.constant 12 : i32
      %add3A_524 = vector.broadcast %add3A_523 : i32 to vector<16xi32>
      %add3A_525 = arith.addi %mul3A_354, %add3A_524 : vector<16xi32>
      %gather3A_526 = tpu.vector_load_idx %arg6[%broadcast_in_dim3A_367, %add3A_525] : memref<64x512xf32, #tpu.memory_space<vmem>>[vector<16xi32>, vector<16xi32>], vector<16xf32>,
      %gt3A_527 = arith.constant 5.000000e-01 : f32
      %gt3A_528 = vector.broadcast %gt3A_527 : f32 to vector<16xf32>
      %gt3A_529 = arith.cmpf ogt, %gather3A_526, %gt3A_528 : vector<16xf32>
      %jit3A_530 = arith.constant 4096 : i32
      %jit3A_531 = arith.constant 0 : i32
      %broadcast_in_dim3A_532 = vector.broadcast %jit3A_530 : i32 to vector<16xi32>
      %broadcast_in_dim3A_533 = vector.broadcast %jit3A_531 : i32 to vector<16xi32>
      %select_n3A_534 = arith.select %gt3A_529, %broadcast_in_dim3A_532, %broadcast_in_dim3A_533 : vector<16xi1>, vector<16xi32>
      %or3A_535 = arith.ori %or3A_522, %select_n3A_534 : vector<16xi32>
      %add3A_536 = arith.constant 13 : i32
      %add3A_537 = vector.broadcast %add3A_536 : i32 to vector<16xi32>
      %add3A_538 = arith.addi %mul3A_354, %add3A_537 : vector<16xi32>
      %gather3A_539 = tpu.vector_load_idx %arg6[%broadcast_in_dim3A_367, %add3A_538] : memref<64x512xf32, #tpu.memory_space<vmem>>[vector<16xi32>, vector<16xi32>], vector<16xf32>,
      %gt3A_540 = arith.constant 5.000000e-01 : f32
      %gt3A_541 = vector.broadcast %gt3A_540 : f32 to vector<16xf32>
      %gt3A_542 = arith.cmpf ogt, %gather3A_539, %gt3A_541 : vector<16xf32>
      %jit3A_543 = arith.constant 8192 : i32
      %jit3A_544 = arith.constant 0 : i32
      %broadcast_in_dim3A_545 = vector.broadcast %jit3A_543 : i32 to vector<16xi32>
      %broadcast_in_dim3A_546 = vector.broadcast %jit3A_544 : i32 to vector<16xi32>
      %select_n3A_547 = arith.select %gt3A_542, %broadcast_in_dim3A_545, %broadcast_in_dim3A_546 : vector<16xi1>, vector<16xi32>
      %or3A_548 = arith.ori %or3A_535, %select_n3A_547 : vector<16xi32>
      %add3A_549 = arith.constant 14 : i32
      %add3A_550 = vector.broadcast %add3A_549 : i32 to vector<16xi32>
      %add3A_551 = arith.addi %mul3A_354, %add3A_550 : vector<16xi32>
      %gather3A_552 = tpu.vector_load_idx %arg6[%broadcast_in_dim3A_367, %add3A_551] : memref<64x512xf32, #tpu.memory_space<vmem>>[vector<16xi32>, vector<16xi32>], vector<16xf32>,
      %gt3A_553 = arith.constant 5.000000e-01 : f32
      %gt3A_554 = vector.broadcast %gt3A_553 : f32 to vector<16xf32>
      %gt3A_555 = arith.cmpf ogt, %gather3A_552, %gt3A_554 : vector<16xf32>
      %jit3A_556 = arith.constant 16384 : i32
      %jit3A_557 = arith.constant 0 : i32
      %broadcast_in_dim3A_558 = vector.broadcast %jit3A_556 : i32 to vector<16xi32>
      %broadcast_in_dim3A_559 = vector.broadcast %jit3A_557 : i32 to vector<16xi32>
      %select_n3A_560 = arith.select %gt3A_555, %broadcast_in_dim3A_558, %broadcast_in_dim3A_559 : vector<16xi1>, vector<16xi32>
      %or3A_561 = arith.ori %or3A_548, %select_n3A_560 : vector<16xi32>
      %add3A_562 = arith.constant 15 : i32
      %add3A_563 = vector.broadcast %add3A_562 : i32 to vector<16xi32>
      %add3A_564 = arith.addi %mul3A_354, %add3A_563 : vector<16xi32>
      %gather3A_565 = tpu.vector_load_idx %arg6[%broadcast_in_dim3A_367, %add3A_564] : memref<64x512xf32, #tpu.memory_space<vmem>>[vector<16xi32>, vector<16xi32>], vector<16xf32>,
      %gt3A_566 = arith.constant 5.000000e-01 : f32
      %gt3A_567 = vector.broadcast %gt3A_566 : f32 to vector<16xf32>
      %gt3A_568 = arith.cmpf ogt, %gather3A_565, %gt3A_567 : vector<16xf32>
      %jit3A_569 = arith.constant 32768 : i32
      %jit3A_570 = arith.constant 0 : i32
      %broadcast_in_dim3A_571 = vector.broadcast %jit3A_569 : i32 to vector<16xi32>
      %broadcast_in_dim3A_572 = vector.broadcast %jit3A_570 : i32 to vector<16xi32>
      %select_n3A_573 = arith.select %gt3A_568, %broadcast_in_dim3A_571, %broadcast_in_dim3A_572 : vector<16xi1>, vector<16xi32>
      %or3A_574 = arith.ori %or3A_561, %select_n3A_573 : vector<16xi32>
      %add3A_575 = arith.constant 16 : i32
      %add3A_576 = vector.broadcast %add3A_575 : i32 to vector<16xi32>
      %add3A_577 = arith.addi %mul3A_354, %add3A_576 : vector<16xi32>
      %gather3A_578 = tpu.vector_load_idx %arg6[%broadcast_in_dim3A_367, %add3A_577] : memref<64x512xf32, #tpu.memory_space<vmem>>[vector<16xi32>, vector<16xi32>], vector<16xf32>,
      %gt3A_579 = arith.constant 5.000000e-01 : f32
      %gt3A_580 = vector.broadcast %gt3A_579 : f32 to vector<16xf32>
      %gt3A_581 = arith.cmpf ogt, %gather3A_578, %gt3A_580 : vector<16xf32>
      %jit3A_582 = arith.constant 65536 : i32
      %jit3A_583 = arith.constant 0 : i32
      %broadcast_in_dim3A_584 = vector.broadcast %jit3A_582 : i32 to vector<16xi32>
      %broadcast_in_dim3A_585 = vector.broadcast %jit3A_583 : i32 to vector<16xi32>
      %select_n3A_586 = arith.select %gt3A_581, %broadcast_in_dim3A_584, %broadcast_in_dim3A_585 : vector<16xi1>, vector<16xi32>
      %or3A_587 = arith.ori %or3A_574, %select_n3A_586 : vector<16xi32>
      %add3A_588 = arith.constant 17 : i32
      %add3A_589 = vector.broadcast %add3A_588 : i32 to vector<16xi32>
      %add3A_590 = arith.addi %mul3A_354, %add3A_589 : vector<16xi32>
      %gather3A_591 = tpu.vector_load_idx %arg6[%broadcast_in_dim3A_367, %add3A_590] : memref<64x512xf32, #tpu.memory_space<vmem>>[vector<16xi32>, vector<16xi32>], vector<16xf32>,
      %gt3A_592 = arith.constant 5.000000e-01 : f32
      %gt3A_593 = vector.broadcast %gt3A_592 : f32 to vector<16xf32>
      %gt3A_594 = arith.cmpf ogt, %gather3A_591, %gt3A_593 : vector<16xf32>
      %jit3A_595 = arith.constant 131072 : i32
      %jit3A_596 = arith.constant 0 : i32
      %broadcast_in_dim3A_597 = vector.broadcast %jit3A_595 : i32 to vector<16xi32>
      %broadcast_in_dim3A_598 = vector.broadcast %jit3A_596 : i32 to vector<16xi32>
      %select_n3A_599 = arith.select %gt3A_594, %broadcast_in_dim3A_597, %broadcast_in_dim3A_598 : vector<16xi1>, vector<16xi32>
      %or3A_600 = arith.ori %or3A_587, %select_n3A_599 : vector<16xi32>
      %add3A_601 = arith.constant 18 : i32
      %add3A_602 = vector.broadcast %add3A_601 : i32 to vector<16xi32>
      %add3A_603 = arith.addi %mul3A_354, %add3A_602 : vector<16xi32>
      %gather3A_604 = tpu.vector_load_idx %arg6[%broadcast_in_dim3A_367, %add3A_603] : memref<64x512xf32, #tpu.memory_space<vmem>>[vector<16xi32>, vector<16xi32>], vector<16xf32>,
      %gt3A_605 = arith.constant 5.000000e-01 : f32
      %gt3A_606 = vector.broadcast %gt3A_605 : f32 to vector<16xf32>
      %gt3A_607 = arith.cmpf ogt, %gather3A_604, %gt3A_606 : vector<16xf32>
      %jit3A_608 = arith.constant 262144 : i32
      %jit3A_609 = arith.constant 0 : i32
      %broadcast_in_dim3A_610 = vector.broadcast %jit3A_608 : i32 to vector<16xi32>
      %broadcast_in_dim3A_611 = vector.broadcast %jit3A_609 : i32 to vector<16xi32>
      %select_n3A_612 = arith.select %gt3A_607, %broadcast_in_dim3A_610, %broadcast_in_dim3A_611 : vector<16xi1>, vector<16xi32>
      %or3A_613 = arith.ori %or3A_600, %select_n3A_612 : vector<16xi32>
      %add3A_614 = arith.constant 19 : i32
      %add3A_615 = vector.broadcast %add3A_614 : i32 to vector<16xi32>
      %add3A_616 = arith.addi %mul3A_354, %add3A_615 : vector<16xi32>
      %gather3A_617 = tpu.vector_load_idx %arg6[%broadcast_in_dim3A_367, %add3A_616] : memref<64x512xf32, #tpu.memory_space<vmem>>[vector<16xi32>, vector<16xi32>], vector<16xf32>,
      %gt3A_618 = arith.constant 5.000000e-01 : f32
      %gt3A_619 = vector.broadcast %gt3A_618 : f32 to vector<16xf32>
      %gt3A_620 = arith.cmpf ogt, %gather3A_617, %gt3A_619 : vector<16xf32>
      %jit3A_621 = arith.constant 524288 : i32
      %jit3A_622 = arith.constant 0 : i32
      %broadcast_in_dim3A_623 = vector.broadcast %jit3A_621 : i32 to vector<16xi32>
      %broadcast_in_dim3A_624 = vector.broadcast %jit3A_622 : i32 to vector<16xi32>
      %select_n3A_625 = arith.select %gt3A_620, %broadcast_in_dim3A_623, %broadcast_in_dim3A_624 : vector<16xi1>, vector<16xi32>
      %or3A_626 = arith.ori %or3A_613, %select_n3A_625 : vector<16xi32>
      %add3A_627 = arith.constant 20 : i32
      %add3A_628 = vector.broadcast %add3A_627 : i32 to vector<16xi32>
      %add3A_629 = arith.addi %mul3A_354, %add3A_628 : vector<16xi32>
      %gather3A_630 = tpu.vector_load_idx %arg6[%broadcast_in_dim3A_367, %add3A_629] : memref<64x512xf32, #tpu.memory_space<vmem>>[vector<16xi32>, vector<16xi32>], vector<16xf32>,
      %gt3A_631 = arith.constant 5.000000e-01 : f32
      %gt3A_632 = vector.broadcast %gt3A_631 : f32 to vector<16xf32>
      %gt3A_633 = arith.cmpf ogt, %gather3A_630, %gt3A_632 : vector<16xf32>
      %jit3A_634 = arith.constant 1048576 : i32
      %jit3A_635 = arith.constant 0 : i32
      %broadcast_in_dim3A_636 = vector.broadcast %jit3A_634 : i32 to vector<16xi32>
      %broadcast_in_dim3A_637 = vector.broadcast %jit3A_635 : i32 to vector<16xi32>
      %select_n3A_638 = arith.select %gt3A_633, %broadcast_in_dim3A_636, %broadcast_in_dim3A_637 : vector<16xi1>, vector<16xi32>
      %or3A_639 = arith.ori %or3A_626, %select_n3A_638 : vector<16xi32>
      %add3A_640 = arith.constant 21 : i32
      %add3A_641 = vector.broadcast %add3A_640 : i32 to vector<16xi32>
      %add3A_642 = arith.addi %mul3A_354, %add3A_641 : vector<16xi32>
      %gather3A_643 = tpu.vector_load_idx %arg6[%broadcast_in_dim3A_367, %add3A_642] : memref<64x512xf32, #tpu.memory_space<vmem>>[vector<16xi32>, vector<16xi32>], vector<16xf32>,
      %gt3A_644 = arith.constant 5.000000e-01 : f32
      %gt3A_645 = vector.broadcast %gt3A_644 : f32 to vector<16xf32>
      %gt3A_646 = arith.cmpf ogt, %gather3A_643, %gt3A_645 : vector<16xf32>
      %jit3A_647 = arith.constant 2097152 : i32
      %jit3A_648 = arith.constant 0 : i32
      %broadcast_in_dim3A_649 = vector.broadcast %jit3A_647 : i32 to vector<16xi32>
      %broadcast_in_dim3A_650 = vector.broadcast %jit3A_648 : i32 to vector<16xi32>
      %select_n3A_651 = arith.select %gt3A_646, %broadcast_in_dim3A_649, %broadcast_in_dim3A_650 : vector<16xi1>, vector<16xi32>
      %or3A_652 = arith.ori %or3A_639, %select_n3A_651 : vector<16xi32>
      %add3A_653 = arith.constant 22 : i32
      %add3A_654 = vector.broadcast %add3A_653 : i32 to vector<16xi32>
      %add3A_655 = arith.addi %mul3A_354, %add3A_654 : vector<16xi32>
      %gather3A_656 = tpu.vector_load_idx %arg6[%broadcast_in_dim3A_367, %add3A_655] : memref<64x512xf32, #tpu.memory_space<vmem>>[vector<16xi32>, vector<16xi32>], vector<16xf32>,
      %gt3A_657 = arith.constant 5.000000e-01 : f32
      %gt3A_658 = vector.broadcast %gt3A_657 : f32 to vector<16xf32>
      %gt3A_659 = arith.cmpf ogt, %gather3A_656, %gt3A_658 : vector<16xf32>
      %jit3A_660 = arith.constant 4194304 : i32
      %jit3A_661 = arith.constant 0 : i32
      %broadcast_in_dim3A_662 = vector.broadcast %jit3A_660 : i32 to vector<16xi32>
      %broadcast_in_dim3A_663 = vector.broadcast %jit3A_661 : i32 to vector<16xi32>
      %select_n3A_664 = arith.select %gt3A_659, %broadcast_in_dim3A_662, %broadcast_in_dim3A_663 : vector<16xi1>, vector<16xi32>
      %or3A_665 = arith.ori %or3A_652, %select_n3A_664 : vector<16xi32>
      %add3A_666 = arith.constant 23 : i32
      %add3A_667 = vector.broadcast %add3A_666 : i32 to vector<16xi32>
      %add3A_668 = arith.addi %mul3A_354, %add3A_667 : vector<16xi32>
      %gather3A_669 = tpu.vector_load_idx %arg6[%broadcast_in_dim3A_367, %add3A_668] : memref<64x512xf32, #tpu.memory_space<vmem>>[vector<16xi32>, vector<16xi32>], vector<16xf32>,
      %gt3A_670 = arith.constant 5.000000e-01 : f32
      %gt3A_671 = vector.broadcast %gt3A_670 : f32 to vector<16xf32>
      %gt3A_672 = arith.cmpf ogt, %gather3A_669, %gt3A_671 : vector<16xf32>
      %jit3A_673 = arith.constant 8388608 : i32
      %jit3A_674 = arith.constant 0 : i32
      %broadcast_in_dim3A_675 = vector.broadcast %jit3A_673 : i32 to vector<16xi32>
      %broadcast_in_dim3A_676 = vector.broadcast %jit3A_674 : i32 to vector<16xi32>
      %select_n3A_677 = arith.select %gt3A_672, %broadcast_in_dim3A_675, %broadcast_in_dim3A_676 : vector<16xi1>, vector<16xi32>
      %or3A_678 = arith.ori %or3A_665, %select_n3A_677 : vector<16xi32>
      %add3A_679 = arith.constant 24 : i32
      %add3A_680 = vector.broadcast %add3A_679 : i32 to vector<16xi32>
      %add3A_681 = arith.addi %mul3A_354, %add3A_680 : vector<16xi32>
      %gather3A_682 = tpu.vector_load_idx %arg6[%broadcast_in_dim3A_367, %add3A_681] : memref<64x512xf32, #tpu.memory_space<vmem>>[vector<16xi32>, vector<16xi32>], vector<16xf32>,
      %gt3A_683 = arith.constant 5.000000e-01 : f32
      %gt3A_684 = vector.broadcast %gt3A_683 : f32 to vector<16xf32>
      %gt3A_685 = arith.cmpf ogt, %gather3A_682, %gt3A_684 : vector<16xf32>
      %jit3A_686 = arith.constant 16777216 : i32
      %jit3A_687 = arith.constant 0 : i32
      %broadcast_in_dim3A_688 = vector.broadcast %jit3A_686 : i32 to vector<16xi32>
      %broadcast_in_dim3A_689 = vector.broadcast %jit3A_687 : i32 to vector<16xi32>
      %select_n3A_690 = arith.select %gt3A_685, %broadcast_in_dim3A_688, %broadcast_in_dim3A_689 : vector<16xi1>, vector<16xi32>
      %or3A_691 = arith.ori %or3A_678, %select_n3A_690 : vector<16xi32>
      %add3A_692 = arith.constant 25 : i32
      %add3A_693 = vector.broadcast %add3A_692 : i32 to vector<16xi32>
      %add3A_694 = arith.addi %mul3A_354, %add3A_693 : vector<16xi32>
      %gather3A_695 = tpu.vector_load_idx %arg6[%broadcast_in_dim3A_367, %add3A_694] : memref<64x512xf32, #tpu.memory_space<vmem>>[vector<16xi32>, vector<16xi32>], vector<16xf32>,
      %gt3A_696 = arith.constant 5.000000e-01 : f32
      %gt3A_697 = vector.broadcast %gt3A_696 : f32 to vector<16xf32>
      %gt3A_698 = arith.cmpf ogt, %gather3A_695, %gt3A_697 : vector<16xf32>
      %jit3A_699 = arith.constant 33554432 : i32
      %jit3A_700 = arith.constant 0 : i32
      %broadcast_in_dim3A_701 = vector.broadcast %jit3A_699 : i32 to vector<16xi32>
      %broadcast_in_dim3A_702 = vector.broadcast %jit3A_700 : i32 to vector<16xi32>
      %select_n3A_703 = arith.select %gt3A_698, %broadcast_in_dim3A_701, %broadcast_in_dim3A_702 : vector<16xi1>, vector<16xi32>
      %or3A_704 = arith.ori %or3A_691, %select_n3A_703 : vector<16xi32>
      %add3A_705 = arith.constant 26 : i32
      %add3A_706 = vector.broadcast %add3A_705 : i32 to vector<16xi32>
      %add3A_707 = arith.addi %mul3A_354, %add3A_706 : vector<16xi32>
      %gather3A_708 = tpu.vector_load_idx %arg6[%broadcast_in_dim3A_367, %add3A_707] : memref<64x512xf32, #tpu.memory_space<vmem>>[vector<16xi32>, vector<16xi32>], vector<16xf32>,
      %gt3A_709 = arith.constant 5.000000e-01 : f32
      %gt3A_710 = vector.broadcast %gt3A_709 : f32 to vector<16xf32>
      %gt3A_711 = arith.cmpf ogt, %gather3A_708, %gt3A_710 : vector<16xf32>
      %jit3A_712 = arith.constant 67108864 : i32
      %jit3A_713 = arith.constant 0 : i32
      %broadcast_in_dim3A_714 = vector.broadcast %jit3A_712 : i32 to vector<16xi32>
      %broadcast_in_dim3A_715 = vector.broadcast %jit3A_713 : i32 to vector<16xi32>
      %select_n3A_716 = arith.select %gt3A_711, %broadcast_in_dim3A_714, %broadcast_in_dim3A_715 : vector<16xi1>, vector<16xi32>
      %or3A_717 = arith.ori %or3A_704, %select_n3A_716 : vector<16xi32>
      %add3A_718 = arith.constant 27 : i32
      %add3A_719 = vector.broadcast %add3A_718 : i32 to vector<16xi32>
      %add3A_720 = arith.addi %mul3A_354, %add3A_719 : vector<16xi32>
      %gather3A_721 = tpu.vector_load_idx %arg6[%broadcast_in_dim3A_367, %add3A_720] : memref<64x512xf32, #tpu.memory_space<vmem>>[vector<16xi32>, vector<16xi32>], vector<16xf32>,
      %gt3A_722 = arith.constant 5.000000e-01 : f32
      %gt3A_723 = vector.broadcast %gt3A_722 : f32 to vector<16xf32>
      %gt3A_724 = arith.cmpf ogt, %gather3A_721, %gt3A_723 : vector<16xf32>
      %jit3A_725 = arith.constant 134217728 : i32
      %jit3A_726 = arith.constant 0 : i32
      %broadcast_in_dim3A_727 = vector.broadcast %jit3A_725 : i32 to vector<16xi32>
      %broadcast_in_dim3A_728 = vector.broadcast %jit3A_726 : i32 to vector<16xi32>
      %select_n3A_729 = arith.select %gt3A_724, %broadcast_in_dim3A_727, %broadcast_in_dim3A_728 : vector<16xi1>, vector<16xi32>
      %or3A_730 = arith.ori %or3A_717, %select_n3A_729 : vector<16xi32>
      %add3A_731 = arith.constant 28 : i32
      %add3A_732 = vector.broadcast %add3A_731 : i32 to vector<16xi32>
      %add3A_733 = arith.addi %mul3A_354, %add3A_732 : vector<16xi32>
      %gather3A_734 = tpu.vector_load_idx %arg6[%broadcast_in_dim3A_367, %add3A_733] : memref<64x512xf32, #tpu.memory_space<vmem>>[vector<16xi32>, vector<16xi32>], vector<16xf32>,
      %gt3A_735 = arith.constant 5.000000e-01 : f32
      %gt3A_736 = vector.broadcast %gt3A_735 : f32 to vector<16xf32>
      %gt3A_737 = arith.cmpf ogt, %gather3A_734, %gt3A_736 : vector<16xf32>
      %jit3A_738 = arith.constant 268435456 : i32
      %jit3A_739 = arith.constant 0 : i32
      %broadcast_in_dim3A_740 = vector.broadcast %jit3A_738 : i32 to vector<16xi32>
      %broadcast_in_dim3A_741 = vector.broadcast %jit3A_739 : i32 to vector<16xi32>
      %select_n3A_742 = arith.select %gt3A_737, %broadcast_in_dim3A_740, %broadcast_in_dim3A_741 : vector<16xi1>, vector<16xi32>
      %or3A_743 = arith.ori %or3A_730, %select_n3A_742 : vector<16xi32>
      %add3A_744 = arith.constant 29 : i32
      %add3A_745 = vector.broadcast %add3A_744 : i32 to vector<16xi32>
      %add3A_746 = arith.addi %mul3A_354, %add3A_745 : vector<16xi32>
      %gather3A_747 = tpu.vector_load_idx %arg6[%broadcast_in_dim3A_367, %add3A_746] : memref<64x512xf32, #tpu.memory_space<vmem>>[vector<16xi32>, vector<16xi32>], vector<16xf32>,
      %gt3A_748 = arith.constant 5.000000e-01 : f32
      %gt3A_749 = vector.broadcast %gt3A_748 : f32 to vector<16xf32>
      %gt3A_750 = arith.cmpf ogt, %gather3A_747, %gt3A_749 : vector<16xf32>
      %jit3A_751 = arith.constant 536870912 : i32
      %jit3A_752 = arith.constant 0 : i32
      %broadcast_in_dim3A_753 = vector.broadcast %jit3A_751 : i32 to vector<16xi32>
      %broadcast_in_dim3A_754 = vector.broadcast %jit3A_752 : i32 to vector<16xi32>
      %select_n3A_755 = arith.select %gt3A_750, %broadcast_in_dim3A_753, %broadcast_in_dim3A_754 : vector<16xi1>, vector<16xi32>
      %or3A_756 = arith.ori %or3A_743, %select_n3A_755 : vector<16xi32>
      %add3A_757 = arith.constant 30 : i32
      %add3A_758 = vector.broadcast %add3A_757 : i32 to vector<16xi32>
      %add3A_759 = arith.addi %mul3A_354, %add3A_758 : vector<16xi32>
      %gather3A_760 = tpu.vector_load_idx %arg6[%broadcast_in_dim3A_367, %add3A_759] : memref<64x512xf32, #tpu.memory_space<vmem>>[vector<16xi32>, vector<16xi32>], vector<16xf32>,
      %gt3A_761 = arith.constant 5.000000e-01 : f32
      %gt3A_762 = vector.broadcast %gt3A_761 : f32 to vector<16xf32>
      %gt3A_763 = arith.cmpf ogt, %gather3A_760, %gt3A_762 : vector<16xf32>
      %jit3A_764 = arith.constant 1073741824 : i32
      %jit3A_765 = arith.constant 0 : i32
      %broadcast_in_dim3A_766 = vector.broadcast %jit3A_764 : i32 to vector<16xi32>
      %broadcast_in_dim3A_767 = vector.broadcast %jit3A_765 : i32 to vector<16xi32>
      %select_n3A_768 = arith.select %gt3A_763, %broadcast_in_dim3A_766, %broadcast_in_dim3A_767 : vector<16xi1>, vector<16xi32>
      %or3A_769 = arith.ori %or3A_756, %select_n3A_768 : vector<16xi32>
      %add3A_770 = arith.constant 31 : i32
      %add3A_771 = vector.broadcast %add3A_770 : i32 to vector<16xi32>
      %add3A_772 = arith.addi %mul3A_354, %add3A_771 : vector<16xi32>
      %gather3A_773 = tpu.vector_load_idx %arg6[%broadcast_in_dim3A_367, %add3A_772] : memref<64x512xf32, #tpu.memory_space<vmem>>[vector<16xi32>, vector<16xi32>], vector<16xf32>,
      %gt3A_774 = arith.constant 5.000000e-01 : f32
      %gt3A_775 = vector.broadcast %gt3A_774 : f32 to vector<16xf32>
      %gt3A_776 = arith.cmpf ogt, %gather3A_773, %gt3A_775 : vector<16xf32>
      %jit3A_777 = arith.constant -2147483648 : i32
      %jit3A_778 = arith.constant 0 : i32
      %broadcast_in_dim3A_779 = vector.broadcast %jit3A_777 : i32 to vector<16xi32>
      %broadcast_in_dim3A_780 = vector.broadcast %jit3A_778 : i32 to vector<16xi32>
      %select_n3A_781 = arith.select %gt3A_776, %broadcast_in_dim3A_779, %broadcast_in_dim3A_780 : vector<16xi1>, vector<16xi32>
      %or3A_782 = arith.ori %or3A_769, %select_n3A_781 : vector<16xi32>
      %mul3A_783 = arith.constant 16 : i32
      %mul3A_784 = arith.muli %add3A_366, %mul3A_783 : i32
      %swap3A = arith.index_cast %mul3A_784 : i32 to index
      %swap3A_785 = tpu.vector_load %arg7[%swap3A] {strides = array<i32>} : memref<1024xi32, #tpu.memory_space<vmem>>, vector<16xi32>,
      tpu.vector_store %arg7[%swap3A], %or3A_782 {strides = array<i32>} : memref<1024xi32, #tpu.memory_space<vmem>>, vector<16xi32>,
    }
    %scan3A_358 = arith.constant 64 : i32
    %mul3A_359 = arith.constant 16 : i32
    %mul3A_360 = arith.muli %mul3A_351, %mul3A_359 : i32
    "tpu.region"() ({
      %run_scoped3A = tpu.sem_alloc : memref<!tpu.dma_semaphore, #tpu.memory_space<semaphore_mem>>
      %dma_start3A_362 = tpu.memref_slice %arg13[%select_n3A, %mul3A_360] : memref<2x8192xi32, #tpu.memory_space<vmem_shared>> -> memref<1x1024xi32, #tpu.memory_space<vmem_shared>>
      %dma_start3A_363 = tpu.memref_squeeze %dma_start3A_362 : memref<1x1024xi32, #tpu.memory_space<vmem_shared>> -> memref<1024xi32, #tpu.memory_space<vmem_shared>>
      %dma_start3A_364 = tpu.memref_slice %arg13[%select_n3A, %mul3A_360] : memref<2x8192xi32, #tpu.memory_space<vmem_shared>> -> memref<1x1024xi32, #tpu.memory_space<vmem_shared>>
      %dma_start3A_365 = tpu.memref_squeeze %dma_start3A_364 : memref<1x1024xi32, #tpu.memory_space<vmem_shared>> -> memref<1024xi32, #tpu.memory_space<vmem_shared>>
      tpu.enqueue_dma source(%arg7 : memref<1024xi32, #tpu.memory_space<vmem>>) target(%dma_start3A_365 : memref<1024xi32, #tpu.memory_space<vmem_shared>>) target_semaphore(%run_scoped3A : memref<!tpu.dma_semaphore, #tpu.memory_space<semaphore_mem>>)
      %dma_wait3A_366 = tpu.memref_slice %arg13[%select_n3A, %mul3A_360] : memref<2x8192xi32, #tpu.memory_space<vmem_shared>> -> memref<1x1024xi32, #tpu.memory_space<vmem_shared>>
      %dma_wait3A_367 = tpu.memref_squeeze %dma_wait3A_366 : memref<1x1024xi32, #tpu.memory_space<vmem_shared>> -> memref<1024xi32, #tpu.memory_space<vmem_shared>>
      %dma_wait3A_368 = tpu.memref_slice %arg13[%select_n3A, %mul3A_360] : memref<2x8192xi32, #tpu.memory_space<vmem_shared>> -> memref<1x1024xi32, #tpu.memory_space<vmem_shared>>
      %dma_wait3A_369 = tpu.memref_squeeze %dma_wait3A_368 : memref<1x1024xi32, #tpu.memory_space<vmem_shared>> -> memref<1024xi32, #tpu.memory_space<vmem_shared>>
      tpu.wait_dma2 semaphore(%run_scoped3A : memref<!tpu.dma_semaphore, #tpu.memory_space<semaphore_mem>>) src(%arg7 : memref<1024xi32, #tpu.memory_space<vmem>>) dst(%dma_wait3A_369 : memref<1024xi32, #tpu.memory_space<vmem_shared>>)
      tpu.yield
    }) : () -> ()
    %barrier3A = arith.constant 0 : index
    tpu.barrier barrier_id(%barrier3A)
    %convert_element_type3A = arith.extui %eq3A_78 : i1 to i32
    %cond3A = arith.constant 0 : i32
    %cond3A_361 = arith.cmpi ne, %convert_element_type3A, %cond3A : i32
    scf.if %cond3A_361 {
      "tpu.region"() ({
        %run_scoped3A = tpu.sem_alloc : memref<!tpu.dma_semaphore, #tpu.memory_space<semaphore_mem>>
        %dma_start3A_417 = arith.constant 0 : i32
        %dma_start3A_418 = tpu.memref_slice %arg13[%select_n3A, %dma_start3A_417] : memref<2x8192xi32, #tpu.memory_space<vmem_shared>> -> memref<1x8192xi32, #tpu.memory_space<vmem_shared>>
        %dma_start3A_419 = tpu.memref_squeeze %dma_start3A_418 : memref<1x8192xi32, #tpu.memory_space<vmem_shared>> -> memref<8192xi32, #tpu.memory_space<vmem_shared>>
        %dma_start3A_420 = arith.constant 0 : i32
        %dma_start3A_421 = tpu.memref_slice %arg13[%select_n3A, %dma_start3A_420] : memref<2x8192xi32, #tpu.memory_space<vmem_shared>> -> memref<1x8192xi32, #tpu.memory_space<vmem_shared>>
        %dma_start3A_422 = tpu.memref_squeeze %dma_start3A_421 : memref<1x8192xi32, #tpu.memory_space<vmem_shared>> -> memref<8192xi32, #tpu.memory_space<vmem_shared>>
        tpu.enqueue_dma source(%dma_start3A_422 : memref<8192xi32, #tpu.memory_space<vmem_shared>>) target(%arg8 : memref<8192xi32, #tpu.memory_space<vmem>>) target_semaphore(%run_scoped3A : memref<!tpu.dma_semaphore, #tpu.memory_space<semaphore_mem>>)
        %dma_wait3A_423 = arith.constant 0 : i32
        %dma_wait3A_424 = tpu.memref_slice %arg13[%select_n3A, %dma_wait3A_423] : memref<2x8192xi32, #tpu.memory_space<vmem_shared>> -> memref<1x8192xi32, #tpu.memory_space<vmem_shared>>
        %dma_wait3A_425 = tpu.memref_squeeze %dma_wait3A_424 : memref<1x8192xi32, #tpu.memory_space<vmem_shared>> -> memref<8192xi32, #tpu.memory_space<vmem_shared>>
        %dma_wait3A_426 = arith.constant 0 : i32
        %dma_wait3A_427 = tpu.memref_slice %arg13[%select_n3A, %dma_wait3A_426] : memref<2x8192xi32, #tpu.memory_space<vmem_shared>> -> memref<1x8192xi32, #tpu.memory_space<vmem_shared>>
        %dma_wait3A_428 = tpu.memref_squeeze %dma_wait3A_427 : memref<1x8192xi32, #tpu.memory_space<vmem_shared>> -> memref<8192xi32, #tpu.memory_space<vmem_shared>>
        tpu.wait_dma2 semaphore(%run_scoped3A : memref<!tpu.dma_semaphore, #tpu.memory_space<semaphore_mem>>) src(%dma_wait3A_428 : memref<8192xi32, #tpu.memory_space<vmem_shared>>) dst(%arg8 : memref<8192xi32, #tpu.memory_space<vmem>>)
        tpu.yield
      }) : () -> ()
      %scan3A_362 = arith.constant 0 : i32
      %scan3A_363 = arith.constant 64 : i32
      %scan3A_364 = arith.addi %scan3A_362, %scan3A_363 : i32
      %scan3A_365 = arith.constant 1 : i32
      scf.for %scan3A_417 = %scan3A_362 to %scan3A_364 step %scan3A_365  : i32 {
        %mul3A_418 = arith.constant 1 : i32
        %mul3A_419 = arith.muli %scan3A_417, %mul3A_418 : i32
        %add3A_420 = arith.constant 0 : i32
        %add3A_421 = arith.addi %add3A_420, %mul3A_419 : i32
        %mul3A_422 = arith.constant 8 : i32
        %mul3A_423 = arith.muli %add3A_421, %mul3A_422 : i32
        %add3A_424 = arith.constant 0 : i32
        %add3A_425 = arith.addi %mul3A_423, %add3A_424 : i32
        %mul3A_426 = arith.constant 16 : i32
        %mul3A_427 = arith.muli %add3A_425, %mul3A_426 : i32
        %swap3A_428 = arith.index_cast %mul3A_427 : i32 to index
        %swap3A_429 = tpu.vector_load %arg9[%swap3A_428] {strides = array<i32>} : memref<8192xi32, #tpu.memory_space<vmem>>, vector<16xi32>,
        tpu.vector_store %arg9[%swap3A_428], %broadcast_in_dim3A_31 {strides = array<i32>} : memref<8192xi32, #tpu.memory_space<vmem>>, vector<16xi32>,
        %mul3A_430 = arith.constant 8 : i32
        %mul3A_431 = arith.muli %add3A_421, %mul3A_430 : i32
        %add3A_432 = arith.constant 1 : i32
        %add3A_433 = arith.addi %mul3A_431, %add3A_432 : i32
        %mul3A_434 = arith.constant 16 : i32
        %mul3A_435 = arith.muli %add3A_433, %mul3A_434 : i32
        %swap3A_436 = arith.index_cast %mul3A_435 : i32 to index
        %swap3A_437 = tpu.vector_load %arg9[%swap3A_436] {strides = array<i32>} : memref<8192xi32, #tpu.memory_space<vmem>>, vector<16xi32>,
        tpu.vector_store %arg9[%swap3A_436], %broadcast_in_dim3A_31 {strides = array<i32>} : memref<8192xi32, #tpu.memory_space<vmem>>, vector<16xi32>,
        %mul3A_438 = arith.constant 8 : i32
        %mul3A_439 = arith.muli %add3A_421, %mul3A_438 : i32
        %add3A_440 = arith.constant 2 : i32
        %add3A_441 = arith.addi %mul3A_439, %add3A_440 : i32
        %mul3A_442 = arith.constant 16 : i32
        %mul3A_443 = arith.muli %add3A_441, %mul3A_442 : i32
        %swap3A_444 = arith.index_cast %mul3A_443 : i32 to index
        %swap3A_445 = tpu.vector_load %arg9[%swap3A_444] {strides = array<i32>} : memref<8192xi32, #tpu.memory_space<vmem>>, vector<16xi32>,
        tpu.vector_store %arg9[%swap3A_444], %broadcast_in_dim3A_31 {strides = array<i32>} : memref<8192xi32, #tpu.memory_space<vmem>>, vector<16xi32>,
        %mul3A_446 = arith.constant 8 : i32
        %mul3A_447 = arith.muli %add3A_421, %mul3A_446 : i32
        %add3A_448 = arith.constant 3 : i32
        %add3A_449 = arith.addi %mul3A_447, %add3A_448 : i32
        %mul3A_450 = arith.constant 16 : i32
        %mul3A_451 = arith.muli %add3A_449, %mul3A_450 : i32
        %swap3A_452 = arith.index_cast %mul3A_451 : i32 to index
        %swap3A_453 = tpu.vector_load %arg9[%swap3A_452] {strides = array<i32>} : memref<8192xi32, #tpu.memory_space<vmem>>, vector<16xi32>,
        tpu.vector_store %arg9[%swap3A_452], %broadcast_in_dim3A_31 {strides = array<i32>} : memref<8192xi32, #tpu.memory_space<vmem>>, vector<16xi32>,
        %mul3A_454 = arith.constant 8 : i32
        %mul3A_455 = arith.muli %add3A_421, %mul3A_454 : i32
        %add3A_456 = arith.constant 4 : i32
        %add3A_457 = arith.addi %mul3A_455, %add3A_456 : i32
        %mul3A_458 = arith.constant 16 : i32
        %mul3A_459 = arith.muli %add3A_457, %mul3A_458 : i32
        %swap3A_460 = arith.index_cast %mul3A_459 : i32 to index
        %swap3A_461 = tpu.vector_load %arg9[%swap3A_460] {strides = array<i32>} : memref<8192xi32, #tpu.memory_space<vmem>>, vector<16xi32>,
        tpu.vector_store %arg9[%swap3A_460], %broadcast_in_dim3A_31 {strides = array<i32>} : memref<8192xi32, #tpu.memory_space<vmem>>, vector<16xi32>,
        %mul3A_462 = arith.constant 8 : i32
        %mul3A_463 = arith.muli %add3A_421, %mul3A_462 : i32
        %add3A_464 = arith.constant 5 : i32
        %add3A_465 = arith.addi %mul3A_463, %add3A_464 : i32
        %mul3A_466 = arith.constant 16 : i32
        %mul3A_467 = arith.muli %add3A_465, %mul3A_466 : i32
        %swap3A_468 = arith.index_cast %mul3A_467 : i32 to index
        %swap3A_469 = tpu.vector_load %arg9[%swap3A_468] {strides = array<i32>} : memref<8192xi32, #tpu.memory_space<vmem>>, vector<16xi32>,
        tpu.vector_store %arg9[%swap3A_468], %broadcast_in_dim3A_31 {strides = array<i32>} : memref<8192xi32, #tpu.memory_space<vmem>>, vector<16xi32>,
        %mul3A_470 = arith.constant 8 : i32
        %mul3A_471 = arith.muli %add3A_421, %mul3A_470 : i32
        %add3A_472 = arith.constant 6 : i32
        %add3A_473 = arith.addi %mul3A_471, %add3A_472 : i32
        %mul3A_474 = arith.constant 16 : i32
        %mul3A_475 = arith.muli %add3A_473, %mul3A_474 : i32
        %swap3A_476 = arith.index_cast %mul3A_475 : i32 to index
        %swap3A_477 = tpu.vector_load %arg9[%swap3A_476] {strides = array<i32>} : memref<8192xi32, #tpu.memory_space<vmem>>, vector<16xi32>,
        tpu.vector_store %arg9[%swap3A_476], %broadcast_in_dim3A_31 {strides = array<i32>} : memref<8192xi32, #tpu.memory_space<vmem>>, vector<16xi32>,
        %mul3A_478 = arith.constant 8 : i32
        %mul3A_479 = arith.muli %add3A_421, %mul3A_478 : i32
        %add3A_480 = arith.constant 7 : i32
        %add3A_481 = arith.addi %mul3A_479, %add3A_480 : i32
        %mul3A_482 = arith.constant 16 : i32
        %mul3A_483 = arith.muli %add3A_481, %mul3A_482 : i32
        %swap3A_484 = arith.index_cast %mul3A_483 : i32 to index
        %swap3A_485 = tpu.vector_load %arg9[%swap3A_484] {strides = array<i32>} : memref<8192xi32, #tpu.memory_space<vmem>>, vector<16xi32>,
        tpu.vector_store %arg9[%swap3A_484], %broadcast_in_dim3A_31 {strides = array<i32>} : memref<8192xi32, #tpu.memory_space<vmem>>, vector<16xi32>,
      }
      %scan3A_366 = arith.constant 64 : i32
      %shift_right_logical3A = arith.constant 5 : i32
      %shift_right_logical3A_367 = arith.shrui %reduce_max3A_61, %shift_right_logical3A : i32
      %and3A_368 = arith.constant 31 : i32
      %and3A_369 = arith.andi %reduce_max3A_61, %and3A_368 : i32
      %mul3A_370 = arith.constant 16 : i32
      %mul3A_371 = arith.muli %reduce_max3A_46, %mul3A_370 : i32
      %get3A_372 = arith.index_cast %mul3A_371 : i32 to index
      %get3A_373 = tpu.vector_load %arg8[%get3A_372] {strides = array<i32>} : memref<8192xi32, #tpu.memory_space<vmem>>, vector<16xi32>,
      %eq3A_374 = vector.broadcast %shift_right_logical3A_367 : i32 to vector<16xi32>
      %eq3A_375 = arith.cmpi eq, %iota3A, %eq3A_374 : vector<16xi32>
      %and3A_376 = vector.broadcast %gt3A_337 : i1 to vector<16xi1>
      %and3A_377 = arith.andi %eq3A_375, %and3A_376 : vector<16xi1>
      %shift_left3A = arith.constant 1 : i32
      %shift_left3A_378 = arith.shli %shift_left3A, %and3A_369 : i32
      %jit3A_379 = arith.constant 0 : i32
      %broadcast_in_dim3A_380 = vector.broadcast %shift_left3A_378 : i32 to vector<16xi32>
      %broadcast_in_dim3A_381 = vector.broadcast %jit3A_379 : i32 to vector<16xi32>
      %select_n3A_382 = arith.select %and3A_377, %broadcast_in_dim3A_380, %broadcast_in_dim3A_381 : vector<16xi1>, vector<16xi32>
      %and3A_383 = arith.andi %select_n3A_382, %get3A_373 : vector<16xi32>
      %mul3A_384 = arith.constant 16 : i32
      %mul3A_385 = arith.muli %reduce_max3A_46, %mul3A_384 : i32
      %swap3A = arith.index_cast %mul3A_385 : i32 to index
      %swap3A_386 = tpu.vector_load %arg9[%swap3A] {strides = array<i32>} : memref<8192xi32, #tpu.memory_space<vmem>>, vector<16xi32>,
      tpu.vector_store %arg9[%swap3A], %and3A_383 {strides = array<i32>} : memref<8192xi32, #tpu.memory_space<vmem>>, vector<16xi32>,
      %ne3A_387 = arith.constant 0 : i32
      %ne3A_388 = vector.broadcast %ne3A_387 : i32 to vector<16xi32>
      %ne3A_389 = arith.cmpi ne, %and3A_383, %ne3A_388 : vector<16xi32>
      %reduce_or3A = arith.constant 1.000000e+00 : f32
      %reduce_or3A_390 = arith.constant 0.000000e+00 : f32
      %reduce_or3A_391 = vector.broadcast %reduce_or3A : f32 to vector<16xf32>
      %reduce_or3A_392 = vector.broadcast %reduce_or3A_390 : f32 to vector<16xf32>
      %reduce_or3A_393 = arith.select %ne3A_389, %reduce_or3A_391, %reduce_or3A_392 : vector<16xi1>, vector<16xf32>
      %reduce_or3A_394 = arith.constant true
      %reduce_or3A_395 = vector.broadcast %reduce_or3A_394 : i1 to vector<16xi1>
      %reduce_or3A_396 = tpu.scan <max>, %reduce_or3A_393 masked %reduce_or3A_395 : vector<16xf32>, vector<16xi1> -> vector<16xf32>
      %reduce_or3A_397 = vector.extract %reduce_or3A_396[15] : f32 from vector<16xf32>
      %reduce_or3A_398 = arith.constant 0.000000e+00 : f32
      %reduce_or3A_399 = arith.cmpf ogt, %reduce_or3A_397, %reduce_or3A_398 : f32
      %while3A = arith.constant 0 : i32
      %while3A_400:4 = scf.while (%while3A_417 = %reduce_max3A_46, %while3A_418 = %reduce_max3A_46, %while3A_419 = %while3A, %while3A_420 = %reduce_or3A_399) : (i32, i32, i32, i1) -> (i32, i32, i32, i1) {
        %lt3A_421 = arith.constant 1024 : i32
        %lt3A_422 = arith.cmpi slt, %while3A_419, %lt3A_421 : i32
        %and3A_423 = arith.andi %while3A_420, %lt3A_422 : i1
        scf.condition(%and3A_423) %while3A_417, %while3A_418, %while3A_419, %while3A_420 : i32, i32, i32, i1
      } do {
      ^bb0(%while3A_417: i32, %while3A_418: i32, %while3A_419: i32, %while3A_420: i1):
        %sub3A_421 = arith.constant 1 : i32
        %sub3A_422 = arith.subi %while3A_417, %sub3A_421 : i32
        %max3A = arith.constant 0 : i32
        %max3A_423 = arith.maxsi %sub3A_422, %max3A : i32
        %add3A_424 = arith.constant 1 : i32
        %add3A_425 = arith.addi %while3A_418, %add3A_424 : i32
        %min3A_426 = arith.constant 511 : i32
        %min3A_427 = arith.minsi %add3A_425, %min3A_426 : i32
        %add3A_428 = arith.constant 1 : i32
        %add3A_429 = arith.addi %min3A_427, %add3A_428 : i32
        %while3A_430 = arith.subi %add3A_429, %max3A_423 : i32
        %while3A_431 = arith.addi %max3A_423, %while3A_430 : i32
        %while3A_432 = arith.constant 1 : i32
        %while3A_433 = arith.divsi %while3A_430, %while3A_432 : i32
        %while3A_434 = arith.muli %while3A_433, %while3A_432 : i32
        %while3A_435 = arith.addi %max3A_423, %while3A_434 : i32
        %while3A_436 = arith.constant 1 : i32
        %while3A_437:4 = scf.for %while3A_486 = %max3A_423 to %while3A_435 step %while3A_436 iter_args(%while3A_487 = %broadcast_in_dim3A_31, %while3A_488 = %broadcast_in_dim3A_31, %while3A_489 = %broadcast_in_dim3A_31, %while3A_490 = %broadcast_in_dim3A_31) -> (vector<16xi32>, vector<16xi32>, vector<16xi32>, vector<16xi32>)  : i32 {
          %add3A_491 = arith.constant 1 : i32
          %add3A_492 = arith.addi %while3A_486, %add3A_491 : i32
          %min3A_493 = arith.constant 511 : i32
          %min3A_494 = arith.minsi %add3A_492, %min3A_493 : i32
          %mul3A_495 = arith.constant 16 : i32
          %mul3A_496 = arith.muli %min3A_494, %mul3A_495 : i32
          %get3A_497 = arith.index_cast %mul3A_496 : i32 to index
          %get3A_498 = tpu.vector_load %arg9[%get3A_497] {strides = array<i32>} : memref<8192xi32, #tpu.memory_space<vmem>>, vector<16xi32>,
          %lt3A_499 = arith.constant 511 : i32
          %lt3A_500 = arith.cmpi slt, %while3A_486, %lt3A_499 : i32
          %jit3A_501 = arith.constant 0 : i32
          %broadcast_in_dim3A_502 = vector.broadcast %jit3A_501 : i32 to vector<16xi32>
          %select_n3A_503 = arith.select %lt3A_500, %get3A_498, %broadcast_in_dim3A_502 : vector<16xi32>
          %or3A_504 = arith.ori %while3A_487, %select_n3A_503 : vector<16xi32>
          %mul3A_505 = arith.constant 16 : i32
          %mul3A_506 = arith.muli %while3A_486, %mul3A_505 : i32
          %get3A_507 = arith.index_cast %mul3A_506 : i32 to index
          %get3A_508 = tpu.vector_load %arg9[%get3A_507] {strides = array<i32>} : memref<8192xi32, #tpu.memory_space<vmem>>, vector<16xi32>,
          %get3A_509 = arith.index_cast %mul3A_506 : i32 to index
          %get3A_510 = tpu.vector_load %arg8[%get3A_509] {strides = array<i32>} : memref<8192xi32, #tpu.memory_space<vmem>>, vector<16xi32>,
          %sub3A_511 = arith.constant 1 : i32
          %sub3A_512 = vector.broadcast %sub3A_511 : i32 to vector<16xi32>
          %sub3A_513 = arith.subi %iota3A, %sub3A_512 : vector<16xi32>
          %max3A_514 = arith.constant 0 : i32
          %max3A_515 = vector.broadcast %max3A_514 : i32 to vector<16xi32>
          %max3A_516 = arith.maxsi %sub3A_513, %max3A_515 : vector<16xi32>
          %add3A_517 = vector.broadcast %mul3A_506 : i32 to vector<16xi32>
          %add3A_518 = arith.addi %add3A_517, %max3A_516 : vector<16xi32>
          %gather3A_519 = tpu.vector_load_idx %arg9[%add3A_518] : memref<8192xi32, #tpu.memory_space<vmem>>[vector<16xi32>], vector<16xi32>,
          %ge3A = arith.constant 1 : i32
          %ge3A_520 = vector.broadcast %ge3A : i32 to vector<16xi32>
          %ge3A_521 = arith.cmpi sge, %iota3A, %ge3A_520 : vector<16xi32>
          %jit3A_522 = arith.constant 0 : i32
          %broadcast_in_dim3A_523 = vector.broadcast %jit3A_522 : i32 to vector<16xi32>
          %select_n3A_524 = arith.select %ge3A_521, %gather3A_519, %broadcast_in_dim3A_523 : vector<16xi1>, vector<16xi32>
          %add3A_525 = arith.constant 1 : i32
          %add3A_526 = vector.broadcast %add3A_525 : i32 to vector<16xi32>
          %add3A_527 = arith.addi %iota3A, %add3A_526 : vector<16xi32>
          %min3A_528 = arith.constant 15 : i32
          %min3A_529 = vector.broadcast %min3A_528 : i32 to vector<16xi32>
          %min3A_530 = arith.minsi %add3A_527, %min3A_529 : vector<16xi32>
          %add3A_531 = vector.broadcast %mul3A_506 : i32 to vector<16xi32>
          %add3A_532 = arith.addi %add3A_531, %min3A_530 : vector<16xi32>
          %gather3A_533 = tpu.vector_load_idx %arg9[%add3A_532] : memref<8192xi32, #tpu.memory_space<vmem>>[vector<16xi32>], vector<16xi32>,
          %le3A = arith.constant 14 : i32
          %le3A_534 = vector.broadcast %le3A : i32 to vector<16xi32>
          %le3A_535 = arith.cmpi sle, %iota3A, %le3A_534 : vector<16xi32>
          %jit3A_536 = arith.constant 0 : i32
          %broadcast_in_dim3A_537 = vector.broadcast %jit3A_536 : i32 to vector<16xi32>
          %select_n3A_538 = arith.select %le3A_535, %gather3A_533, %broadcast_in_dim3A_537 : vector<16xi1>, vector<16xi32>
          %shift_left3A_539 = arith.constant 1 : i32
          %shift_left3A_540 = vector.broadcast %shift_left3A_539 : i32 to vector<16xi32>
          %shift_left3A_541 = arith.shli %get3A_508, %shift_left3A_540 : vector<16xi32>
          %or3A_542 = arith.ori %get3A_508, %shift_left3A_541 : vector<16xi32>
          %shift_right_logical3A_543 = arith.constant 1 : i32
          %shift_right_logical3A_544 = vector.broadcast %shift_right_logical3A_543 : i32 to vector<16xi32>
          %shift_right_logical3A_545 = arith.shrui %get3A_508, %shift_right_logical3A_544 : vector<16xi32>
          %or3A_546 = arith.ori %or3A_542, %shift_right_logical3A_545 : vector<16xi32>
          %shift_right_logical3A_547 = arith.constant 31 : i32
          %shift_right_logical3A_548 = vector.broadcast %shift_right_logical3A_547 : i32 to vector<16xi32>
          %shift_right_logical3A_549 = arith.shrui %select_n3A_524, %shift_right_logical3A_548 : vector<16xi32>
          %or3A_550 = arith.ori %or3A_546, %shift_right_logical3A_549 : vector<16xi32>
          %shift_left3A_551 = arith.constant 31 : i32
          %shift_left3A_552 = vector.broadcast %shift_left3A_551 : i32 to vector<16xi32>
          %shift_left3A_553 = arith.shli %select_n3A_538, %shift_left3A_552 : vector<16xi32>
          %or3A_554 = arith.ori %or3A_550, %shift_left3A_553 : vector<16xi32>
          %or3A_555 = arith.ori %or3A_554, %or3A_504 : vector<16xi32>
          %and3A_556 = arith.andi %or3A_555, %get3A_510 : vector<16xi32>
          %swap3A_557 = arith.index_cast %mul3A_506 : i32 to index
          %swap3A_558 = tpu.vector_load %arg9[%swap3A_557] {strides = array<i32>} : memref<8192xi32, #tpu.memory_space<vmem>>, vector<16xi32>,
          tpu.vector_store %arg9[%swap3A_557], %and3A_556 {strides = array<i32>} : memref<8192xi32, #tpu.memory_space<vmem>>, vector<16xi32>,
          %xor3A = arith.xori %and3A_556, %get3A_508 : vector<16xi32>
          %or3A_559 = arith.ori %while3A_488, %xor3A : vector<16xi32>
          %eq3A_560 = arith.cmpi eq, %while3A_486, %max3A_423 : i32
          %select_n3A_561 = arith.select %eq3A_560, %and3A_556, %while3A_489 : vector<16xi32>
          %eq3A_562 = arith.cmpi eq, %while3A_486, %min3A_427 : i32
          %select_n3A_563 = arith.select %eq3A_562, %and3A_556, %while3A_490 : vector<16xi32>
          scf.yield %get3A_508, %or3A_559, %select_n3A_561, %select_n3A_563 : vector<16xi32>, vector<16xi32>, vector<16xi32>, vector<16xi32>
        }
        %while3A_438 = arith.constant 1 : i32
        %while3A_439:4 = scf.for %while3A_486 = %while3A_435 to %while3A_431 step %while3A_438 iter_args(%while3A_487 = %while3A_437#0, %while3A_488 = %while3A_437#1, %while3A_489 = %while3A_437#2, %while3A_490 = %while3A_437#3) -> (vector<16xi32>, vector<16xi32>, vector<16xi32>, vector<16xi32>)  : i32 {
          %add3A_491 = arith.constant 1 : i32
          %add3A_492 = arith.addi %while3A_486, %add3A_491 : i32
          %min3A_493 = arith.constant 511 : i32
          %min3A_494 = arith.minsi %add3A_492, %min3A_493 : i32
          %mul3A_495 = arith.constant 16 : i32
          %mul3A_496 = arith.muli %min3A_494, %mul3A_495 : i32
          %get3A_497 = arith.index_cast %mul3A_496 : i32 to index
          %get3A_498 = tpu.vector_load %arg9[%get3A_497] {strides = array<i32>} : memref<8192xi32, #tpu.memory_space<vmem>>, vector<16xi32>,
          %lt3A_499 = arith.constant 511 : i32
          %lt3A_500 = arith.cmpi slt, %while3A_486, %lt3A_499 : i32
          %jit3A_501 = arith.constant 0 : i32
          %broadcast_in_dim3A_502 = vector.broadcast %jit3A_501 : i32 to vector<16xi32>
          %select_n3A_503 = arith.select %lt3A_500, %get3A_498, %broadcast_in_dim3A_502 : vector<16xi32>
          %or3A_504 = arith.ori %while3A_487, %select_n3A_503 : vector<16xi32>
          %mul3A_505 = arith.constant 16 : i32
          %mul3A_506 = arith.muli %while3A_486, %mul3A_505 : i32
          %get3A_507 = arith.index_cast %mul3A_506 : i32 to index
          %get3A_508 = tpu.vector_load %arg9[%get3A_507] {strides = array<i32>} : memref<8192xi32, #tpu.memory_space<vmem>>, vector<16xi32>,
          %get3A_509 = arith.index_cast %mul3A_506 : i32 to index
          %get3A_510 = tpu.vector_load %arg8[%get3A_509] {strides = array<i32>} : memref<8192xi32, #tpu.memory_space<vmem>>, vector<16xi32>,
          %sub3A_511 = arith.constant 1 : i32
          %sub3A_512 = vector.broadcast %sub3A_511 : i32 to vector<16xi32>
          %sub3A_513 = arith.subi %iota3A, %sub3A_512 : vector<16xi32>
          %max3A_514 = arith.constant 0 : i32
          %max3A_515 = vector.broadcast %max3A_514 : i32 to vector<16xi32>
          %max3A_516 = arith.maxsi %sub3A_513, %max3A_515 : vector<16xi32>
          %add3A_517 = vector.broadcast %mul3A_506 : i32 to vector<16xi32>
          %add3A_518 = arith.addi %add3A_517, %max3A_516 : vector<16xi32>
          %gather3A_519 = tpu.vector_load_idx %arg9[%add3A_518] : memref<8192xi32, #tpu.memory_space<vmem>>[vector<16xi32>], vector<16xi32>,
          %ge3A = arith.constant 1 : i32
          %ge3A_520 = vector.broadcast %ge3A : i32 to vector<16xi32>
          %ge3A_521 = arith.cmpi sge, %iota3A, %ge3A_520 : vector<16xi32>
          %jit3A_522 = arith.constant 0 : i32
          %broadcast_in_dim3A_523 = vector.broadcast %jit3A_522 : i32 to vector<16xi32>
          %select_n3A_524 = arith.select %ge3A_521, %gather3A_519, %broadcast_in_dim3A_523 : vector<16xi1>, vector<16xi32>
          %add3A_525 = arith.constant 1 : i32
          %add3A_526 = vector.broadcast %add3A_525 : i32 to vector<16xi32>
          %add3A_527 = arith.addi %iota3A, %add3A_526 : vector<16xi32>
          %min3A_528 = arith.constant 15 : i32
          %min3A_529 = vector.broadcast %min3A_528 : i32 to vector<16xi32>
          %min3A_530 = arith.minsi %add3A_527, %min3A_529 : vector<16xi32>
          %add3A_531 = vector.broadcast %mul3A_506 : i32 to vector<16xi32>
          %add3A_532 = arith.addi %add3A_531, %min3A_530 : vector<16xi32>
          %gather3A_533 = tpu.vector_load_idx %arg9[%add3A_532] : memref<8192xi32, #tpu.memory_space<vmem>>[vector<16xi32>], vector<16xi32>,
          %le3A = arith.constant 14 : i32
          %le3A_534 = vector.broadcast %le3A : i32 to vector<16xi32>
          %le3A_535 = arith.cmpi sle, %iota3A, %le3A_534 : vector<16xi32>
          %jit3A_536 = arith.constant 0 : i32
          %broadcast_in_dim3A_537 = vector.broadcast %jit3A_536 : i32 to vector<16xi32>
          %select_n3A_538 = arith.select %le3A_535, %gather3A_533, %broadcast_in_dim3A_537 : vector<16xi1>, vector<16xi32>
          %shift_left3A_539 = arith.constant 1 : i32
          %shift_left3A_540 = vector.broadcast %shift_left3A_539 : i32 to vector<16xi32>
          %shift_left3A_541 = arith.shli %get3A_508, %shift_left3A_540 : vector<16xi32>
          %or3A_542 = arith.ori %get3A_508, %shift_left3A_541 : vector<16xi32>
          %shift_right_logical3A_543 = arith.constant 1 : i32
          %shift_right_logical3A_544 = vector.broadcast %shift_right_logical3A_543 : i32 to vector<16xi32>
          %shift_right_logical3A_545 = arith.shrui %get3A_508, %shift_right_logical3A_544 : vector<16xi32>
          %or3A_546 = arith.ori %or3A_542, %shift_right_logical3A_545 : vector<16xi32>
          %shift_right_logical3A_547 = arith.constant 31 : i32
          %shift_right_logical3A_548 = vector.broadcast %shift_right_logical3A_547 : i32 to vector<16xi32>
          %shift_right_logical3A_549 = arith.shrui %select_n3A_524, %shift_right_logical3A_548 : vector<16xi32>
          %or3A_550 = arith.ori %or3A_546, %shift_right_logical3A_549 : vector<16xi32>
          %shift_left3A_551 = arith.constant 31 : i32
          %shift_left3A_552 = vector.broadcast %shift_left3A_551 : i32 to vector<16xi32>
          %shift_left3A_553 = arith.shli %select_n3A_538, %shift_left3A_552 : vector<16xi32>
          %or3A_554 = arith.ori %or3A_550, %shift_left3A_553 : vector<16xi32>
          %or3A_555 = arith.ori %or3A_554, %or3A_504 : vector<16xi32>
          %and3A_556 = arith.andi %or3A_555, %get3A_510 : vector<16xi32>
          %swap3A_557 = arith.index_cast %mul3A_506 : i32 to index
          %swap3A_558 = tpu.vector_load %arg9[%swap3A_557] {strides = array<i32>} : memref<8192xi32, #tpu.memory_space<vmem>>, vector<16xi32>,
          tpu.vector_store %arg9[%swap3A_557], %and3A_556 {strides = array<i32>} : memref<8192xi32, #tpu.memory_space<vmem>>, vector<16xi32>,
          %xor3A = arith.xori %and3A_556, %get3A_508 : vector<16xi32>
          %or3A_559 = arith.ori %while3A_488, %xor3A : vector<16xi32>
          %eq3A_560 = arith.cmpi eq, %while3A_486, %max3A_423 : i32
          %select_n3A_561 = arith.select %eq3A_560, %and3A_556, %while3A_489 : vector<16xi32>
          %eq3A_562 = arith.cmpi eq, %while3A_486, %min3A_427 : i32
          %select_n3A_563 = arith.select %eq3A_562, %and3A_556, %while3A_490 : vector<16xi32>
          scf.yield %get3A_508, %or3A_559, %select_n3A_561, %select_n3A_563 : vector<16xi32>, vector<16xi32>, vector<16xi32>, vector<16xi32>
        }
        %ne3A_440 = arith.constant 0 : i32
        %ne3A_441 = vector.broadcast %ne3A_440 : i32 to vector<16xi32>
        %ne3A_442 = arith.cmpi ne, %while3A_439#1, %ne3A_441 : vector<16xi32>
        %reduce_or3A_443 = arith.constant 1.000000e+00 : f32
        %reduce_or3A_444 = arith.constant 0.000000e+00 : f32
        %reduce_or3A_445 = vector.broadcast %reduce_or3A_443 : f32 to vector<16xf32>
        %reduce_or3A_446 = vector.broadcast %reduce_or3A_444 : f32 to vector<16xf32>
        %reduce_or3A_447 = arith.select %ne3A_442, %reduce_or3A_445, %reduce_or3A_446 : vector<16xi1>, vector<16xf32>
        %reduce_or3A_448 = arith.constant true
        %reduce_or3A_449 = vector.broadcast %reduce_or3A_448 : i1 to vector<16xi1>
        %reduce_or3A_450 = tpu.scan <max>, %reduce_or3A_447 masked %reduce_or3A_449 : vector<16xf32>, vector<16xi1> -> vector<16xf32>
        %reduce_or3A_451 = vector.extract %reduce_or3A_450[15] : f32 from vector<16xf32>
        %reduce_or3A_452 = arith.constant 0.000000e+00 : f32
        %reduce_or3A_453 = arith.cmpf ogt, %reduce_or3A_451, %reduce_or3A_452 : f32
        %ne3A_454 = arith.constant 0 : i32
        %ne3A_455 = vector.broadcast %ne3A_454 : i32 to vector<16xi32>
        %ne3A_456 = arith.cmpi ne, %while3A_439#2, %ne3A_455 : vector<16xi32>
        %reduce_or3A_457 = arith.constant 1.000000e+00 : f32
        %reduce_or3A_458 = arith.constant 0.000000e+00 : f32
        %reduce_or3A_459 = vector.broadcast %reduce_or3A_457 : f32 to vector<16xf32>
        %reduce_or3A_460 = vector.broadcast %reduce_or3A_458 : f32 to vector<16xf32>
        %reduce_or3A_461 = arith.select %ne3A_456, %reduce_or3A_459, %reduce_or3A_460 : vector<16xi1>, vector<16xf32>
        %reduce_or3A_462 = arith.constant true
        %reduce_or3A_463 = vector.broadcast %reduce_or3A_462 : i1 to vector<16xi1>
        %reduce_or3A_464 = tpu.scan <max>, %reduce_or3A_461 masked %reduce_or3A_463 : vector<16xf32>, vector<16xi1> -> vector<16xf32>
        %reduce_or3A_465 = vector.extract %reduce_or3A_464[15] : f32 from vector<16xf32>
        %reduce_or3A_466 = arith.constant 0.000000e+00 : f32
        %reduce_or3A_467 = arith.cmpf ogt, %reduce_or3A_465, %reduce_or3A_466 : f32
        %select_n3A_468 = arith.select %reduce_or3A_467, %max3A_423, %while3A_417 : i32
        %ne3A_469 = arith.constant 0 : i32
        %ne3A_470 = vector.broadcast %ne3A_469 : i32 to vector<16xi32>
        %ne3A_471 = arith.cmpi ne, %while3A_439#3, %ne3A_470 : vector<16xi32>
        %reduce_or3A_472 = arith.constant 1.000000e+00 : f32
        %reduce_or3A_473 = arith.constant 0.000000e+00 : f32
        %reduce_or3A_474 = vector.broadcast %reduce_or3A_472 : f32 to vector<16xf32>
        %reduce_or3A_475 = vector.broadcast %reduce_or3A_473 : f32 to vector<16xf32>
        %reduce_or3A_476 = arith.select %ne3A_471, %reduce_or3A_474, %reduce_or3A_475 : vector<16xi1>, vector<16xf32>
        %reduce_or3A_477 = arith.constant true
        %reduce_or3A_478 = vector.broadcast %reduce_or3A_477 : i1 to vector<16xi1>
        %reduce_or3A_479 = tpu.scan <max>, %reduce_or3A_476 masked %reduce_or3A_478 : vector<16xf32>, vector<16xi1> -> vector<16xf32>
        %reduce_or3A_480 = vector.extract %reduce_or3A_479[15] : f32 from vector<16xf32>
        %reduce_or3A_481 = arith.constant 0.000000e+00 : f32
        %reduce_or3A_482 = arith.cmpf ogt, %reduce_or3A_480, %reduce_or3A_481 : f32
        %select_n3A_483 = arith.select %reduce_or3A_482, %min3A_427, %while3A_418 : i32
        %add3A_484 = arith.constant 1 : i32
        %add3A_485 = arith.addi %while3A_419, %add3A_484 : i32
        scf.yield %select_n3A_468, %select_n3A_483, %add3A_485, %reduce_or3A_453 : i32, i32, i32, i1
      }
      "tpu.region"() ({
        %run_scoped3A = tpu.sem_alloc : memref<!tpu.dma_semaphore, #tpu.memory_space<semaphore_mem>>
        %dma_start3A_417 = arith.constant 0 : i32
        %dma_start3A_418 = tpu.memref_slice %arg4[%add3A, %dma_start3A_417] : memref<4x8192xi32, #tpu.memory_space<hbm>> -> memref<1x8192xi32, #tpu.memory_space<hbm>>
        %dma_start3A_419 = tpu.memref_squeeze %dma_start3A_418 : memref<1x8192xi32, #tpu.memory_space<hbm>> -> memref<8192xi32, #tpu.memory_space<hbm>>
        %dma_start3A_420 = arith.constant 0 : i32
        %dma_start3A_421 = tpu.memref_slice %arg4[%add3A, %dma_start3A_420] : memref<4x8192xi32, #tpu.memory_space<hbm>> -> memref<1x8192xi32, #tpu.memory_space<hbm>>
        %dma_start3A_422 = tpu.memref_squeeze %dma_start3A_421 : memref<1x8192xi32, #tpu.memory_space<hbm>> -> memref<8192xi32, #tpu.memory_space<hbm>>
        tpu.enqueue_dma source(%arg9 : memref<8192xi32, #tpu.memory_space<vmem>>) target(%dma_start3A_422 : memref<8192xi32, #tpu.memory_space<hbm>>) target_semaphore(%run_scoped3A : memref<!tpu.dma_semaphore, #tpu.memory_space<semaphore_mem>>)
        %dma_wait3A_423 = arith.constant 0 : i32
        %dma_wait3A_424 = tpu.memref_slice %arg4[%add3A, %dma_wait3A_423] : memref<4x8192xi32, #tpu.memory_space<hbm>> -> memref<1x8192xi32, #tpu.memory_space<hbm>>
        %dma_wait3A_425 = tpu.memref_squeeze %dma_wait3A_424 : memref<1x8192xi32, #tpu.memory_space<hbm>> -> memref<8192xi32, #tpu.memory_space<hbm>>
        %dma_wait3A_426 = arith.constant 0 : i32
        %dma_wait3A_427 = tpu.memref_slice %arg4[%add3A, %dma_wait3A_426] : memref<4x8192xi32, #tpu.memory_space<hbm>> -> memref<1x8192xi32, #tpu.memory_space<hbm>>
        %dma_wait3A_428 = tpu.memref_squeeze %dma_wait3A_427 : memref<1x8192xi32, #tpu.memory_space<hbm>> -> memref<8192xi32, #tpu.memory_space<hbm>>
        tpu.wait_dma2 semaphore(%run_scoped3A : memref<!tpu.dma_semaphore, #tpu.memory_space<semaphore_mem>>) src(%arg9 : memref<8192xi32, #tpu.memory_space<vmem>>) dst(%dma_wait3A_428 : memref<8192xi32, #tpu.memory_space<hbm>>)
        tpu.yield
      }) : () -> ()
      %eq3A_401 = arith.constant 0 : i32
      %eq3A_402 = vector.broadcast %eq3A_401 : i32 to vector<16xi32>
      %eq3A_403 = arith.cmpi eq, %iota3A, %eq3A_402 : vector<16xi32>
      %jit3A_404 = arith.constant 0 : i32
      %broadcast_in_dim3A_405 = vector.broadcast %select_n3A_349 : i32 to vector<16xi32>
      %broadcast_in_dim3A_406 = vector.broadcast %jit3A_404 : i32 to vector<16xi32>
      %select_n3A_407 = arith.select %eq3A_403, %broadcast_in_dim3A_405, %broadcast_in_dim3A_406 : vector<16xi1>, vector<16xi32>
      %eq3A_408 = arith.constant 1 : i32
      %eq3A_409 = vector.broadcast %eq3A_408 : i32 to vector<16xi32>
      %eq3A_410 = arith.cmpi eq, %iota3A, %eq3A_409 : vector<16xi32>
      %jit3A_411 = arith.constant 0 : i32
      %broadcast_in_dim3A_412 = vector.broadcast %reduce_max3A_76 : i32 to vector<16xi32>
      %broadcast_in_dim3A_413 = vector.broadcast %jit3A_411 : i32 to vector<16xi32>
      %select_n3A_414 = arith.select %eq3A_410, %broadcast_in_dim3A_412, %broadcast_in_dim3A_413 : vector<16xi1>, vector<16xi32>
      %or3A = arith.ori %select_n3A_407, %select_n3A_414 : vector<16xi32>
      %swap3A_415 = arith.constant 0 : index
      %swap3A_416 = tpu.vector_load %arg12[%swap3A_415] {strides = array<i32>} : memref<16xi32, #tpu.memory_space<vmem>>, vector<16xi32>,
      tpu.vector_store %arg12[%swap3A_415], %or3A {strides = array<i32>} : memref<16xi32, #tpu.memory_space<vmem>>, vector<16xi32>,
      "tpu.region"() ({
        %run_scoped3A = tpu.sem_alloc : memref<!tpu.dma_semaphore, #tpu.memory_space<semaphore_mem>>
        %dma_start3A_417 = arith.constant 0 : i32
        %dma_start3A_418 = tpu.memref_slice %arg5[%add3A, %dma_start3A_417] : memref<4x16xi32, #tpu.memory_space<hbm>> -> memref<1x16xi32, #tpu.memory_space<hbm>>
        %dma_start3A_419 = tpu.memref_squeeze %dma_start3A_418 : memref<1x16xi32, #tpu.memory_space<hbm>> -> memref<16xi32, #tpu.memory_space<hbm>>
        %dma_start3A_420 = arith.constant 0 : i32
        %dma_start3A_421 = tpu.memref_slice %arg5[%add3A, %dma_start3A_420] : memref<4x16xi32, #tpu.memory_space<hbm>> -> memref<1x16xi32, #tpu.memory_space<hbm>>
        %dma_start3A_422 = tpu.memref_squeeze %dma_start3A_421 : memref<1x16xi32, #tpu.memory_space<hbm>> -> memref<16xi32, #tpu.memory_space<hbm>>
        tpu.enqueue_dma source(%arg12 : memref<16xi32, #tpu.memory_space<vmem>>) target(%dma_start3A_422 : memref<16xi32, #tpu.memory_space<hbm>>) target_semaphore(%run_scoped3A : memref<!tpu.dma_semaphore, #tpu.memory_space<semaphore_mem>>)
        %dma_wait3A_423 = arith.constant 0 : i32
        %dma_wait3A_424 = tpu.memref_slice %arg5[%add3A, %dma_wait3A_423] : memref<4x16xi32, #tpu.memory_space<hbm>> -> memref<1x16xi32, #tpu.memory_space<hbm>>
        %dma_wait3A_425 = tpu.memref_squeeze %dma_wait3A_424 : memref<1x16xi32, #tpu.memory_space<hbm>> -> memref<16xi32, #tpu.memory_space<hbm>>
        %dma_wait3A_426 = arith.constant 0 : i32
        %dma_wait3A_427 = tpu.memref_slice %arg5[%add3A, %dma_wait3A_426] : memref<4x16xi32, #tpu.memory_space<hbm>> -> memref<1x16xi32, #tpu.memory_space<hbm>>
        %dma_wait3A_428 = tpu.memref_squeeze %dma_wait3A_427 : memref<1x16xi32, #tpu.memory_space<hbm>> -> memref<16xi32, #tpu.memory_space<hbm>>
        tpu.wait_dma2 semaphore(%run_scoped3A : memref<!tpu.dma_semaphore, #tpu.memory_space<semaphore_mem>>) src(%arg12 : memref<16xi32, #tpu.memory_space<vmem>>) dst(%dma_wait3A_428 : memref<16xi32, #tpu.memory_space<hbm>>)
        tpu.yield
      }) : () -> ()
    } else {
    }
    return
  }
}

module attributes {stable_mosaic.version = 14 : i64} {
  func.func @_tc_fix_body(%arg0: i32, %arg1: i32, %arg2: memref<4x16xi32, #tpu.memory_space<smem>>, %arg3: memref<1x1x512x512xf32, #tpu.memory_space<vmem>>, %arg4: memref<1x512x16xi32, #tpu.memory_space<vmem>>, %arg5: memref<1x1x512x512xf32, #tpu.memory_space<vmem>>, %arg6: memref<512x512xf32, #tpu.memory_space<vmem>>) attributes {dimension_semantics = [#tpu.dimension_semantics<arbitrary>, #tpu.dimension_semantics<arbitrary>], iteration_bounds = array<i64: 4, 2>, scalar_prefetch = 1 : i64, scratch_operands = 1 : i64, tpu.core_type = #tpu.core_type<tc>, window_params = [{transform_indices = @transform_0, window_bounds = array<i64: 1, 1, 512, 512>}, {transform_indices = @transform_1, window_bounds = array<i64: 1, 512, 16>}, {transform_indices = @transform_2, window_bounds = array<i64: 1, 1, 512, 512>}]} {
    %eq3A = arith.constant 0 : i32
    %eq3A_0 = arith.cmpi eq, %arg1, %eq3A : i32
    %convert_element_type3A = arith.extui %eq3A_0 : i1 to i32
    %cond3A = arith.constant 0 : i32
    %cond3A_1 = arith.cmpi ne, %convert_element_type3A, %cond3A : i32
    scf.if %cond3A_1 {
      %get3A_23 = arith.constant 0 : index
      %get3A_24 = arith.constant 0 : index
      %get3A_25 = arith.constant 0 : index
      %get3A_26 = vector.load %arg4[%get3A_23, %get3A_24, %get3A_25] : memref<1x512x16xi32, #tpu.memory_space<vmem>>, vector<1x512x16xi32>
      %get3A_27 = vector.shape_cast %get3A_26 : vector<1x512x16xi32> to vector<512x16xi32>
      %and3A = arith.constant 65535 : i32
      %and3A_28 = vector.broadcast %and3A : i32 to vector<512x16xi32>
      %and3A_29 = arith.andi %get3A_27, %and3A_28 : vector<512x16xi32>
      %convert_element_type3A_30 = arith.sitofp %and3A_29 : vector<512x16xi32> to vector<512x16xf32>
      %shift_right_logical3A = arith.constant 16 : i32
      %shift_right_logical3A_31 = vector.broadcast %shift_right_logical3A : i32 to vector<512x16xi32>
      %shift_right_logical3A_32 = arith.shrui %get3A_27, %shift_right_logical3A_31 : vector<512x16xi32>
      %convert_element_type3A_33 = arith.sitofp %shift_right_logical3A_32 : vector<512x16xi32> to vector<512x16xf32>
      %iota3A = tpu.iota {dimensions = array<i32: 0>} : vector<16x512xi32>
      %iota3A_34 = tpu.iota {dimensions = array<i32: 1>} : vector<16x512xi32>
      %shift_right_logical3A_35 = arith.constant 5 : i32
      %shift_right_logical3A_36 = vector.broadcast %shift_right_logical3A_35 : i32 to vector<16x512xi32>
      %shift_right_logical3A_37 = arith.shrui %iota3A_34, %shift_right_logical3A_36 : vector<16x512xi32>
      %eq3A_38 = arith.cmpi eq, %shift_right_logical3A_37, %iota3A : vector<16x512xi32>
      %convert_element_type3A_39 = arith.extui %eq3A_38 : vector<16x512xi1> to vector<16x512xi32>
      %convert_element_type3A_40 = arith.sitofp %convert_element_type3A_39 : vector<16x512xi32> to vector<16x512xf32>
      %dot_general3A = arith.constant dense<0.000000e+00> : vector<512x512xf32>
      %dot_general3A_41 = tpu.matmul %convert_element_type3A_30, %convert_element_type3A_40, %dot_general3A {dimension_numbers = #tpu.dot_dimension_numbers<[1], [0], [0], [1], [0, 0, 1, 1], [], []>, precision = #tpu.contract_precision<fp32>, transpose_lhs_hint = false} : vector<512x16xf32>, vector<16x512xf32>, vector<512x512xf32> -> vector<512x512xf32>
      %dot_general3A_42 = arith.constant dense<0.000000e+00> : vector<512x512xf32>
      %dot_general3A_43 = tpu.matmul %convert_element_type3A_33, %convert_element_type3A_40, %dot_general3A_42 {dimension_numbers = #tpu.dot_dimension_numbers<[1], [0], [0], [1], [0, 0, 1, 1], [], []>, precision = #tpu.contract_precision<fp32>, transpose_lhs_hint = false} : vector<512x16xf32>, vector<16x512xf32>, vector<512x512xf32> -> vector<512x512xf32>
      %iota3A_44 = tpu.iota {dimensions = array<i32: 1>} : vector<512x512xi32>
      %and3A_45 = arith.constant 31 : i32
      %and3A_46 = vector.broadcast %and3A_45 : i32 to vector<512x512xi32>
      %and3A_47 = arith.andi %iota3A_44, %and3A_46 : vector<512x512xi32>
      %ge3A = arith.constant 16 : i32
      %ge3A_48 = vector.broadcast %ge3A : i32 to vector<512x512xi32>
      %ge3A_49 = arith.cmpi sge, %and3A_47, %ge3A_48 : vector<512x512xi32>
      %convert_element_type3A_50 = arith.fptosi %dot_general3A_43 : vector<512x512xf32> to vector<512x512xi32>
      %convert_element_type3A_51 = arith.fptosi %dot_general3A_41 : vector<512x512xf32> to vector<512x512xi32>
      %select_n3A_52 = arith.select %ge3A_49, %convert_element_type3A_50, %convert_element_type3A_51 : vector<512x512xi1>, vector<512x512xi32>
      %and3A_53 = arith.constant 15 : i32
      %and3A_54 = vector.broadcast %and3A_53 : i32 to vector<512x512xi32>
      %and3A_55 = arith.andi %and3A_47, %and3A_54 : vector<512x512xi32>
      %shift_right_logical3A_56 = arith.shrui %select_n3A_52, %and3A_55 : vector<512x512xi32>
      %and3A_57 = arith.constant 1 : i32
      %and3A_58 = vector.broadcast %and3A_57 : i32 to vector<512x512xi32>
      %and3A_59 = arith.andi %shift_right_logical3A_56, %and3A_58 : vector<512x512xi32>
      %convert_element_type3A_60 = arith.sitofp %and3A_59 : vector<512x512xi32> to vector<512x512xf32>
      %swap3A_61 = arith.constant 0 : index
      %swap3A_62 = arith.constant 0 : index
      %swap3A_63 = vector.load %arg6[%swap3A_61, %swap3A_62] : memref<512x512xf32, #tpu.memory_space<vmem>>, vector<512x512xf32>
      tpu.vector_store %arg6[%swap3A_61, %swap3A_62], %convert_element_type3A_60 {strides = array<i32>} : memref<512x512xf32, #tpu.memory_space<vmem>>, vector<512x512xf32>,
    } else {
    }
    %get3A = arith.constant 0 : index
    %get3A_2 = arith.constant 0 : index
    %get3A_3 = vector.load %arg6[%get3A, %get3A_2] : memref<512x512xf32, #tpu.memory_space<vmem>>, vector<512x512xf32>
    %eq3A_4 = arith.constant 1 : i32
    %eq3A_5 = arith.cmpi eq, %arg1, %eq3A_4 : i32
    %jit3A = arith.constant 1.000000e+00 : f32
    %jit3A_6 = arith.constant 0.000000e+00 : f32
    %select_n3A = arith.select %eq3A_5, %jit3A, %jit3A_6 : f32
    %get3A_7 = arith.constant 0 : index
    %get3A_8 = arith.constant 0 : index
    %get3A_9 = arith.constant 0 : index
    %get3A_10 = arith.constant 0 : index
    %get3A_11 = vector.load %arg3[%get3A_7, %get3A_8, %get3A_9, %get3A_10] : memref<1x1x512x512xf32, #tpu.memory_space<vmem>>, vector<1x1x512x512xf32>
    %get3A_12 = vector.shape_cast %get3A_11 : vector<1x1x512x512xf32> to vector<512x512xf32>
    %sub3A = arith.constant 1.000000e+00 : f32
    %sub3A_13 = vector.broadcast %sub3A : f32 to vector<512x512xf32>
    %sub3A_14 = arith.subf %sub3A_13, %get3A_3 : vector<512x512xf32>
    %mul3A = arith.mulf %get3A_12, %sub3A_14 : vector<512x512xf32>
    %mul3A_15 = vector.broadcast %select_n3A : f32 to vector<512x512xf32>
    %mul3A_16 = arith.mulf %get3A_3, %mul3A_15 : vector<512x512xf32>
    %add3A = arith.addf %mul3A, %mul3A_16 : vector<512x512xf32>
    %swap3A = arith.constant 0 : index
    %swap3A_17 = arith.constant 0 : index
    %swap3A_18 = arith.constant 0 : index
    %swap3A_19 = arith.constant 0 : index
    %swap3A_20 = vector.load %arg5[%swap3A, %swap3A_17, %swap3A_18, %swap3A_19] : memref<1x1x512x512xf32, #tpu.memory_space<vmem>>, vector<1x1x512x512xf32>
    %swap3A_21 = vector.shape_cast %swap3A_20 : vector<1x1x512x512xf32> to vector<512x512xf32>
    %swap3A_22 = vector.shape_cast %add3A : vector<512x512xf32> to vector<1x1x512x512xf32>
    tpu.vector_store %arg5[%swap3A, %swap3A_17, %swap3A_18, %swap3A_19], %swap3A_22 {strides = array<i32>} : memref<1x1x512x512xf32, #tpu.memory_space<vmem>>, vector<1x1x512x512xf32>,
    return
  }
  func.func @transform_0(%arg0: i32, %arg1: i32, %arg2: memref<4x16xi32, #tpu.memory_space<smem>>) -> (i32, i32, i32, i32) {
    %get3A = arith.index_cast %arg0 : i32 to index
    %get3A_0 = arith.index_cast %arg1 : i32 to index
    %get3A_1 = memref.load %arg2[%get3A, %get3A_0] : memref<4x16xi32, #tpu.memory_space<smem>>
    %c0_i32 = arith.constant 0 : i32
    %c0_i32_2 = arith.constant 0 : i32
    %c0_i32_3 = arith.constant 0 : i32
    return %arg0, %get3A_1, %c0_i32, %c0_i32_2 : i32, i32, i32, i32
  }
  func.func @transform_1(%arg0: i32, %arg1: i32, %arg2: memref<4x16xi32, #tpu.memory_space<smem>>) -> (i32, i32, i32) {
    %c0_i32 = arith.constant 0 : i32
    %c0_i32_0 = arith.constant 0 : i32
    %c0_i32_1 = arith.constant 0 : i32
    return %arg0, %c0_i32, %c0_i32_0 : i32, i32, i32
  }
  func.func @transform_2(%arg0: i32, %arg1: i32, %arg2: memref<4x16xi32, #tpu.memory_space<smem>>) -> (i32, i32, i32, i32) {
    %get3A = arith.index_cast %arg0 : i32 to index
    %get3A_0 = arith.index_cast %arg1 : i32 to index
    %get3A_1 = memref.load %arg2[%get3A, %get3A_0] : memref<4x16xi32, #tpu.memory_space<smem>>
    %c0_i32 = arith.constant 0 : i32
    %c0_i32_2 = arith.constant 0 : i32
    %c0_i32_3 = arith.constant 0 : i32
    return %arg0, %get3A_1, %c0_i32, %c0_i32_2 : i32, i32, i32, i32
  }
}

</mosaic_0001>

<sc_bundles>
// kernel: kernel.4.cloned.1.call-start
scs
__scs_entry_jumppad:
0x0: {  	(pc) =	sbr.rel $0x88, $3  }
0x1: {  	(tag) =	ssettag $0x0;
	lr =	simm.s32 $0x1  }
0x2: {  	[smem:$0x3F9D] =	sst lr;
	_ =	strace $0xD0000000  }
0x3: {  	_ = 	snop  }
0x4: {  	_ = 	snop  }
0x5: {  	_ = 	snop  }
0x6: {  	_ = 	snop  }
0x7: {  	_ = 	snop  }
__scs_overlays_trampoline_lowered:
0x8: {  	[smem:$0x3FAC] =	sst s0  }
0x9: {  	[smem:$0x3FAD] =	sst s1  }
0xa: {  	[smem:$0x3FAE] =	sst s2  }
0xb: {  	[smem:$0x3FAF] =	sst s3  }
0xc: {  	[smem:$0x3FB0] =	sst s4  }
0xd: {  	[smem:$0x3FB1] =	sst s5  }
0xe: {  	[smem:$0x3FB2] =	sst s6  }
0xf: {  	[smem:$0x3FB3] =	sst s7  }
0x10: {  	[smem:$0x3FB4] =	sst s8  }
0x11: {  	[smem:$0x3FB5] =	sst s9;
	s0 =	simm.s32 @!p0 $0x0  }
0x12: {  	s1 =	sld [smem:$0x3F9B];
	s0 =	simm.s32 @p0 $0x1  }
0x13: {  	[smem:$0x3FB6] =	sst s0;
	s0 =	simm.s32 @!p1 $0x0  }
0x14: {  	s2 =	sld [smem:$0x3F9A];
	s0 =	simm.s32 @p1 $0x1  }
0x15: {  	[smem:$0x3FB7] =	sst s0;
	s0 =	simm.s32 @!p2 $0x0  }
0x16: {  	s3 =	sld [smem:$0x3FDB];
	s0 =	simm.s32 @p2 $0x1  }
0x17: {  	s4 =	simm.s32 $0x1BF5;
	[smem:$0x3FB9] =	sst s0  }
0x18: {  	s0 =	sld [smem:$0x3F9C];
	_ =	swait.ge [sflag:s4], $0x0  }
0x19: {  	s7 =	sld [smem:$0x3F9D]  }
0x1a: {  	s8 =	sadd.s32 $0xFFFFE003, lr  }
0x1b: {  	s9 =	sadd.s32 $0xFFFFFEF7, lr;
	s5 =	simm.s32 $0xFFFFFFFF;
	p2 =	slt.u32 s8, $0xFFFFF086  }
0x1c: {  	p1 =	slt.u32 s9, $0xF7A;
	s5 =	simm.s32 @!p2 $0x0  }
0x1d: {  	s5 =	simm.s32 @p1 $0x1;
	p0 =	seq.s32 s7, s2  }
0x1e: {  	s7 =	smul.u32 @!p0 $0xF7A, s2;
	p2 =	seq.s32 @!p0 s5, $0x0  }
0x1f: {  	s9 =	smul.u32 $0xF7A, s1;
	s8 =	simm.s32 @!p0 $0x1BF5;
	p2 =	por !p2, p0  }
0x20: {  	[sflag:s8] =	ssyncset.s32 @!p0 $0xFFFFF086;
	s6 =	sadd.s32 @!p0 s3, s7;
	s7 =	simm.s32 @!p0 $0x108  }
0x21: {  	s3 =	sadd.s32 s3, s9;
	s6 =	sadd.s32 @!p0 $0x88, s6;
	s7 =	simm.s32 @p2 $0x1082  }
0x22: {  	[simem:s7], [sflag:s8] =	dma.local @!p0 [hbm:s6], $0xF7A  }
0x23: {  	s9 =	sor.u32 $0xD0000000, s2;
	s6 =	simm.s32 $0x108;
	_ =	swait.ge @!p0 [sflag:s8], $0x0  }
0x24: {  	s3 =	sadd.s32 $0x88, s3;
	s6 =	simm.s32 @!p1 $0x1082;
	[sflag:s4] =	ssyncset.s32 $0xFFFFF086  }
0x25: {  	[simem:s6], [sflag:s4] =	dma.local [hbm:s3], $0xF7A  }
0x26: {  	[smem:$0x3F9D] =	sst s1;
	(tag) =	ssettag s2;
	_ =	strace s9  }
0x27: {  	s1 =	sld [smem:$0x3FAD]  }
0x28: {  	s2 =	sld [smem:$0x3FAE]  }
0x29: {  	s4 =	sld [smem:$0x3FB0]  }
0x2a: {  	p0 =	seq.s32 s5, $0x0;
	s5 =	sld [smem:$0x3FB1]  }
0x2b: {  	s6 =	sld [smem:$0x3FB2]  }
0x2c: {  	s7 =	sld [smem:$0x3FB3]  }
0x2d: {  	s3 =	simm.s32 $0x108;
	s8 =	sld [smem:$0x3FB4]  }
0x2e: {  	s3 =	simm.s32 @!p0 $0x1082;
	s9 =	sld [smem:$0x3FB5]  }
0x2f: {  	lr =	sadd.s32 s0, s3;
	s0 =	sld [smem:$0x3FAC]  }
0x30: {  	s3 =	sld [smem:$0x3FAF]  }
0x31: {  	[smem:$0x3FB8] =	sst s10  }
0x32: {  	s10 =	sld [smem:$0x3FB6];
	_ =	sdelay $0x3  }
0x33: {  	p0 =	seq.s32 s10, $0x1;
	s10 =	sld [smem:$0x3FB8];
	_ =	sdelay $0x3  }
0x34: {  	[smem:$0x3FB8] =	sst s10  }
0x35: {  	s10 =	sld [smem:$0x3FB7];
	_ =	sdelay $0x3  }
0x36: {  	p1 =	seq.s32 s10, $0x1;
	s10 =	sld [smem:$0x3FB8];
	_ =	sdelay $0x3  }
0x37: {  	[smem:$0x3FB8] =	sst s10  }
0x38: {  	s10 =	sld [smem:$0x3FB9]  }
0x39: {  	_ = 	snop;
	(pc) =	sbr.ind lr, $3  }
0x3a: {  	_ = 	snop  }
0x3b: {  	_ = 	snop  }
0x3c: {  	p2 =	seq.s32 s10, $0x1;
	s10 =	sld [smem:$0x3FB8]  }
0x3d: {  	_ =	shalt  }
0x3e: {  	_ =	shalt  }
0x3f: {  	_ =	shalt  }
0x40: {  	_ =	shalt  }
0x41: {  	_ =	shalt  }
0x42: {  	_ =	shalt  }
0x43: {  	_ =	shalt  }
0x44: {  	_ =	shalt  }
0x45: {  	_ =	shalt  }
0x46: {  	_ =	shalt  }
0x47: {  	_ =	shalt  }
0x48: {  	_ =	shalt  }
0x49: {  	_ =	shalt  }
0x4a: {  	_ =	shalt  }
0x4b: {  	_ =	shalt  }
0x4c: {  	_ =	shalt  }
0x4d: {  	_ =	shalt  }
0x4e: {  	_ =	shalt  }
0x4f: {  	_ =	shalt  }
0x50: {  	_ =	shalt  }
0x51: {  	_ =	shalt  }
0x52: {  	_ =	shalt  }
0x53: {  	_ =	shalt  }
0x54: {  	_ =	shalt  }
0x55: {  	_ =	shalt  }
0x56: {  	_ =	shalt  }
0x57: {  	_ =	shalt  }
0x58: {  	_ =	shalt  }
0x59: {  	_ =	shalt  }
0x5a: {  	_ =	shalt  }
0x5b: {  	_ =	shalt  }
0x5c: {  	_ =	shalt  }
0x5d: {  	_ =	shalt  }
0x5e: {  	_ =	shalt  }
0x5f: {  	_ =	shalt  }
0x60: {  	_ =	shalt  }
0x61: {  	_ =	shalt  }
0x62: {  	_ =	shalt  }
0x63: {  	_ =	shalt  }
0x64: {  	_ =	shalt  }
0x65: {  	_ =	shalt  }
0x66: {  	_ =	shalt  }
0x67: {  	_ =	shalt  }
0x68: {  	_ =	shalt  }
0x69: {  	_ =	shalt  }
0x6a: {  	_ =	shalt  }
0x6b: {  	_ =	shalt  }
0x6c: {  	_ =	shalt  }
0x6d: {  	_ =	shalt  }
0x6e: {  	_ =	shalt  }
0x6f: {  	_ =	shalt  }
0x70: {  	_ =	shalt  }
0x71: {  	_ =	shalt  }
0x72: {  	_ =	shalt  }
0x73: {  	_ =	shalt  }
0x74: {  	_ =	shalt  }
0x75: {  	_ =	shalt  }
0x76: {  	_ =	shalt  }
0x77: {  	_ =	shalt  }
0x78: {  	_ =	shalt  }
0x79: {  	_ =	shalt  }
0x7a: {  	_ =	shalt  }
0x7b: {  	_ =	shalt  }
0x7c: {  	_ =	shalt  }
0x7d: {  	_ =	shalt  }
0x7e: {  	_ =	shalt  }
0x7f: {  	_ =	shalt  }
0x80: {  	_ =	shalt  }
0x81: {  	_ =	shalt  }
0x82: {  	_ =	shalt  }
0x83: {  	_ =	shalt  }
0x84: {  	_ =	shalt  }
0x85: {  	_ =	shalt  }
0x86: {  	_ =	shalt  }
0x87: {  	_ =	shalt  }
.Lfunc_end0:
.L_simem_size_0:
called_computation_lowered:
.L_overlay_start_0:
0x88: {  	s2 =	sld [smem:$0x3FD9]  }
0x89: {  	s3 =	sld [smem:$0x3FFE];
	_ =	sdelay $0x1  }
0x8a: {  	s1 =	srdreg.scid  }
0x8b: {  	s0 =	sand.u32 $0x1, s1  }
0x8c: {  	s17 =	sshll.u32 s0, $0xA;
	s2 =	sadd.s32 s3, s2  }
0x8d: {  	s2 =	sadd.s32 s2, s17  }
0x8e: {  	[smem:$0x3FC4] =	sst s2  }
0x8f: {  	_ = 	snop  }
0x90: {  	s2 =	sld [smem:$0x3FD0];
	(tm) =	ssettm $0x1  }
0x91: {  	s18 =	sld [smem:$0x3FFB];
	_ =	sdelay $0x3  }
0x92: {  	_ =	strace s18  }
0x93: {  	s3 =	sld [smem:$0x3FFC];
	_ =	sdelay $0x3  }
0x94: {  	_ =	strace s3  }
0x95: {  	s3 =	sld [smem:$0x3FFD];
	_ =	sdelay $0x3  }
0x96: {  	_ =	strace s3  }
0x97: {  	_ =	strace $0x8FFFFFFF  }
0x98: {  	s19 =	sld [smem:$0x3FDB];
	_ =	sdelay $0x1  }
0x99: {  	s4 =	simm.s32 $_scs_section_size  }
0x9a: {  	s5 =	simm.s32 $_size__tile_overlayer_lowered;
	s6 =	simm.s32 $_tile_overlayer_lowered  }
0x9b: {  	s22 =	simm.s32 $0x1BFF;
	s21 =	sshll.u32 s6, $0x1;
	s3 =	sadd.s32 s4, s19  }
0x9c: {  	s7 =	simm.s32 $0x0;
	s20 =	sshll.u32 s5, $0x1;
	s5 =	sadd.s32 s21, s3  }
0x9d: {  	[timem:s7], [sflag:s22] =	dma.local [hbm:s5], s20  }
0x9e: {  	_ =	swait.ge [sflag:s22], s20  }
0x9f: {  	s4 =	ssub.s32 $0x0, s20;
	[sflag:s22] =	ssyncset.done $0x0  }
0xa0: {  	[sflag:s22] =	ssyncadd.s32 s4;
	_ =	sdelay $0x1  }
0xa1: {  	s23 =	simm.s32 $0x1B8B  }
0xa2: {  	_ =	swait.ge [sflag:s23], $0x1  }
0xa3: {  	[sflag:s23] =	ssyncset.done $0x0  }
0xa4: {  	s25 =	simm.s32 $0x1B8E;
	s24 =	sld [smem:$0x3FFE];
	[sflag:s23] =	ssyncadd.s32 $0xFFFFFFFF  }
0xa5: {  	s26 =	simm.s32 $execute0_lowered;
	[smem:$0x3FD2] =	sst s25  }
0xa6: {  	s5 =	sshll.u32 s26, $0x1;
	_ =	strace $0x80000046;
	[dreg:$0x1] =	wrdreg $0xFFFFFFFF  }
0xa7: {  	s28 =	simm.s32 $_size_execute0_lowered;
	s3 =	sadd.s32 s3, s5;
	[dreg:$0x0] =	wrdreg $0x0  }
0xa8: {  	s5 =	sshll.u32 s28, $0x1;
	[dreg:$0x2] =	wrdreg s3  }
0xa9: {  	[dreg:$0x3] =	wrdreg s5  }
0xaa: {  	[dreg:$0x4] =	wrdreg $0xC0  }
0xab: {  	_ =	task [dreg:s7], $0x5FFFF  }
0xac: {  	[dreg:$0x1] =	wrdreg $0xFFFFFFFF  }
0xad: {  	[dreg:$0x0] =	wrdreg $0x60  }
0xae: {  	[dreg:$0x2] =	wrdreg s2  }
0xaf: {  	[dreg:$0x3] =	wrdreg s24  }
0xb0: {  	[dreg:$0x4] =	wrdreg $0xCD000  }
0xb1: {  	[dreg:$0x5] =	wrdreg $0x9  }
0xb2: {  	_ =	task.clear_ibuf [dreg:s7], $0x6FFFF;
	_ =	strace $0x90000046  }
0xb3: {  	s29 =	simm.s32 $0x9;
	_ =	strace $0x80000048  }
0xb4: {  	_ =	swait.ge [sflag:s29], $0x1  }
0xb5: {  	[sflag:s29] =	ssyncadd.s32 $0xFFFFFFFF  }
0xb6: {  	_ =	strace $0x90000048  }
0xb7: {  	_ =	sfence  }
0xb8: {  	s30 =	sld [smem:$0x0];
	_ =	sdelay $0x2  }
0xb9: {  	s31 =	sshll.u32 s1, $0xD;
	s1 =	sshrl.u32 s1, $0x2  }
0xba: {  	s3 =	sand.u32 $0x4000, s31;
	s1 =	sadd.s32 s1, s30  }
0xbb: {  	s0 =	sor.u32 s3, s0;
	s1 =	sshll.u32 s1, $0x11  }
0xbc: {  	s0 =	sor.u32 s1, s0  }
0xbd: {  	s0 =	sadd.s32 $0x8F2B, s0  }
0xbe: {  	[sflag:s0] =	ssyncadd.remote.s32 $0x1  }
0xbf: {  	_ =	sfence.sel $0xFFFF  }
0xc0: {  	[dreg:$0x0] =	wrdreg $0xFFFFFFFF;
	(pc) =	sbr.abs _section_cstart, $3  }
0xc1: {  	[dreg:$0x1] =	wrdreg $0xFFFFFFFF  }
0xc2: {  	_ =	task.clear_ibuf [dreg:s7], $0x2FFFF;
	_ =	strace $0x9FFFFFFF  }
0xc3: {  	(tm) =	ssettm $0x7FFFFFFF  }
tec
execute0_lowered:
.L_overlay_start_1:
0x0: {  	(tag) =	ssettag $0x1  }
0x1: {  	v0 =	vimm.s32 $0x480;
	vm0 =	vcmask $0x300;
	vm1 =	vcmask $0x704  }
0x2: {  	vm3 =	vcmask $0xB08;
	vm2 =	vmmov $0x1;
	vm4 =	vcmask $0xF0C  }
0x3: {  	vm5 =	vcmask $0x1310;
	v47 =	vlaneseq.u32;
	v4 =	vimm.s32 $0x0  }
0x4: {  	v31 =	vimm.s32 $0xFFEDCBA9;
	v32 =	vimm.s32 $0x87654321;
	v33 =	vimm.s32 $0xEDCBA987  }
0x5: {  	v35 =	vimm.s32 $0x65432100;
	vm6 =	vmxor vm6, vm6;
	v0 =	vsel vm0, $0x0, v0  }
0x6: {  	v2 =	vand.u32 $0x3, v47;
	v34 =	vunpack.c.l.s4.s8 v31;
	v32 =	vunpack.c.l.s4.s8 v32  }
0x7: {  	s0 =	rddreg [dreg:$0x0];
	v36 =	vunpack.c.l.s4.s8 v33;
	v35 =	vunpack.c.l.s4.s8 v35;
	v0 =	vsel vm1, $0x80, v0  }
0x8: {  	s2 =	rddreg [dreg:$0x1];
	v50 =	vmul.u32 $0x20, v2;
	v0 =	vsel vm3, $0x100, v0;
	vm3 =	vcmask $0x308  }
0x9: {  	s1 =	rddreg [dreg:$0x2];
	v37 =	vunpack.c.0.s8.s32 v34;
	v38 =	vunpack.c.0.s8.s32 v32;
	v36 =	vunpack.c.0.s8.s32 v36  }
0xa: {  	s4 =	srdreg.scid;
	s3 =	simm.s32 $0x0;
	s10 =	stileid.u32;
	v39 =	vunpack.c.0.s8.s32 v35;
	v0 =	vsel vm4, $0x180, v0;
	vm4 =	vcmask $0x70C  }
0xb: {  	s23 =	simm.s32 $0x2;
	s19 =	simm.s32 $0x1;
	s28 =	simm.s32 $0x0;
	v10 =	vor.u32 $0x1, v50;
	v11 =	vor.u32 $0x2, v50;
	v51 =	vor.u32 $0x3, v50  }
0xc: {  	s4 =	sand.u32 $0x1, s4;
	[smem:$0x7FF] =	sst s3;
	s5 =	sshrl.u32 s10, $0x3;
	v52 =	vor.u32 $0x4, v50;
	v0 =	vsel vm5, $0x200, v0;
	vm5 =	vcmask $0x1714  }
0xd: {  	s11 =	sadd.s32 $0xC00, s2;
	s22 =	sand.u32 $0x7, s10;
	s6 =	sshll.u32 s4, $0x1;
	v53 =	vor.u32 $0x5, v50;
	v1 =	vsel vm5, $0x280, v0;
	vm5 =	vcmask $0x1B18  }
0xe: {  	s7 =	ssub.s32 $0x2, s4;
	s26 =	sshll.u32 s22, $0xF;
	s6 =	sor.u32 s5, s6;
	v55 =	vor.u32 $0x6, v50;
	v1 =	vsel vm5, $0x300, v1;
	vm5 =	vcmask $0x1F1C  }
0xf: {  	s29 =	sshll.u32 s22, $0xB;
	p0 =	sne.s32 s22, $0x0;
	s4 =	smul.u32 $0x280000, s6;
	v58 =	vor.u32 $0x7, v50;
	v3 =	vsel vm5, $0x380, v1;
	vm5 =	vcmask $0x2320  }
0x10: {  	s9 =	sshrl.u32 s7, $0x1;
	s5 =	sshll.u32 s5, $0x7;
	s8 =	sshll.u32 s6, $0x4;
	v61 =	vor.u32 $0x8, v50;
	v12 =	vor.u32 $0x9, v50;
	v1 =	vsel vm5, $0x400, v3  }
0x11: {  	s7 =	ssub.s32 s7, s9;
	v28 =	vor.u32 $0xA, v50;
	v14 =	vor.u32 $0xB, v50;
	v15 =	vor.u32 $0xC, v50;
	s2 =	sadd.s32 s8, s2;
	s9 =	sor.u32 s26, s4;
	[tilespmem:$0x1FF90] =	vst v1  }
0x12: {  	v16 =	vor.u32 $0xD, v50;
	v17 =	vor.u32 $0xE, v50;
	v56 =	vand.u32 $0xF, v36;
	s30 =	sadd.s32 $0xE00, s2;
	_ =	strace $0x80000047;
	[dreg:$0x7] =	wrdreg s9  }
0x13: {  	s6 =	sadd.s32 $0x3FEA, s10;
	v18 =	vor.u32 $0xF, v50;
	v38 =	vcombine.low v38, v37;
	s2 =	sadd.s32 $0x1E00, s2;
	v57 =	vcombine.low v39, v56;
	[dreg:$0x9] =	wrdreg s30  }
0x14: {  	v26 =	vor.u32 $0x10, v50;
	v27 =	vor.u32 $0x11, v50;
	v25 =	vor.u32 $0x12, v50;
	s1 =	sadd.s32 s5, s1;
	s31 =	smax.u32 s7, $0x1;
	[dreg:$0xa] =	wrdreg s2  }
0x15: {  	v62 =	vor.u32 $0x13, v50;
	v63 =	vor.u32 $0x14, v50;
	s12 =	sor.u32 $0x40000, s4;
	s13 =	sadd.s32 $0x80000, s4;
	v23 =	vand.u32 $0xF, v38;
	[dreg:$0x8] =	wrdreg s1;
	[tilespmem:$0x1FFA0] =	vst v57  }
.Ltmp0:
0x16: {  	v29 =	vor.u32 $0x15, v50;
	v30 =	vor.u32 $0x16, v50;
	v59 =	vor.u32 $0x17, v50;
	s21 =	sadd.s32 $0x1C0000, s4;
	[dreg:$0xc] =	wrdreg s31;
	[tilespmem:$0x1FFB0] =	vst v23;
	(pc) =	sbr.rel .LBB2_1-.Ltmp0, $4  }
0x17: {  	v60 =	vor.u32 $0x18, v50;
	v48 =	vor.u32 $0x19, v50;
	v49 =	vor.u32 $0x1A, v50;
	s14 =	sadd.s32 $0xC0000, s4;
	s15 =	sadd.s32 $0x100000, s4;
	[dreg:$0x4] =	wrdreg s21;
	[tilespmem:$0x1FFC0] =	vst v25  }
0x18: {  	v54 =	vor.u32 $0x1B, v50;
	v34 =	vor.u32 $0x1C, v50;
	v20 =	vor.u32 $0x1D, v50;
	s16 =	sadd.s32 $0x140000, s4;
	s25 =	sadd.s32 $0x240000, s4;
	[dreg:$0x5] =	wrdreg s4;
	[tilespmem:$0x1FFD0] =	vst v26  }
0x19: {  	v22 =	vor.u32 $0x1E, v50;
	v24 =	vor.u32 $0x1F, v50;
	s20 =	sadd.s32 $0x180000, s4;
	v3 =	vshrl.u32 v47, $0x2;
	s1 =	sadd.s32 s29, s1;
	[dreg:$0x6] =	wrdreg s25;
	[tilespmem:$0x1FFE0] =	vst v18  }
0x1a: {  	v31 =	vmovc v48;
	v33 =	vmovc v54;
	v32 =	vmov v49;
	s24 =	sadd.s32 $0x200000, s4;
	s26 =	simm.s32 $0xA400;
	vm5 =	vmmov $0x3ff;
	v9 =	vmul.u32 $0x400, v3;
	[tilespmem:$0x1FFF0] =	vst v27;
	[dreg:$0xb] =	wrdreg s1  }
.LBB2_18:
0x1b: {  	s2 =	rddreg [dreg:$0x9];
	s5 =	simm.s32 $0x80;
	s7 =	simm.s32 $0x200  }
0x1c: {  	[hbm4b:s2+s5] =	stream.strided.scatter [tilespmem:s26], [sflag:$0x2], $0x2000, s7, s5, $0x38;
	[tilespmem:$0xD100] =	vst v63  }
0x1d: {  	_ =	swait.ge [sflag:s23], $0x2000  }
0x1e: {  	v0 =	vmov s29;
	s29 =	rddreg [dreg:$0xd]  }
0x1f: {  	v1 =	vmov s29  }
0x20: {  	v0 =	vnsel vm0, $0x0, v0;
	[sflag:s23] =	ssyncset.done $0x0;
	v1 =	vnsel vm1, $0x0, v1  }
0x21: {  	s31 =	simm.s32 $0xCC80;
	[sflag:s23] =	ssyncadd.s32 $0xFFFFE000;
	v0 =	vor.u32 v1, v0  }
0x22: {  	s11 =	smov.u32 s15;
	s12 =	smov.u32 s24;
	s30 =	rddreg [dreg:$0xa];
	[tilespmem:$0xCC80] =	vst v0  }
0x23: {  	[hbm4b:s30+s3] =	stream.linear.scatter [tilespmem:s31], [sflag:$0x2], $0x80, $0x38;
	[tilespmem:$0xD100] =	vst v63  }
0x24: {  	s13 =	smov.u32 s16;
	s14 =	smov.u32 s20;
	_ =	swait.ge [sflag:s23], $0x80  }
0x25: {  	s15 =	smov.u32 s21;
	s20 =	smov.u32 s4;
	s4 =	rddreg [dreg:$0x5]  }
0x26: {  	s16 =	smov.u32 s25;
	[sflag:s23] =	ssyncset.done $0x0;
	s21 =	rddreg [dreg:$0x4]  }
0x27: {  	s24 =	smov.u32 s1;
	s25 =	rddreg [dreg:$0x6];
	[sflag:s23] =	ssyncadd.s32 $0xFFFFFF80  }
.LBB2_19:
0x28: {  	s28 =	sadd.s32 $0x1, s28;
	s1 =	rddreg [dreg:$0xc]  }
0x29: {  	p1 =	sne.s32 s28, s1  }
.Ltmp1:
0x2a: {  	_ = 	snop;
	(pc) =	sbr.rel @!p1 .LBB2_20-.Ltmp1, $1  }
0x2b: {  	_ =	sdelay $0x3  }
.LBB2_1:
0x2c: {  	s1 =	simm.s32 $0xCC00  }
0x2d: {  	[tilespmem:s1], [sflag:$0x2] =	stream.linear.gather [hbm4b:s11+s3], $0x80, $0x38;
	[tilespmem:$0xD100] =	vst v63  }
0x2e: {  	_ =	swait.ge [sflag:s23], $0x80  }
0x2f: {  	[sflag:s23] =	ssyncset.done $0x0  }
0x30: {  	[sflag:s23] =	ssyncadd.s32 $0xFFFFFF80  }
0x31: {  	v39 =	vld [tilespmem:$0xCC00];
	_ =	sdelay $0x4  }
0x32: {  	v40 =	vnsel vm2, $0x80000000, v39  }
0x33: {  	v41 =	vsel vm3, $0x80000000, v39;
	v40 =	vxor.u32 $0x80000000, v40  }
0x34: {  	v38 =	vxor.u32 $0x80000000, v41;
	(xrf0) =	vmax.scan.msk.u32 $0xffff, v40  }
0x35: {  	(xrf0) =	vmax.scan.msk.u32 $0xffff, v38  }
0x36: {  	v39 =	vsel vm4, $0x80000000, v39  }
0x37: {  	v39 =	vxor.u32 $0x80000000, v39  }
0x38: {  	(xrf0) =	vmax.scan.msk.u32 $0xffff, v39;
	_ =	sdelay $0x1  }
0x39: {  	v44, _, _ =	vpop (xrf0)  }
0x3a: {  	(v2sf) =	vpush v44, $0xF;
	v45, _, _ =	vpop (xrf0)  }
0x3b: {  	(v2sf) =	vpush v45, $0xF;
	_ =	sdelay $0x1  }
0x3c: {  	v46, _, _ =	vpop (xrf0)  }
0x3d: {  	(v2sf) =	vpush v46, $0xF;
	_ =	sdelay $0x9  }
0x3e: {  	s18 =	sld [smem:$0x7FF]  }
0x3f: {  	s31 =	spop (v2sf)  }
0x40: {  	s30 =	spop (v2sf)  }
0x41: {  	p1 =	seq.s32 s18, $0x1;
	s7 =	sand.u32 $0x7, s30  }
0x42: {  	s5 =	sshll.u32 s31, $0x9;
	p2 =	sne.s32 @!p1 s7, $0x0  }
0x43: {  	s22 =	sshll.u32 s31, $0x7;
	s1 =	spop (v2sf);
	p1 =	por !p2, p1  }
0x44: {  	s5 =	sand.u32 $0xFFFFF000, s5;
	s8 =	sshll.u32 s30, $0x3;
	s9 =	sor.u32 @!p1 $0x100000, s6  }
0x45: {  	s8 =	sand.u32 $0xFFFFFC00, s8;
	[smem:s9], [sflag:$0x0] =	smem.add.s32 @!p1 $0x75;
	s9 =	simm.s32 @!p1 $0x0  }
0x46: {  	s5 =	sadd.s32 s5, s8;
	s8 =	simm.s32 @!p1 $0x1;
	_ =	swait.done @!p1 [sflag:s9]  }
0x47: {  	s2 =	sand.u32 $0x7F, s30;
	s10 =	sadd.s32 s4, s5;
	[smem:$0x7FF] =	sst @!p1 s8  }
0x48: {  	s17 =	sand.u32 $0x380, s22;
	s10 =	sor.u32 s2, s10;
	_ =	sint @!p1 $0x2  }
0x49: {  	s8 =	sor.u32 s17, s10;
	_ =	swait.notdone @!p1 [sflag:s9]  }
0x4a: {  	s8 =	sshrl.u32 s8, $0x3;
	s9 =	sld [smem:$0x7FF]  }
0x4b: {  	s10 =	simm.s32 $0xC400;
	p1 =	seq.s32 s7, $0x0;
	s18 =	sadd.s32 s0, s8  }
0x4c: {  	[tilespmem:s10], [sflag:$0x1] =	stream.linear.gather [hbm4b:s18+s3], $0x1, $0x38;
	[tilespmem:$0xD100] =	vst v63  }
0x4d: {  	p2 =	sne.s32 @!p1 s9, $0x1  }
0x4e: {  	p2 =	por !p2, p1  }
0x4f: {  	s7 =	sor.u32 @!p2 $0x100000, s6  }
0x50: {  	[smem:s7], [sflag:$0x0] =	smem.add.s32 @!p2 $0x77;
	s7 =	simm.s32 @!p2 $0x0  }
0x51: {  	s8 =	simm.s32 @!p2 $0x1;
	_ =	swait.done @!p2 [sflag:s7]  }
0x52: {  	s22 =	sadd.s32 s12, s5;
	[smem:$0x7FF] =	sst @!p2 s8  }
0x53: {  	s8 =	sor.u32 s2, s22;
	_ =	sint @!p2 $0x2  }
0x54: {  	s8 =	sor.u32 s17, s8;
	_ =	swait.notdone @!p2 [sflag:s7]  }
0x55: {  	s9 =	sshrl.u32 s8, $0x3;
	s8 =	sld [smem:$0x7FF]  }
0x56: {  	s18 =	simm.s32 $0xC480;
	s7 =	sadd.s32 s0, s9  }
0x57: {  	[tilespmem:s18], [sflag:$0x1] =	stream.linear.gather [hbm4b:s7+s3], $0x1, $0x38;
	[tilespmem:$0xD100] =	vst v63  }
0x58: {  	p2 =	sne.s32 @!p1 s8, $0x1  }
0x59: {  	p2 =	por !p2, p1  }
0x5a: {  	s7 =	sor.u32 @!p2 $0x100000, s6  }
0x5b: {  	[smem:s7], [sflag:$0x0] =	smem.add.s32 @!p2 $0x79;
	s7 =	simm.s32 @!p2 $0x0  }
0x5c: {  	s8 =	simm.s32 @!p2 $0x1;
	_ =	swait.done @!p2 [sflag:s7]  }
0x5d: {  	s22 =	sadd.s32 s13, s5;
	[smem:$0x7FF] =	sst @!p2 s8  }
0x5e: {  	s8 =	sor.u32 s2, s22;
	_ =	sint @!p2 $0x2  }
0x5f: {  	s8 =	sor.u32 s17, s8;
	_ =	swait.notdone @!p2 [sflag:s7]  }
0x60: {  	s9 =	sshrl.u32 s8, $0x3;
	s8 =	sld [smem:$0x7FF]  }
0x61: {  	s18 =	simm.s32 $0xC500;
	s7 =	sadd.s32 s0, s9  }
0x62: {  	[tilespmem:s18], [sflag:$0x1] =	stream.linear.gather [hbm4b:s7+s3], $0x1, $0x38;
	[tilespmem:$0xD100] =	vst v63  }
0x63: {  	p2 =	sne.s32 @!p1 s8, $0x1  }
0x64: {  	p2 =	por !p2, p1  }
0x65: {  	s7 =	sor.u32 @!p2 $0x100000, s6  }
0x66: {  	[smem:s7], [sflag:$0x0] =	smem.add.s32 @!p2 $0x7B;
	s7 =	simm.s32 @!p2 $0x0  }
0x67: {  	s8 =	simm.s32 @!p2 $0x1;
	_ =	swait.done @!p2 [sflag:s7]  }
0x68: {  	s22 =	sadd.s32 s14, s5;
	[smem:$0x7FF] =	sst @!p2 s8  }
0x69: {  	s8 =	sor.u32 s2, s22;
	_ =	sint @!p2 $0x2  }
0x6a: {  	s8 =	sor.u32 s17, s8;
	_ =	swait.notdone @!p2 [sflag:s7]  }
0x6b: {  	s9 =	sshrl.u32 s8, $0x3;
	s8 =	sld [smem:$0x7FF]  }
0x6c: {  	s18 =	simm.s32 $0xC580;
	s7 =	sadd.s32 s0, s9  }
0x6d: {  	[tilespmem:s18], [sflag:$0x1] =	stream.linear.gather [hbm4b:s7+s3], $0x1, $0x38;
	[tilespmem:$0xD100] =	vst v63  }
0x6e: {  	p2 =	sne.s32 @!p1 s8, $0x1  }
0x6f: {  	p2 =	por !p2, p1  }
0x70: {  	s7 =	sor.u32 @!p2 $0x100000, s6  }
0x71: {  	[smem:s7], [sflag:$0x0] =	smem.add.s32 @!p2 $0x7D;
	s7 =	simm.s32 @!p2 $0x0  }
0x72: {  	s8 =	simm.s32 @!p2 $0x1;
	_ =	swait.done @!p2 [sflag:s7]  }
0x73: {  	s22 =	sadd.s32 s15, s5;
	[smem:$0x7FF] =	sst @!p2 s8  }
0x74: {  	s8 =	sor.u32 s2, s22;
	_ =	sint @!p2 $0x2  }
0x75: {  	s8 =	sor.u32 s17, s8;
	_ =	swait.notdone @!p2 [sflag:s7]  }
0x76: {  	s9 =	sshrl.u32 s8, $0x3;
	s8 =	sld [smem:$0x7FF]  }
0x77: {  	s18 =	simm.s32 $0xC600;
	s7 =	sadd.s32 s0, s9  }
0x78: {  	[tilespmem:s18], [sflag:$0x1] =	stream.linear.gather [hbm4b:s7+s3], $0x1, $0x38;
	[tilespmem:$0xD100] =	vst v63  }
0x79: {  	p2 =	sne.s32 @!p1 s8, $0x1  }
0x7a: {  	p2 =	por !p2, p1  }
0x7b: {  	s7 =	sor.u32 @!p2 $0x100000, s6  }
0x7c: {  	[smem:s7], [sflag:$0x0] =	smem.add.s32 @!p2 $0x7F;
	s7 =	simm.s32 @!p2 $0x0  }
0x7d: {  	s8 =	simm.s32 @!p2 $0x1;
	_ =	swait.done @!p2 [sflag:s7]  }
0x7e: {  	s22 =	sadd.s32 s16, s5;
	[smem:$0x7FF] =	sst @!p2 s8  }
0x7f: {  	s8 =	sor.u32 s2, s22;
	_ =	sint @!p2 $0x2  }
0x80: {  	s8 =	sor.u32 s17, s8;
	_ =	swait.notdone @!p2 [sflag:s7]  }
0x81: {  	s9 =	sshrl.u32 s8, $0x3;
	s8 =	sld [smem:$0x7FF]  }
0x82: {  	s18 =	simm.s32 $0xC680;
	s7 =	sadd.s32 s0, s9  }
0x83: {  	[tilespmem:s18], [sflag:$0x1] =	stream.linear.gather [hbm4b:s7+s3], $0x1, $0x38;
	[tilespmem:$0xD100] =	vst v63  }
0x84: {  	p2 =	sne.s32 @!p1 s8, $0x1  }
0x85: {  	p2 =	por !p2, p1  }
0x86: {  	s7 =	sor.u32 @!p2 $0x100000, s6  }
0x87: {  	[smem:s7], [sflag:$0x0] =	smem.add.s32 @!p2 $0x81;
	s7 =	simm.s32 @!p2 $0x0  }
0x88: {  	s8 =	simm.s32 @!p2 $0x1;
	_ =	swait.done @!p2 [sflag:s7]  }
0x89: {  	s22 =	sadd.s32 s20, s5;
	[smem:$0x7FF] =	sst @!p2 s8  }
0x8a: {  	s8 =	sor.u32 s2, s22;
	_ =	sint @!p2 $0x2  }
0x8b: {  	s8 =	sor.u32 s17, s8;
	_ =	swait.notdone @!p2 [sflag:s7]  }
0x8c: {  	s9 =	sshrl.u32 s8, $0x3;
	s8 =	sld [smem:$0x7FF]  }
0x8d: {  	s18 =	simm.s32 $0xC700;
	s7 =	sadd.s32 s0, s9  }
0x8e: {  	[tilespmem:s18], [sflag:$0x1] =	stream.linear.gather [hbm4b:s7+s3], $0x1, $0x38;
	[tilespmem:$0xD100] =	vst v63  }
0x8f: {  	p2 =	sne.s32 @!p1 s8, $0x1  }
0x90: {  	p2 =	por !p2, p1  }
0x91: {  	s7 =	sor.u32 @!p2 $0x100000, s6  }
0x92: {  	[smem:s7], [sflag:$0x0] =	smem.add.s32 @!p2 $0x83;
	s7 =	simm.s32 @!p2 $0x0  }
0x93: {  	s8 =	simm.s32 @!p2 $0x1;
	_ =	swait.done @!p2 [sflag:s7]  }
0x94: {  	s22 =	sadd.s32 s21, s5;
	[smem:$0x7FF] =	sst @!p2 s8  }
0x95: {  	s8 =	sor.u32 s2, s22;
	_ =	sint @!p2 $0x2  }
0x96: {  	s8 =	sor.u32 s17, s8;
	_ =	swait.notdone @!p2 [sflag:s7]  }
0x97: {  	s9 =	sshrl.u32 s8, $0x3;
	s8 =	sld [smem:$0x7FF]  }
0x98: {  	s18 =	simm.s32 $0xC780;
	s7 =	sadd.s32 s0, s9  }
0x99: {  	[tilespmem:s18], [sflag:$0x1] =	stream.linear.gather [hbm4b:s7+s3], $0x1, $0x38;
	[tilespmem:$0xD100] =	vst v63  }
0x9a: {  	p2 =	sne.s32 @!p1 s8, $0x1  }
0x9b: {  	p2 =	por !p2, p1  }
0x9c: {  	s7 =	sor.u32 @!p2 $0x100000, s6  }
0x9d: {  	[smem:s7], [sflag:$0x0] =	smem.add.s32 @!p2 $0x85;
	s7 =	simm.s32 @!p2 $0x0  }
0x9e: {  	s8 =	simm.s32 @!p2 $0x1;
	_ =	swait.done @!p2 [sflag:s7]  }
0x9f: {  	s22 =	sadd.s32 s24, s5;
	[smem:$0x7FF] =	sst @!p2 s8  }
0xa0: {  	s8 =	sor.u32 s2, s22;
	_ =	sint @!p2 $0x2  }
0xa1: {  	s8 =	sor.u32 s17, s8;
	_ =	swait.notdone @!p2 [sflag:s7]  }
0xa2: {  	s9 =	sshrl.u32 s8, $0x3;
	s8 =	sld [smem:$0x7FF]  }
0xa3: {  	s18 =	simm.s32 $0xC800;
	s7 =	sadd.s32 s0, s9  }
0xa4: {  	[tilespmem:s18], [sflag:$0x1] =	stream.linear.gather [hbm4b:s7+s3], $0x1, $0x38;
	[tilespmem:$0xD100] =	vst v63  }
0xa5: {  	p2 =	sne.s32 @!p1 s8, $0x1  }
0xa6: {  	p1 =	por !p2, p1  }
0xa7: {  	s7 =	sor.u32 @!p1 $0x100000, s6  }
0xa8: {  	s5 =	sadd.s32 s25, s5;
	[smem:s7], [sflag:$0x0] =	smem.add.s32 @!p1 $0x87;
	s7 =	simm.s32 @!p1 $0x0  }
0xa9: {  	s2 =	sor.u32 s2, s5;
	s5 =	simm.s32 @!p1 $0x1;
	_ =	swait.done @!p1 [sflag:s7]  }
0xaa: {  	s2 =	sor.u32 s17, s2;
	[smem:$0x7FF] =	sst @!p1 s5  }
0xab: {  	s2 =	sshrl.u32 s2, $0x3;
	_ =	sint @!p1 $0x2  }
0xac: {  	s22 =	simm.s32 $0xC880;
	s2 =	sadd.s32 s0, s2;
	_ =	swait.notdone @!p1 [sflag:s7]  }
0xad: {  	[tilespmem:s22], [sflag:$0x1] =	stream.linear.gather [hbm4b:s2+s3], $0x1, $0x38;
	[tilespmem:$0xD100] =	vst v63  }
0xae: {  	_ =	swait.ge [sflag:s19], $0x1  }
0xaf: {  	[sflag:s19] =	ssyncset.done $0x0  }
0xb0: {  	[sflag:s19] =	ssyncadd.s32 $0xFFFFFFFF  }
0xb1: {  	_ =	swait.ge [sflag:s19], $0x1  }
0xb2: {  	[sflag:s19] =	ssyncset.done $0x0  }
0xb3: {  	[sflag:s19] =	ssyncadd.s32 $0xFFFFFFFF  }
0xb4: {  	_ =	swait.ge [sflag:s19], $0x1  }
0xb5: {  	[sflag:s19] =	ssyncset.done $0x0  }
0xb6: {  	[sflag:s19] =	ssyncadd.s32 $0xFFFFFFFF  }
0xb7: {  	_ =	swait.ge [sflag:s19], $0x1  }
0xb8: {  	[sflag:s19] =	ssyncset.done $0x0  }
0xb9: {  	[sflag:s19] =	ssyncadd.s32 $0xFFFFFFFF  }
0xba: {  	_ =	swait.ge [sflag:s19], $0x1  }
0xbb: {  	[sflag:s19] =	ssyncset.done $0x0  }
0xbc: {  	[sflag:s19] =	ssyncadd.s32 $0xFFFFFFFF  }
0xbd: {  	_ =	swait.ge [sflag:s19], $0x1  }
0xbe: {  	[sflag:s19] =	ssyncset.done $0x0  }
0xbf: {  	[sflag:s19] =	ssyncadd.s32 $0xFFFFFFFF  }
0xc0: {  	_ =	swait.ge [sflag:s19], $0x1  }
0xc1: {  	[sflag:s19] =	ssyncset.done $0x0  }
0xc2: {  	[sflag:s19] =	ssyncadd.s32 $0xFFFFFFFF  }
0xc3: {  	_ =	swait.ge [sflag:s19], $0x1  }
0xc4: {  	[sflag:s19] =	ssyncset.done $0x0  }
0xc5: {  	[sflag:s19] =	ssyncadd.s32 $0xFFFFFFFF  }
0xc6: {  	_ =	swait.ge [sflag:s19], $0x1  }
0xc7: {  	[sflag:s19] =	ssyncset.done $0x0  }
0xc8: {  	[sflag:s19] =	ssyncadd.s32 $0xFFFFFFFF  }
0xc9: {  	_ =	swait.ge [sflag:s19], $0x1  }
0xca: {  	v0 =	vld [tilespmem:$0x1FF90];
	_ =	sdelay $0x5  }
0xcb: {  	[sflag:s19] =	ssyncset.done $0x0  }
0xcc: {  	[sflag:s19] =	ssyncadd.s32 $0xFFFFFFFF  }
0xcd: {  	v47 =	vld.idx.msk [tilespmem:v0+s10+$0x0], $0xffff;
	_ =	sdelay $0x4  }
0xce: {  	vm7 =	vgt.f32 v47, $5.000000000e-01  }
0xcf: {  	vm7 =	vmand vm7, vm5  }
0xd0: {  	v48 =	vmpcnt.ones.xlane vm7  }
0xd1: {  	v49 =	vmctz.xlane vm7  }
0xd2: {  	v39 =	vxor.u32 $0x80000000, v48  }
0xd3: {  	v54 =	vxor.u32 $0x80000000, v49;
	(xrf0) =	vmax.scan.msk.u32 $0xffff, v39  }
0xd4: {  	(xrf0) =	vmax.scan.msk.u32 $0xffff, v54;
	_ =	sdelay $0x4  }
0xd5: {  	v56, _, _ =	vpop (xrf0)  }
0xd6: {  	(v2sf) =	vpush v56, $0xF;
	v57, _, _ =	vpop (xrf0)  }
0xd7: {  	(v2sf) =	vpush v57, $0xF;
	_ =	sdelay $0xd  }
0xd8: {  	s7 =	spop (v2sf)  }
0xd9: {  	s8 =	spop (v2sf)  }
0xda: {  	s29 =	sxor.u32 $0x80000000, s8  }
0xdb: {  	p2 =	slt.s32 s29, $0x9  }
0xdc: {  	v0 =	vmov s3;
	p1 =	sgt.u32 s7, $0x80000000;
	s29 =	simm.s32 @!p2 $0x9  }
0xdd: {  	v1 =	vshll.u32 v0, $0x9;
	v39 =	vshll.u32 v0, $0x7;
	s29 =	simm.s32 @!p1 $0x0  }
0xde: {  	s10 =	rddreg [dreg:$0x7];
	v40 =	vand.u32 $0x7000, v1;
	v39 =	vand.u32 $0x380, v39;
	s9 =	sshll.u32 s29, $0x12  }
0xdf: {  	v39 =	vor.u32 v39, v40;
	s2 =	sadd.s32 s10, s9  }
0xe0: {  	v39 =	vor.u32 v9, v39;
	s2 =	sshrl.u32 s2, $0x3  }
0xe1: {  	v2 =	vor.u32 v50, v39;
	s2 =	sadd.s32 s0, s2  }
0xe2: {  	v13 =	vor.u32 v10, v39;
	[tilespmem:s3], [sflag:$0x2] =	stream.linear.gather [hbm4b:s2+s3], $0x8000, $0x38;
	[tilespmem:$0xD100] =	vst v63  }
0xe3: {  	v42 =	vor.u32 v11, v39;
	_ =	swait.ge [sflag:s23], $0x8000  }
0xe4: {  	v43 =	vor.u32 v51, v39;
	[sflag:s23] =	ssyncset.done $0x0  }
0xe5: {  	v44 =	vor.u32 v52, v39;
	[sflag:s23] =	ssyncadd.s32 $0xFFFF8000  }
0xe6: {  	v45 =	vor.u32 v53, v39;
	v40 =	vld.idx.msk [tilespmem:v2+s3+$0x0], $0xffff  }
0xe7: {  	v46 =	vor.u32 v55, v39;
	v41 =	vld.idx.msk [tilespmem:v13+s3+$0x0], $0xffff  }
0xe8: {  	v48 =	vor.u32 v61, v39;
	v42 =	vld.idx.msk [tilespmem:v42+s3+$0x0], $0xffff  }
0xe9: {  	v0 =	vor.u32 v16, v39;
	v43 =	vld.idx.msk [tilespmem:v43+s3+$0x0], $0xffff  }
0xea: {  	v44 =	vld.idx.msk [tilespmem:v44+s3+$0x0], $0xffff  }
0xeb: {  	v45 =	vld.idx.msk [tilespmem:v45+s3+$0x0], $0xffff  }
0xec: {  	v47 =	vor.u32 v58, v39;
	v49 =	vor.u32 v12, v39;
	v35 =	vld.idx.msk [tilespmem:v46+s3+$0x0], $0xffff  }
0xed: {  	v54 =	vor.u32 v14, v39;
	v57 =	vor.u32 v15, v39;
	v48 =	vld.idx.msk [tilespmem:v48+s3+$0x0], $0xffff;
	v13 =	vor.u32 v17, v39  }
0xee: {  	v46 =	vld.idx.msk [tilespmem:v0+s3+$0x0], $0xffff;
	v0 =	vor.u32 v25, v39;
	vm7 =	vgt.f32 v40, $5.000000000e-01;
	vm8 =	vgt.f32 v41, $5.000000000e-01  }
0xef: {  	v40 =	vor.u32 v28, v39;
	v36 =	vsel vm7, $0x1, v4;
	v37 =	vsel vm8, $0x2, v4  }
0xf0: {  	vm7 =	vgt.f32 v42, $5.000000000e-01;
	vm8 =	vgt.f32 v45, $5.000000000e-01;
	v42 =	vor.u32 v36, v37  }
0xf1: {  	v47 =	vld.idx.msk [tilespmem:v47+s3+$0x0], $0xffff;
	v38 =	vsel vm7, $0x4, v4;
	vm7 =	vgt.f32 v43, $5.000000000e-01;
	v2 =	vsel vm8, $0x20, v4  }
0xf2: {  	v49 =	vld.idx.msk [tilespmem:v49+s3+$0x0], $0xffff;
	v36 =	vor.u32 v18, v39;
	v37 =	vor.u32 v26, v39;
	vm8 =	vgt.f32 v48, $5.000000000e-01  }
0xf3: {  	v43 =	vld.idx.msk [tilespmem:v54+s3+$0x0], $0xffff;
	v42 =	vor.u32 v38, v42;
	v56 =	vsel vm7, $0x8, v4;
	vm7 =	vgt.f32 v44, $5.000000000e-01  }
0xf4: {  	v54 =	vsel vm8, $0x100, v4;
	v42 =	vor.u32 v56, v42;
	v1 =	vsel vm7, $0x10, v4  }
0xf5: {  	v41 =	vld.idx.msk [tilespmem:v13+s3+$0x0], $0xffff;
	vm7 =	vgt.f32 v35, $5.000000000e-01;
	v56 =	vor.u32 v27, v39;
	v42 =	vor.u32 v1, v42  }
0xf6: {  	v40 =	vld.idx.msk [tilespmem:v40+s3+$0x0], $0xffff;
	v35 =	vsel vm7, $0x40, v4;
	vm7 =	vgt.f32 v47, $5.000000000e-01;
	v1 =	vor.u32 v62, v39  }
0xf7: {  	v42 =	vor.u32 v2, v42;
	v38 =	vsel vm7, $0x80, v4;
	vm7 =	vgt.f32 v49, $5.000000000e-01  }
0xf8: {  	v44 =	vld.idx.msk [tilespmem:v57+s3+$0x0], $0xffff;
	v42 =	vor.u32 v35, v42;
	v57 =	vsel vm7, $0x200, v4;
	vm8 =	vgt.f32 v43, $5.000000000e-01  }
0xf9: {  	v35 =	vor.u32 v63, v39;
	v45 =	vld.idx.msk [tilespmem:v37+s3+$0x0], $0xffff;
	v37 =	vor.u32 v29, v39;
	v42 =	vor.u32 v38, v42  }
0xfa: {  	v47 =	vld.idx.msk [tilespmem:v36+s3+$0x0], $0xffff;
	v13 =	vsel vm8, $0x800, v4;
	v38 =	vor.u32 v30, v39;
	vm8 =	vgt.f32 v41, $5.000000000e-01  }
0xfb: {  	v42 =	vor.u32 v54, v42;
	v49 =	vld.idx.msk [tilespmem:v56+s3+$0x0], $0xffff;
	v56 =	vsel vm8, $0x4000, v4;
	vm7 =	vgt.f32 v40, $5.000000000e-01  }
0xfc: {  	v42 =	vor.u32 v57, v42;
	v57 =	vor.u32 v59, v39;
	v2 =	vsel vm7, $0x400, v4  }
0xfd: {  	v48 =	vld.idx.msk [tilespmem:v1+s3+$0x0], $0xffff;
	v1 =	vor.u32 v31, v39;
	vm7 =	vgt.f32 v44, $5.000000000e-01;
	v42 =	vor.u32 v2, v42  }
0xfe: {  	v40 =	vld.idx.msk [tilespmem:v0+s3+$0x0], $0xffff;
	v36 =	vsel vm7, $0x1000, v4;
	vm7 =	vgt.f32 v46, $5.000000000e-01;
	v2 =	vor.u32 v60, v39  }
0xff: {  	v44 =	vld.idx.msk [tilespmem:v35+s3+$0x0], $0xffff;
	v42 =	vor.u32 v13, v42;
	v54 =	vsel vm7, $0x2000, v4;
	vm7 =	vgt.f32 v47, $5.000000000e-01  }
0x100: {  	v43 =	vld.idx.msk [tilespmem:v38+s3+$0x0], $0xffff;
	v38 =	vor.u32 v33, v39;
	v42 =	vor.u32 v36, v42;
	v0 =	vsel vm7, $0x8000, v4  }
0x101: {  	v46 =	vld.idx.msk [tilespmem:v37+s3+$0x0], $0xffff;
	vm7 =	vgt.f32 v45, $5.000000000e-01;
	vm8 =	vgt.f32 v49, $5.000000000e-01;
	v36 =	vor.u32 v32, v39  }
0x102: {  	v49 =	vor.u32 v34, v39;
	v41 =	vor.u32 v54, v42;
	v13 =	vsel vm7, $0x10000, v4  }
0x103: {  	s17 =	simm.s32 $0x1;
	v35 =	vsel vm8, $0x20000, v4;
	vm7 =	vgt.f32 v40, $5.000000000e-01;
	v47 =	vld.idx.msk [tilespmem:v57+s3+$0x0], $0xffff;
	v57 =	vor.u32 v20, v39  }
0x104: {  	v45 =	vld.idx.msk [tilespmem:v1+s3+$0x0], $0xffff;
	v1 =	vmov s17;
	v41 =	vor.u32 v56, v41;
	v37 =	vsel vm7, $0x40000, v4  }
0x105: {  	vm7 =	vgt.f32 v48, $5.000000000e-01;
	v41 =	vor.u32 v0, v41;
	vm8 =	vgt.f32 v44, $5.000000000e-01  }
0x106: {  	v54 =	vsel vm7, $0x80000, v4;
	v42 =	vld.idx.msk [tilespmem:v2+s3+$0x0], $0xffff;
	vm7 =	vgt.f32 v46, $5.000000000e-01;
	v2 =	vor.u32 v22, v39  }
0x107: {  	v39 =	vor.u32 v24, v39;
	v41 =	vor.u32 v13, v41;
	v56 =	vsel vm8, $0x100000, v4  }
0x108: {  	v0 =	vsel vm7, $0x200000, v4;
	vm7 =	vgt.f32 v43, $5.000000000e-01;
	v41 =	vor.u32 v35, v41  }
0x109: {  	v43 =	vshll.u32 v1, $0x7;
	v40 =	vld.idx.msk [tilespmem:v36+s3+$0x0], $0xffff;
	v13 =	vsel vm7, $0x400000, v4;
	v41 =	vor.u32 v37, v41  }
0x10a: {  	v48 =	vld.idx.msk [tilespmem:v38+s3+$0x0], $0xffff;
	v35 =	vshll.u32 v1, $0x9;
	vm8 =	vgt.f32 v47, $5.000000000e-01;
	v41 =	vor.u32 v54, v41  }
0x10b: {  	v49 =	vld.idx.msk [tilespmem:v49+s3+$0x0], $0xffff;
	v47 =	vand.u32 $0x7000, v35;
	v35 =	vand.u32 $0x380, v43;
	v41 =	vor.u32 v56, v41  }
0x10c: {  	v46 =	vld.idx.msk [tilespmem:v57+s3+$0x0], $0xffff;
	v38 =	vsel vm8, $0x800000, v4;
	vm7 =	vgt.f32 v42, $5.000000000e-01;
	v41 =	vor.u32 v0, v41  }
0x10d: {  	v54 =	vsel vm7, $0x1000000, v4;
	vm7 =	vgt.f32 v45, $5.000000000e-01;
	v41 =	vor.u32 v13, v41  }
0x10e: {  	v57 =	vld.idx.msk [tilespmem:v2+s3+$0x0], $0xffff;
	v56 =	vsel vm7, $0x2000000, v4;
	vm7 =	vgt.f32 v40, $5.000000000e-01;
	v41 =	vor.u32 v38, v41  }
0x10f: {  	v0 =	vsel vm7, $0x4000000, v4;
	vm7 =	vgt.f32 v48, $5.000000000e-01;
	v41 =	vor.u32 v54, v41  }
0x110: {  	v1 =	vld.idx.msk [tilespmem:v39+s3+$0x0], $0xffff;
	v13 =	vsel vm7, $0x8000000, v4;
	vm7 =	vgt.f32 v49, $5.000000000e-01;
	v41 =	vor.u32 v56, v41  }
0x111: {  	v45 =	vsel vm7, $0x10000000, v4;
	vm7 =	vgt.f32 v46, $5.000000000e-01;
	v2 =	vor.u32 v0, v41  }
0x112: {  	v42 =	vor.u32 v35, v47;
	v48 =	vsel vm7, $0x20000000, v4;
	v39 =	vor.u32 v13, v2  }
0x113: {  	vm7 =	vgt.f32 v57, $5.000000000e-01;
	v41 =	vor.u32 v45, v39;
	v39 =	vor.u32 v9, v42  }
0x114: {  	v56 =	vsel vm7, $0x40000000, v4;
	v54 =	vor.u32 v50, v39  }
0x115: {  	vm7 =	vgt.f32 v1, $5.000000000e-01;
	v49 =	vor.u32 v48, v41;
	v57 =	vor.u32 v10, v39  }
0x116: {  	v0 =	vsel vm7, $0x80000000, v4;
	v1 =	vor.u32 v11, v39;
	v40 =	vor.u32 v56, v49  }
0x117: {  	s18 =	simm.s32 $0x8000;
	v2 =	vor.u32 v51, v39;
	v40 =	vor.u32 v0, v40  }
0x118: {  	v36 =	vor.u32 v55, v39;
	[tilespmem:s18+$0x0] =	vst v40  }
0x119: {  	v13 =	vor.u32 v52, v39;
	v41 =	vld.idx.msk [tilespmem:v54+s3+$0x0], $0xffff  }
0x11a: {  	v35 =	vor.u32 v53, v39;
	v43 =	vld.idx.msk [tilespmem:v57+s3+$0x0], $0xffff  }
0x11b: {  	v38 =	vor.u32 v61, v39;
	v44 =	vld.idx.msk [tilespmem:v1+s3+$0x0], $0xffff  }
0x11c: {  	v42 =	vld.idx.msk [tilespmem:v2+s3+$0x0], $0xffff;
	v54 =	vor.u32 v12, v39  }
0x11d: {  	v56 =	vld.idx.msk [tilespmem:v36+s3+$0x0], $0xffff;
	v36 =	vor.u32 v16, v39  }
0x11e: {  	v40 =	vld.idx.msk [tilespmem:v13+s3+$0x0], $0xffff  }
0x11f: {  	v45 =	vld.idx.msk [tilespmem:v35+s3+$0x0], $0xffff  }
0x120: {  	v37 =	vor.u32 v58, v39;
	v2 =	vor.u32 v14, v39;
	v48 =	vld.idx.msk [tilespmem:v38+s3+$0x0], $0xffff  }
0x121: {  	v35 =	vor.u32 v15, v39;
	vm7 =	vgt.f32 v41, $5.000000000e-01;
	v41 =	vor.u32 v28, v39;
	v49 =	vld.idx.msk [tilespmem:v54+s3+$0x0], $0xffff  }
0x122: {  	vm8 =	vgt.f32 v43, $5.000000000e-01;
	v54 =	vor.u32 v17, v39;
	v46 =	vld.idx.msk [tilespmem:v36+s3+$0x0], $0xffff;
	v36 =	vor.u32 v25, v39  }
0x123: {  	v57 =	vsel vm7, $0x1, v4;
	vm7 =	vgt.f32 v44, $5.000000000e-01;
	v0 =	vsel vm8, $0x2, v4  }
0x124: {  	vm8 =	vgt.f32 v45, $5.000000000e-01;
	v44 =	vor.u32 v57, v0;
	v1 =	vsel vm7, $0x4, v4  }
0x125: {  	v47 =	vld.idx.msk [tilespmem:v37+s3+$0x0], $0xffff;
	vm7 =	vgt.f32 v42, $5.000000000e-01;
	v38 =	vsel vm8, $0x20, v4;
	v57 =	vor.u32 v18, v39  }
0x126: {  	v0 =	vor.u32 v26, v39;
	vm8 =	vgt.f32 v48, $5.000000000e-01;
	v44 =	vor.u32 v1, v44  }
0x127: {  	v42 =	vld.idx.msk [tilespmem:v2+s3+$0x0], $0xffff;
	v13 =	vsel vm7, $0x8, v4;
	vm7 =	vgt.f32 v40, $5.000000000e-01;
	v2 =	vsel vm8, $0x100, v4  }
0x128: {  	v44 =	vor.u32 v13, v44;
	v37 =	vsel vm7, $0x10, v4;
	vm7 =	vgt.f32 v56, $5.000000000e-01  }
0x129: {  	v13 =	vor.u32 v27, v39;
	v44 =	vor.u32 v37, v44;
	v41 =	vld.idx.msk [tilespmem:v41+s3+$0x0], $0xffff;
	v56 =	vsel vm7, $0x40, v4  }
0x12a: {  	vm7 =	vgt.f32 v47, $5.000000000e-01;
	v43 =	vld.idx.msk [tilespmem:v54+s3+$0x0], $0xffff;
	v37 =	vor.u32 v62, v39;
	v44 =	vor.u32 v38, v44  }
0x12b: {  	v40 =	vld.idx.msk [tilespmem:v35+s3+$0x0], $0xffff;
	v1 =	vsel vm7, $0x80, v4;
	vm7 =	vgt.f32 v49, $5.000000000e-01;
	v44 =	vor.u32 v56, v44  }
0x12c: {  	v35 =	vsel vm7, $0x200, v4;
	vm8 =	vgt.f32 v42, $5.000000000e-01;
	v56 =	vor.u32 v63, v39  }
0x12d: {  	v45 =	vld.idx.msk [tilespmem:v0+s3+$0x0], $0xffff;
	v0 =	vor.u32 v29, v39;
	v44 =	vor.u32 v1, v44;
	v54 =	vsel vm8, $0x800, v4  }
0x12e: {  	v47 =	vld.idx.msk [tilespmem:v57+s3+$0x0], $0xffff;
	v1 =	vor.u32 v30, v39;
	v44 =	vor.u32 v2, v44;
	vm7 =	vgt.f32 v41, $5.000000000e-01  }
0x12f: {  	v49 =	vld.idx.msk [tilespmem:v13+s3+$0x0], $0xffff;
	v44 =	vor.u32 v35, v44;
	vm8 =	vgt.f32 v43, $5.000000000e-01;
	v35 =	vor.u32 v59, v39  }
0x130: {  	v48 =	vld.idx.msk [tilespmem:v37+s3+$0x0], $0xffff;
	v37 =	vor.u32 v60, v39;
	v38 =	vsel vm7, $0x400, v4;
	vm7 =	vgt.f32 v40, $5.000000000e-01  }
0x131: {  	v41 =	vld.idx.msk [tilespmem:v36+s3+$0x0], $0xffff;
	v13 =	vsel vm8, $0x4000, v4;
	v42 =	vor.u32 v38, v44;
	v57 =	vsel vm7, $0x1000, v4  }
0x132: {  	vm7 =	vgt.f32 v46, $5.000000000e-01;
	v40 =	vld.idx.msk [tilespmem:v56+s3+$0x0], $0xffff;
	v38 =	vor.u32 v31, v39;
	v42 =	vor.u32 v54, v42  }
0x133: {  	v2 =	vsel vm7, $0x2000, v4;
	vm7 =	vgt.f32 v47, $5.000000000e-01;
	v44 =	vld.idx.msk [tilespmem:v1+s3+$0x0], $0xffff;
	v1 =	vor.u32 v33, v39  }
0x134: {  	s22 =	simm.s32 $0x2;
	v46 =	vld.idx.msk [tilespmem:v0+s3+$0x0], $0xffff;
	v42 =	vor.u32 v57, v42;
	v36 =	vsel vm7, $0x8000, v4;
	vm7 =	vgt.f32 v45, $5.000000000e-01  }
0x135: {  	vm8 =	vgt.f32 v49, $5.000000000e-01;
	v57 =	vor.u32 v32, v39;
	v49 =	vmov s22  }
0x136: {  	v42 =	vor.u32 v2, v42;
	v54 =	vsel vm7, $0x10000, v4;
	v56 =	vsel vm8, $0x20000, v4  }
0x137: {  	vm7 =	vgt.f32 v41, $5.000000000e-01;
	v47 =	vld.idx.msk [tilespmem:v35+s3+$0x0], $0xffff;
	v2 =	vor.u32 v34, v39;
	v42 =	vor.u32 v13, v42  }
0x138: {  	v45 =	vld.idx.msk [tilespmem:v37+s3+$0x0], $0xffff;
	v0 =	vsel vm7, $0x40000, v4;
	vm7 =	vgt.f32 v48, $5.000000000e-01;
	v42 =	vor.u32 v36, v42  }
0x139: {  	vm8 =	vgt.f32 v40, $5.000000000e-01;
	v13 =	vsel vm7, $0x80000, v4;
	vm7 =	vgt.f32 v46, $5.000000000e-01  }
0x13a: {  	v43 =	vld.idx.msk [tilespmem:v38+s3+$0x0], $0xffff;
	v36 =	vor.u32 v20, v39;
	v38 =	vor.u32 v22, v39;
	v42 =	vor.u32 v54, v42  }
0x13b: {  	v37 =	vsel vm7, $0x200000, v4;
	vm7 =	vgt.f32 v44, $5.000000000e-01;
	v54 =	vld.idx.msk [tilespmem:v1+s3+$0x0], $0xffff;
	v42 =	vor.u32 v56, v42  }
0x13c: {  	v35 =	vsel vm8, $0x100000, v4;
	v41 =	vld.idx.msk [tilespmem:v57+s3+$0x0], $0xffff;
	v56 =	vsel vm7, $0x400000, v4;
	v42 =	vor.u32 v0, v42  }
0x13d: {  	vm8 =	vgt.f32 v47, $5.000000000e-01;
	vm7 =	vgt.f32 v45, $5.000000000e-01;
	v40 =	vor.u32 v13, v42  }
0x13e: {  	v0 =	vld.idx.msk [tilespmem:v2+s3+$0x0], $0xffff;
	v57 =	vsel vm8, $0x800000, v4;
	v1 =	vsel vm7, $0x1000000, v4;
	v40 =	vor.u32 v35, v40  }
0x13f: {  	v13 =	vor.u32 v24, v39;
	vm8 =	vgt.f32 v43, $5.000000000e-01;
	v46 =	vld.idx.msk [tilespmem:v36+s3+$0x0], $0xffff;
	v40 =	vor.u32 v37, v40  }
0x140: {  	v35 =	vld.idx.msk [tilespmem:v38+s3+$0x0], $0xffff;
	v2 =	vsel vm8, $0x2000000, v4;
	vm8 =	vgt.f32 v54, $5.000000000e-01;
	v40 =	vor.u32 v56, v40  }
0x141: {  	v54 =	vshll.u32 v49, $0x9;
	vm7 =	vgt.f32 v41, $5.000000000e-01;
	v40 =	vor.u32 v57, v40  }
0x142: {  	v48 =	vsel vm8, $0x8000000, v4;
	v47 =	vsel vm7, $0x4000000, v4;
	v40 =	vor.u32 v1, v40  }
0x143: {  	vm7 =	vgt.f32 v0, $5.000000000e-01;
	v57 =	vshll.u32 v49, $0x7;
	v40 =	vor.u32 v2, v40  }
0x144: {  	v19 =	vmovc v15;
	v56 =	vsel vm7, $0x10000000, v4;
	vm8 =	vgt.f32 v46, $5.000000000e-01;
	v39 =	vor.u32 v47, v40  }
0x145: {  	v23 =	vmovc v16;
	v21 =	vmovc v17;
	s1 =	sxor.u32 $0x80000000, s1;
	s2 =	sxor.u32 $0x80000000, s31;
	vm7 =	vgt.f32 v35, $5.000000000e-01;
	v40 =	vand.u32 $0x380, v57;
	v39 =	vor.u32 v48, v39  }
0x146: {  	[dreg:$0xd] =	wrdreg s1;
	s18 =	simm.s32 $0x8000;
	v25 =	vmovc v14;
	v27 =	vmovc v12;
	s22 =	simm.s32 $0x3;
	v41 =	vld.idx.msk [tilespmem:v13+s3+$0x0], $0xffff;
	v43 =	vsel vm8, $0x20000000, v4;
	v42 =	vor.u32 v56, v39;
	v39 =	vand.u32 $0x7000, v54  }
.LBB2_2:
0x147: {  	v42 =	vor.u32 v43, v42  }
0x148: {  	v48 =	vsel vm7, $0x40000000, v4;
	v39 =	vor.u32 v40, v39;
	v54 =	vmov s22  }
0x149: {  	v49 =	vor.u32 v48, v42;
	v47 =	vor.u32 v9, v39;
	v0 =	vshll.u32 v54, $0x7  }
0x14a: {  	v57 =	vshll.u32 v54, $0x9;
	v46 =	vor.u32 v50, v47;
	v40 =	vand.u32 $0x380, v0;
	v0 =	vld [tilespmem:$0x1FFF0]  }
0x14b: {  	v39 =	vand.u32 $0x7000, v57;
	v48 =	vor.u32 v10, v47;
	v1 =	vor.u32 v51, v47  }
0x14c: {  	v12 =	vmovc v11;
	v14 =	vmovc v52;
	v43 =	vor.u32 v20, v47;
	v42 =	vor.u32 v22, v47;
	vm7 =	vgt.f32 v41, $5.000000000e-01  }
0x14d: {  	v15 =	vmovc v53;
	v16 =	vmovc v55;
	v3 =	vld [tilespmem:$0x1FFE0];
	v2 =	vor.u32 v52, v47;
	v45 =	vor.u32 v33, v47;
	v41 =	vsel vm7, $0x80000000, v4  }
0x14e: {  	s18 =	sadd.s32 $0x10, s18;
	v17 =	vmovc v58;
	v5 =	vld [tilespmem:$0x1FFD0];
	v44 =	vor.u32 v34, v47;
	v56 =	vor.u32 v41, v49;
	v49 =	vor.u32 v11, v47  }
0x14f: {  	v53 =	vor.u32 v53, v47;
	v54 =	vor.u32 v31, v47;
	[tilespmem:s18+$0x0] =	vst v56;
	v36 =	vor.u32 v0, v47;
	v0 =	vld [tilespmem:$0x1FFC0]  }
0x150: {  	v55 =	vor.u32 v55, v47;
	v57 =	vor.u32 v60, v47;
	v58 =	vor.u32 v58, v47;
	v52 =	vld.idx.msk [tilespmem:v46+s3+$0x0], $0xffff  }
0x151: {  	v38 =	vor.u32 v29, v47;
	v26 =	vor.u32 v30, v47;
	v18 =	vor.u32 v61, v47;
	v48 =	vld.idx.msk [tilespmem:v48+s3+$0x0], $0xffff  }
0x152: {  	v13 =	vmovc v51;
	v35 =	vor.u32 v62, v47;
	v11 =	vmovc v10;
	v10 =	vmov v9;
	v9 =	vmov v50;
	v50 =	vld.idx.msk [tilespmem:v1+s3+$0x0], $0xffff  }
0x153: {  	v37 =	vor.u32 v63, v47;
	v6 =	vor.u32 v25, v47;
	v7 =	vor.u32 v23, v47;
	v49 =	vld.idx.msk [tilespmem:v49+s3+$0x0], $0xffff  }
0x154: {  	v8 =	vor.u32 v21, v47;
	v3 =	vor.u32 v3, v47;
	v5 =	vor.u32 v5, v47;
	v51 =	vld.idx.msk [tilespmem:v2+s3+$0x0], $0xffff  }
0x155: {  	v41 =	vor.u32 v24, v47;
	v56 =	vor.u32 v59, v47;
	v2 =	vor.u32 v27, v47;
	v53 =	vld.idx.msk [tilespmem:v53+s3+$0x0], $0xffff  }
0x156: {  	v46 =	vor.u32 v32, v47;
	v1 =	vor.u32 v28, v47;
	v55 =	vld.idx.msk [tilespmem:v55+s3+$0x0], $0xffff;
	vm8 =	vgt.f32 v48, $5.000000000e-01  }
0x157: {  	v0 =	vor.u32 v0, v47;
	vm7 =	vgt.f32 v52, $5.000000000e-01;
	v48 =	vld.idx.msk [tilespmem:v58+s3+$0x0], $0xffff;
	v58 =	vsel vm8, $0x2, v4  }
0x158: {  	v47 =	vor.u32 v19, v47;
	v52 =	vsel vm7, $0x1, v4;
	vm7 =	vgt.f32 v49, $5.000000000e-01  }
0x159: {  	v52 =	vor.u32 v52, v58;
	v49 =	vld.idx.msk [tilespmem:v18+s3+$0x0], $0xffff;
	v18 =	vsel vm7, $0x4, v4;
	vm7 =	vgt.f32 v50, $5.000000000e-01  }
0x15a: {  	v2 =	vld.idx.msk [tilespmem:v2+s3+$0x0], $0xffff;
	v58 =	vmovc v17;
	v52 =	vor.u32 v18, v52;
	v17 =	vsel vm7, $0x8, v4;
	vm7 =	vgt.f32 v51, $5.000000000e-01  }
0x15b: {  	v1 =	vld.idx.msk [tilespmem:v1+s3+$0x0], $0xffff;
	v50 =	vor.u32 v17, v52;
	v51 =	vsel vm7, $0x10, v4;
	vm7 =	vgt.f32 v53, $5.000000000e-01  }
0x15c: {  	v6 =	vld.idx.msk [tilespmem:v6+s3+$0x0], $0xffff;
	v50 =	vor.u32 v51, v50;
	v51 =	vsel vm7, $0x20, v4;
	vm7 =	vgt.f32 v55, $5.000000000e-01  }
0x15d: {  	v47 =	vld.idx.msk [tilespmem:v47+s3+$0x0], $0xffff;
	v53 =	vmovc v15;
	v15 =	vor.u32 v51, v50;
	v51 =	vsel vm7, $0x40, v4;
	vm7 =	vgt.f32 v48, $5.000000000e-01  }
0x15e: {  	v7 =	vld.idx.msk [tilespmem:v7+s3+$0x0], $0xffff;
	v48 =	vor.u32 v51, v15;
	v50 =	vsel vm7, $0x80, v4;
	vm7 =	vgt.f32 v49, $5.000000000e-01  }
0x15f: {  	v8 =	vld.idx.msk [tilespmem:v8+s3+$0x0], $0xffff;
	v48 =	vor.u32 v50, v48;
	v49 =	vsel vm7, $0x100, v4;
	vm7 =	vgt.f32 v2, $5.000000000e-01  }
0x160: {  	v52 =	vmovc v14;
	v51 =	vmovc v13;
	v13 =	vld.idx.msk [tilespmem:v3+s3+$0x0], $0xffff;
	v3 =	vor.u32 v49, v48;
	v14 =	vsel vm7, $0x200, v4;
	vm7 =	vgt.f32 v1, $5.000000000e-01  }
0x161: {  	v15 =	vld.idx.msk [tilespmem:v5+s3+$0x0], $0xffff;
	v3 =	vor.u32 v14, v3;
	v5 =	vsel vm7, $0x400, v4;
	vm7 =	vgt.f32 v6, $5.000000000e-01  }
0x162: {  	v6 =	vld.idx.msk [tilespmem:v36+s3+$0x0], $0xffff;
	v3 =	vor.u32 v5, v3;
	v5 =	vsel vm7, $0x800, v4;
	vm7 =	vgt.f32 v47, $5.000000000e-01  }
0x163: {  	v0 =	vld.idx.msk [tilespmem:v0+s3+$0x0], $0xffff;
	v3 =	vor.u32 v5, v3;
	v5 =	vsel vm7, $0x1000, v4;
	vm7 =	vgt.f32 v7, $5.000000000e-01  }
0x164: {  	v7 =	vld.idx.msk [tilespmem:v35+s3+$0x0], $0xffff;
	v3 =	vor.u32 v5, v3;
	v5 =	vsel vm7, $0x2000, v4;
	vm7 =	vgt.f32 v8, $5.000000000e-01  }
0x165: {  	v8 =	vld.idx.msk [tilespmem:v37+s3+$0x0], $0xffff;
	v3 =	vor.u32 v5, v3;
	v5 =	vsel vm7, $0x4000, v4;
	vm7 =	vgt.f32 v13, $5.000000000e-01  }
0x166: {  	v36 =	vld.idx.msk [tilespmem:v38+s3+$0x0], $0xffff;
	v3 =	vor.u32 v5, v3;
	v5 =	vsel vm7, $0x8000, v4;
	vm7 =	vgt.f32 v15, $5.000000000e-01  }
0x167: {  	v37 =	vld.idx.msk [tilespmem:v26+s3+$0x0], $0xffff;
	v3 =	vor.u32 v5, v3;
	v5 =	vsel vm7, $0x10000, v4;
	vm7 =	vgt.f32 v6, $5.000000000e-01  }
0x168: {  	v6 =	vld.idx.msk [tilespmem:v56+s3+$0x0], $0xffff;
	v3 =	vor.u32 v5, v3;
	v5 =	vsel vm7, $0x20000, v4;
	vm7 =	vgt.f32 v0, $5.000000000e-01  }
0x169: {  	v38 =	vld.idx.msk [tilespmem:v57+s3+$0x0], $0xffff;
	v3 =	vor.u32 v5, v3;
	v5 =	vsel vm7, $0x40000, v4;
	vm7 =	vgt.f32 v7, $5.000000000e-01  }
0x16a: {  	v7 =	vld.idx.msk [tilespmem:v54+s3+$0x0], $0xffff;
	v3 =	vor.u32 v5, v3;
	v5 =	vsel vm7, $0x80000, v4;
	vm7 =	vgt.f32 v8, $5.000000000e-01  }
0x16b: {  	v8 =	vld.idx.msk [tilespmem:v46+s3+$0x0], $0xffff;
	v3 =	vor.u32 v5, v3;
	v5 =	vsel vm7, $0x100000, v4;
	vm7 =	vgt.f32 v36, $5.000000000e-01  }
0x16c: {  	v47 =	vld.idx.msk [tilespmem:v45+s3+$0x0], $0xffff;
	v3 =	vor.u32 v5, v3;
	v5 =	vsel vm7, $0x200000, v4;
	vm7 =	vgt.f32 v37, $5.000000000e-01  }
0x16d: {  	v48 =	vld.idx.msk [tilespmem:v44+s3+$0x0], $0xffff;
	v3 =	vor.u32 v5, v3;
	v5 =	vsel vm7, $0x400000, v4;
	vm7 =	vgt.f32 v6, $5.000000000e-01  }
0x16e: {  	v6 =	vld.idx.msk [tilespmem:v43+s3+$0x0], $0xffff;
	v3 =	vor.u32 v5, v3;
	v5 =	vsel vm7, $0x800000, v4;
	vm7 =	vgt.f32 v38, $5.000000000e-01  }
0x16f: {  	p2 =	sne.s32 s22, $0x3F;
	v49 =	vld.idx.msk [tilespmem:v42+s3+$0x0], $0xffff;
	v3 =	vor.u32 v5, v3;
	v5 =	vsel vm7, $0x1000000, v4;
	vm7 =	vgt.f32 v7, $5.000000000e-01  }
.Ltmp2:
0x170: {  	v3 =	vor.u32 v5, v3;
	v5 =	vsel vm7, $0x2000000, v4;
	vm7 =	vgt.f32 v8, $5.000000000e-01;
	(pc) =	sbr.rel @p2 .LBB2_2-.Ltmp2, $4  }
0x171: {  	v3 =	vor.u32 v5, v3;
	v5 =	vsel vm7, $0x4000000, v4;
	vm7 =	vgt.f32 v47, $5.000000000e-01  }
0x172: {  	v55 =	vmovc v16;
	v54 =	vor.u32 v5, v3;
	v3 =	vsel vm7, $0x8000000, v4;
	vm7 =	vgt.f32 v48, $5.000000000e-01  }
0x173: {  	v50 =	vmovc v9;
	v9 =	vmovc v10;
	v56 =	vor.u32 v3, v54;
	v57 =	vsel vm7, $0x10000000, v4;
	vm7 =	vgt.f32 v6, $5.000000000e-01  }
0x174: {  	s22 =	sadd.s32 $0x1, s22;
	v41 =	vld.idx.msk [tilespmem:v41+s3+$0x0], $0xffff;
	v10 =	vmovc v11;
	v11 =	vmovc v12;
	v42 =	vor.u32 v57, v56;
	v43 =	vsel vm7, $0x20000000, v4;
	vm7 =	vgt.f32 v49, $5.000000000e-01  }
0x175: {  	_ = 	snop  }
0x176: {  	v0 =	vor.u32 v40, v39  }
0x177: {  	v0 =	vor.u32 v9, v0  }
0x178: {  	v1 =	vor.u32 v43, v42;
	v2 =	vor.u32 v50, v0  }
0x179: {  	v3 =	vsel vm7, $0x40000000, v4;
	v5 =	vor.u32 v10, v0;
	vm7 =	vgt.f32 v41, $5.000000000e-01  }
0x17a: {  	v1 =	vor.u32 v3, v1;
	v44 =	vor.u32 v51, v0;
	v3 =	vsel vm7, $0x80000000, v4  }
0x17b: {  	s17 =	sadd.s32 $0x10, s18;
	v18 =	vld [tilespmem:$0x1FFE0];
	v1 =	vor.u32 v3, v1;
	v3 =	vor.u32 v11, v0  }
0x17c: {  	v26 =	vld [tilespmem:$0x1FFD0];
	v6 =	vor.u32 v52, v0;
	[tilespmem:s17+$0x0] =	vst v1  }
0x17d: {  	v2 =	vld.idx.msk [tilespmem:v2+s3+$0x0], $0xffff  }
0x17e: {  	v8 =	vor.u32 v55, v0;
	v5 =	vld.idx.msk [tilespmem:v5+s3+$0x0], $0xffff  }
0x17f: {  	v7 =	vor.u32 v53, v0;
	v1 =	vld.idx.msk [tilespmem:v44+s3+$0x0], $0xffff  }
0x180: {  	v3 =	vld.idx.msk [tilespmem:v3+s3+$0x0], $0xffff  }
0x181: {  	v36 =	vor.u32 v58, v0;
	v39 =	vor.u32 v33, v0;
	v40 =	vor.u32 v59, v0;
	v6 =	vld.idx.msk [tilespmem:v6+s3+$0x0], $0xffff  }
0x182: {  	v45 =	vor.u32 v61, v0;
	v46 =	vor.u32 v27, v0;
	v48 =	vor.u32 v25, v0  }
0x183: {  	v54 =	vor.u32 v18, v0;
	v8 =	vld.idx.msk [tilespmem:v8+s3+$0x0], $0xffff;
	vm7 =	vgt.f32 v2, $5.000000000e-01;
	vm8 =	vgt.f32 v5, $5.000000000e-01  }
0x184: {  	v35 =	vor.u32 v26, v0;
	v5 =	vld.idx.msk [tilespmem:v7+s3+$0x0], $0xffff;
	v7 =	vsel vm7, $0x1, v4;
	v47 =	vsel vm8, $0x2, v4  }
0x185: {  	v57 =	vld [tilespmem:$0x1FFC0];
	vm8 =	vgt.f32 v1, $5.000000000e-01;
	vm7 =	vgt.f32 v3, $5.000000000e-01;
	v3 =	vor.u32 v28, v0  }
0x186: {  	v36 =	vld.idx.msk [tilespmem:v36+s3+$0x0], $0xffff;
	v7 =	vor.u32 v7, v47;
	v49 =	vsel vm7, $0x4, v4;
	vm7 =	vgt.f32 v6, $5.000000000e-01  }
0x187: {  	v2 =	vld.idx.msk [tilespmem:v46+s3+$0x0], $0xffff;
	v6 =	vor.u32 v19, v0;
	v1 =	vor.u32 v49, v7;
	v7 =	vsel vm8, $0x8, v4  }
0x188: {  	v41 =	vld.idx.msk [tilespmem:v45+s3+$0x0], $0xffff;
	v46 =	vor.u32 v62, v0;
	vm8 =	vgt.f32 v8, $5.000000000e-01;
	v1 =	vor.u32 v7, v1  }
0x189: {  	v15 =	vmovc v19;
	v19 =	vld [tilespmem:$0x1FFF0];
	v7 =	vsel vm7, $0x10, v4;
	vm7 =	vgt.f32 v5, $5.000000000e-01;
	v5 =	vor.u32 v23, v0  }
0x18a: {  	v1 =	vor.u32 v7, v1;
	v7 =	vor.u32 v21, v0;
	v8 =	vsel vm7, $0x20, v4;
	v3 =	vld.idx.msk [tilespmem:v3+s3+$0x0], $0xffff  }
0x18b: {  	v42 =	vld.idx.msk [tilespmem:v48+s3+$0x0], $0xffff;
	v47 =	vor.u32 v63, v0;
	v1 =	vor.u32 v8, v1;
	v8 =	vsel vm8, $0x40, v4  }
0x18c: {  	vm7 =	vgt.f32 v36, $5.000000000e-01;
	vm8 =	vgt.f32 v2, $5.000000000e-01;
	v1 =	vor.u32 v8, v1;
	v6 =	vld.idx.msk [tilespmem:v6+s3+$0x0], $0xffff  }
0x18d: {  	v8 =	vsel vm7, $0x80, v4;
	vm7 =	vgt.f32 v41, $5.000000000e-01;
	v44 =	vsel vm8, $0x200, v4  }
0x18e: {  	v1 =	vor.u32 v8, v1;
	v8 =	vor.u32 v19, v0;
	v43 =	vsel vm7, $0x100, v4;
	v5 =	vld.idx.msk [tilespmem:v5+s3+$0x0], $0xffff  }
0x18f: {  	v1 =	vor.u32 v43, v1;
	v7 =	vld.idx.msk [tilespmem:v7+s3+$0x0], $0xffff;
	vm7 =	vgt.f32 v3, $5.000000000e-01;
	v3 =	vor.u32 v57, v0  }
0x190: {  	v36 =	vld.idx.msk [tilespmem:v54+s3+$0x0], $0xffff;
	v1 =	vor.u32 v44, v1;
	v45 =	vsel vm7, $0x400, v4;
	vm7 =	vgt.f32 v42, $5.000000000e-01  }
0x191: {  	v41 =	vld.idx.msk [tilespmem:v35+s3+$0x0], $0xffff;
	vm8 =	vgt.f32 v6, $5.000000000e-01;
	v1 =	vor.u32 v45, v1;
	v6 =	vsel vm7, $0x800, v4  }
0x192: {  	v54 =	vor.u32 v31, v0;
	v1 =	vor.u32 v6, v1;
	v6 =	vsel vm8, $0x1000, v4  }
0x193: {  	v8 =	vld.idx.msk [tilespmem:v8+s3+$0x0], $0xffff;
	vm7 =	vgt.f32 v5, $5.000000000e-01;
	v5 =	vor.u32 v29, v0;
	v1 =	vor.u32 v6, v1  }
0x194: {  	v6 =	vsel vm7, $0x2000, v4;
	vm7 =	vgt.f32 v7, $5.000000000e-01;
	v7 =	vor.u32 v30, v0;
	v3 =	vld.idx.msk [tilespmem:v3+s3+$0x0], $0xffff  }
0x195: {  	v35 =	vor.u32 v34, v0;
	v42 =	vld.idx.msk [tilespmem:v46+s3+$0x0], $0xffff;
	vm8 =	vgt.f32 v36, $5.000000000e-01;
	v1 =	vor.u32 v6, v1  }
0x196: {  	v6 =	vor.u32 v60, v0;
	v48 =	vsel vm7, $0x4000, v4;
	vm7 =	vgt.f32 v41, $5.000000000e-01  }
0x197: {  	v2 =	vld.idx.msk [tilespmem:v47+s3+$0x0], $0xffff;
	v49 =	vsel vm8, $0x8000, v4;
	v1 =	vor.u32 v48, v1;
	v56 =	vsel vm7, $0x10000, v4  }
0x198: {  	v1 =	vor.u32 v49, v1;
	vm7 =	vgt.f32 v8, $5.000000000e-01;
	v8 =	vor.u32 v32, v0;
	v5 =	vld.idx.msk [tilespmem:v5+s3+$0x0], $0xffff  }
0x199: {  	v1 =	vor.u32 v56, v1;
	v7 =	vld.idx.msk [tilespmem:v7+s3+$0x0], $0xffff;
	vm8 =	vgt.f32 v3, $5.000000000e-01;
	v3 =	vsel vm7, $0x20000, v4  }
0x19a: {  	v40 =	vld.idx.msk [tilespmem:v40+s3+$0x0], $0xffff;
	vm7 =	vgt.f32 v42, $5.000000000e-01;
	v1 =	vor.u32 v3, v1;
	v3 =	vsel vm8, $0x40000, v4  }
0x19b: {  	v45 =	vor.u32 v20, v0;
	v6 =	vld.idx.msk [tilespmem:v6+s3+$0x0], $0xffff;
	v1 =	vor.u32 v3, v1;
	v3 =	vsel vm7, $0x80000, v4  }
0x19c: {  	v46 =	vor.u32 v22, v0;
	vm7 =	vgt.f32 v2, $5.000000000e-01;
	v1 =	vor.u32 v3, v1;
	v3 =	vld.idx.msk [tilespmem:v54+s3+$0x0], $0xffff  }
0x19d: {  	v0 =	vor.u32 v24, v0;
	v8 =	vld.idx.msk [tilespmem:v8+s3+$0x0], $0xffff;
	vm8 =	vgt.f32 v5, $5.000000000e-01;
	v5 =	vsel vm7, $0x100000, v4  }
0x19e: {  	v1 =	vor.u32 v5, v1;
	v5 =	vld.idx.msk [tilespmem:v39+s3+$0x0], $0xffff;
	vm7 =	vgt.f32 v7, $5.000000000e-01;
	v7 =	vsel vm8, $0x200000, v4  }
0x19f: {  	vm8 =	vgt.f32 v40, $5.000000000e-01;
	v1 =	vor.u32 v7, v1;
	v7 =	vld.idx.msk [tilespmem:v35+s3+$0x0], $0xffff;
	v47 =	vsel vm7, $0x400000, v4  }
0x1a0: {  	v48 =	vld.idx.msk [tilespmem:v45+s3+$0x0], $0xffff;
	vm7 =	vgt.f32 v6, $5.000000000e-01;
	v6 =	vsel vm8, $0x800000, v4;
	v1 =	vor.u32 v47, v1  }
0x1a1: {  	v2 =	vld.idx.msk [tilespmem:v46+s3+$0x0], $0xffff;
	v1 =	vor.u32 v6, v1;
	vm8 =	vgt.f32 v3, $5.000000000e-01;
	v3 =	vsel vm7, $0x1000000, v4  }
0x1a2: {  	v0 =	vld.idx.msk [tilespmem:v0+s3+$0x0], $0xffff;
	vm7 =	vgt.f32 v8, $5.000000000e-01;
	v1 =	vor.u32 v3, v1;
	v3 =	vsel vm8, $0x2000000, v4  }
0x1a3: {  	vm8 =	vgt.f32 v5, $5.000000000e-01;
	v1 =	vor.u32 v3, v1;
	v3 =	vsel vm7, $0x4000000, v4  }
0x1a4: {  	vm7 =	vgt.f32 v7, $5.000000000e-01;
	v1 =	vor.u32 v3, v1;
	v3 =	vsel vm8, $0x8000000, v4  }
0x1a5: {  	vm8 =	vgt.f32 v48, $5.000000000e-01;
	v1 =	vor.u32 v3, v1;
	v3 =	vsel vm7, $0x10000000, v4  }
0x1a6: {  	vm7 =	vgt.f32 v2, $5.000000000e-01;
	v49 =	vsel vm8, $0x20000000, v4;
	v1 =	vor.u32 v3, v1  }
0x1a7: {  	vm8 =	vgt.f32 v0, $5.000000000e-01;
	v54 =	vsel vm7, $0x40000000, v4;
	v1 =	vor.u32 v49, v1  }
0x1a8: {  	v56 =	vsel vm8, $0x80000000, v4;
	v0 =	vor.u32 v54, v1  }
0x1a9: {  	s1 =	rddreg [dreg:$0xb];
	s5 =	sadd.s32 $0x10, s17;
	v0 =	vor.u32 v56, v0  }
0x1aa: {  	s22 =	simm.s32 $0x80;
	s7 =	simm.s32 $0x100;
	s8 =	simm.s32 $0x8000;
	[tilespmem:s5+$0x0] =	vst v0  }
0x1ab: {  	[spmem:s1] =	stream.strided.scatter [tilespmem:s8], [sflag:$0x2], $0x400, s7, s22, $0x38;
	[tilespmem:$0xD100] =	vst v63  }
.Ltmp3:
0x1ac: {  	_ =	swait.ge [sflag:s23], $0x400;
	(pc) =	sbr.rel @p0 .LBB2_19-.Ltmp3, $4  }
0x1ad: {  	[sflag:s23] =	ssyncset.done $0x0  }
0x1ae: {  	[sflag:s23] =	ssyncadd.s32 $0xFFFFFC00  }
0x1af: {  	v12 =	vmov v27;
	v14 =	vmov v25;
	[bflag:$0x0] =	sbarrier.arrive $0xFFFF  }
0x1b0: {  	v16 =	vmovc v23;
	v17 =	vmovc v21;
	v25 =	vmov v57;
	v27 =	vmov v19;
	v8 =	vlaneseq.u32;
	v23 =	vld [tilespmem:$0x1FFB0]  }
0x1b1: {  	s1 =	smov.u32 s24;
	s4 =	smov.u32 s20  }
0x1b2: {  	s25 =	smov.u32 s16;
	s21 =	smov.u32 s15;
	s5 =	rddreg [dreg:$0x8]  }
0x1b3: {  	s7 =	simm.s32 $0x80;
	s8 =	simm.s32 $0x100;
	s9 =	simm.s32 $0x8400  }
0x1b4: {  	[tilespmem:s9], [sflag:$0x2] =	stream.strided.gather [spmem:s5], $0x2000, s8, s7, $0x38;
	[tilespmem:$0xD100] =	vst v63  }
0x1b5: {  	s20 =	smov.u32 s14;
	s16 =	smov.u32 s13;
	_ =	swait.ge [sflag:s23], $0x2000  }
0x1b6: {  	s24 =	smov.u32 s12;
	s15 =	smov.u32 s11;
	[sflag:s23] =	ssyncset.done $0x0  }
0x1b7: {  	s5 =	simm.s32 $0x0;
	s7 =	simm.s32 $0x200;
	[sflag:s23] =	ssyncadd.s32 $0xFFFFE000  }
.LBB2_5:
0x1b8: {  	p2 =	sne.s32 s7, $0x7E00;
	[tilespmem:s5+$0xA470] =	vst v4  }
0x1b9: {  	[tilespmem:s5+$0xA400] =	vst v4  }
0x1ba: {  	[tilespmem:s5+$0xA410] =	vst v4  }
.Ltmp4:
0x1bb: {  	[tilespmem:s5+$0xA420] =	vst v4;
	(pc) =	sbr.rel @p2 .LBB2_5-.Ltmp4, $4  }
0x1bc: {  	[tilespmem:s5+$0xA430] =	vst v4  }
0x1bd: {  	[tilespmem:s5+$0xA440] =	vst v4  }
0x1be: {  	[tilespmem:s5+$0xA450] =	vst v4  }
0x1bf: {  	[tilespmem:s5+$0xA460] =	vst v4;
	s5 =	sshra.s32 s7, $0x2;
	s7 =	sadd.s32 $0x200, s7  }
0x1c0: {  	[tilespmem:s5+$0xA470] =	vst v4  }
0x1c1: {  	[tilespmem:s5+$0xA400] =	vst v4  }
0x1c2: {  	[tilespmem:s5+$0xA410] =	vst v4  }
0x1c3: {  	[tilespmem:s5+$0xA420] =	vst v4  }
0x1c4: {  	[tilespmem:s5+$0xA430] =	vst v4  }
0x1c5: {  	[tilespmem:s5+$0xA440] =	vst v4  }
0x1c6: {  	[tilespmem:s5+$0xA450] =	vst v4  }
0x1c7: {  	[tilespmem:s5+$0xA460] =	vst v4;
	s17 =	sshrl.u32 s30, $0x5;
	s7 =	sshll.u32 s31, $0x4  }
0x1c8: {  	s5 =	sxor.u32 $0x4000000, s17;
	v0 =	vld [tilespmem:s7+$0x8400]  }
0x1c9: {  	s8 =	sand.u32 $0x1F, s30;
	vm7 =	vmmov vm6;
	v1 =	vmov s5  }
0x1ca: {  	vm7 =	vmneg @p1 vm7;
	s18 =	sshll.u32 s19, s8;
	vm8 =	veq.s32 v1, v8  }
0x1cb: {  	v56 =	vmov s18;
	vm7 =	vmand vm8, vm7  }
0x1cc: {  	v1 =	vnsel vm7, $0x0, v56  }
0x1cd: {  	v0 =	vand.u32 v1, v0  }
0x1ce: {  	v21 =	vimm.f32 $1.000000000e+00;
	vm7 =	veq.s32 v0, $0x0  }
0x1cf: {  	v57 =	vsel vm7, $0x0, v21  }
0x1d0: {  	(xrf0) =	vmax.scan.msk.f32 $0xffff, v57;
	_ =	sdelay $0x5  }
0x1d1: {  	v1, _, _ =	vpop (xrf0)  }
0x1d2: {  	(v2sf) =	vpush v1, $0xF;
	_ =	sdelay $0xe  }
0x1d3: {  	s22 =	spop (v2sf)  }
0x1d4: {  	p1 =	sgt.f32 s22, $0.0e+00  }
.Ltmp5:
0x1d5: {  	_ = 	snop;
	(pc) =	sbr.rel @!p1 .LBB2_18-.Ltmp5, $4  }
.Ltmp6:
0x1d6: {  	_ = 	snop;
	(pc) =	sbr.rel @p1 .LBB2_7-.Ltmp6, $4  }
0x1d7: {  	_ = 	snop  }
0x1d8: {  	_ = 	snop  }
0x1d9: {  	s31 =	simm.s32 $0x0;
	s30 =	smov.u32 s2;
	v19 =	vld [tilespmem:$0x1FFA0];
	[tilespmem:s7+$0xA400] =	vst v0  }
0x1da: {  	_ = 	snop  }
.LBB2_10:
0x1db: {  	s17 =	smov.u32 s9;
	v43 =	vmov v41;
	s5 =	smov.u32 s11;
	s9 =	smov.u32 s12  }
.LBB2_15:
0x1dc: {  	_ =	sdelay $0x3  }
0x1dd: {  	s10 =	sand.u32 $0x3FFFFFF0, s13;
	s5 =	sadd.s32 @p1 $0x10, s5;
	v2 =	vld.idx.msk [tilespmem:v45+s26+$0x0], $0xffff  }
0x1de: {  	v0 =	vld [tilespmem:s10+$0xA400];
	s11 =	smov.u32 @p1 s5  }
0x1df: {  	v1 =	vld [tilespmem:s11+$0x0];
	_ =	sdelay $0x1  }
0x1e0: {  	v3 =	vld.idx.msk [tilespmem:v46+s26+$0x0], $0xffff  }
0x1e1: {  	p2 =	slt.u32 s17, $0x1FF  }
0x1e2: {  	vm7 =	veq.s32 v8, $0x0;
	v0 =	vpsel !p2, $0x0, v0  }
0x1e3: {  	v2 =	vsel vm7, $0x0, v2;
	v5 =	vshrl.u32 v1, $0x1;
	v0 =	vor.u32 v44, v0  }
0x1e4: {  	v6 =	vld [tilespmem:s8+$0x0];
	vm7 =	veq.s32 v8, $0xF;
	v0 =	vor.u32 v5, v0;
	v5 =	vshll.u32 v1, $0x1  }
0x1e5: {  	v3 =	vsel vm7, $0x0, v3;
	v2 =	vshrl.u32 v2, $0x1F;
	v0 =	vor.u32 v5, v0  }
0x1e6: {  	v3 =	vshll.u32 v3, $0x1F;
	v0 =	vor.u32 v2, v0  }
0x1e7: {  	v0 =	vor.u32 v3, v0  }
0x1e8: {  	v0 =	vor.u32 v1, v0  }
0x1e9: {  	v2 =	vor.u32 @p1 v43, v47;
	v0 =	vand.u32 v6, v0  }
0x1ea: {  	p6 =	seq.s32 s7, s9;
	v2 =	vpsel p1, v2, v41;
	v1 =	vxor.u32 v1, v0  }
0x1eb: {  	[tilespmem:s11+$0x0] =	vst v0;
	v40 =	vpsel p6, v0, v40;
	v41 =	vor.u32 v2, v1  }
.LBB2_16:
0x1ec: {  	vm7 =	veq.s32 v41, $0x0;
	vm8 =	veq.s32 v39, $0x0;
	vm9 =	veq.s32 v40, $0x0  }
0x1ed: {  	v39 =	vsel vm7, $0x0, v21;
	v40 =	vsel vm8, $0x0, v21;
	v41 =	vsel vm9, $0x0, v21  }
.LBB2_17:
0x1ee: {  	(xrf0) =	vmax.scan.msk.f32 $0xffff, v39;
	_ =	sdelay $0x3  }
0x1ef: {  	(xrf0) =	vmax.scan.msk.f32 $0xffff, v40  }
0x1f0: {  	(xrf0) =	vmax.scan.msk.f32 $0xffff, v41  }
0x1f1: {  	v0, _, _ =	vpop (xrf0)  }
0x1f2: {  	(v2sf) =	vpush v0, $0xF;
	_ =	sdelay $0x2  }
0x1f3: {  	v1, _, _ =	vpop (xrf0)  }
0x1f4: {  	(v2sf) =	vpush v1, $0xF;
	v57, _, _ =	vpop (xrf0)  }
0x1f5: {  	(v2sf) =	vpush v57, $0xF;
	_ =	sdelay $0x9  }
0x1f6: {  	p1 =	sgt.u32 s31, $0x3FE;
	s5 =	spop (v2sf)  }
0x1f7: {  	p2 =	sgt.f32 @!p1 s5, $0.0e+00;
	_ =	sdelay $0x1  }
0x1f8: {  	p1 =	por p1, !p2  }
.Ltmp7:
0x1f9: {  	s7 =	spop (v2sf);
	(pc) =	sbr.rel @p1 .LBB2_18-.Ltmp7, $4  }
0x1fa: {  	s22 =	spop (v2sf)  }
0x1fb: {  	p3 =	sgt.f32 s7, $0.0e+00;
	p4 =	sgt.f32 s22, $0.0e+00  }
0x1fc: {  	_ = 	snop  }
0x1fd: {  	s31 =	sadd.s32 $0x1, s31;
	s30 =	smov.u32 @p3 s12;
	s2 =	smov.u32 @p4 s18  }
.LBB2_7:
0x1fe: {  	s7 =	sadd.s32 $0xFFFFFFFF, s30;
	s18 =	sadd.s32 $0x1, s2  }
0x1ff: {  	p1 =	sgt.s32 s7, $0x0;
	s12 =	smov.u32 s7;
	p2 =	slt.s32 s18, $0x1FF  }
0x200: {  	s12 =	simm.s32 @!p1 $0x0;
	s18 =	simm.s32 @!p2 $0x1FF  }
0x201: {  	p1 =	sgt.s32 s12, s18  }
.Ltmp8:
0x202: {  	_ = 	snop;
	(pc) =	sbr.rel @p1 .LBB2_17-.Ltmp8, $2  }
0x203: {  	_ =	sdelay $0x2  }
0x204: {  	v39 =	vimm.f32 $0.0e+00;
	v40 =	vimm.f32 $0.0e+00;
	v41 =	vimm.f32 $0.0e+00  }
0x205: {  	s5 =	sshll.u32 s12, $0x4  }
0x206: {  	s9 =	sadd.s32 $0x1, s12;
	v0 =	vor.u32 s5, v19  }
0x207: {  	s8 =	smin.u32 s9, $0x1FF;
	v1 =	vor.u32 s5, v23  }
0x208: {  	v44 =	vld [tilespmem:s5+$0xA400];
	s8 =	sshll.u32 s8, $0x4  }
0x209: {  	v2 =	vld [tilespmem:s8+$0xA400];
	_ =	sdelay $0x1  }
0x20a: {  	v0 =	vld.idx.msk [tilespmem:v0+s26+$0x0], $0xffff  }
0x20b: {  	v1 =	vld.idx.msk [tilespmem:v1+s26+$0x0], $0xffff  }
0x20c: {  	p1 =	slt.s32 s7, $0x1FF  }
0x20d: {  	v3 =	vshrl.u32 v44, $0x1;
	v2 =	vpsel !p1, $0x0, v2  }
0x20e: {  	vm7 =	veq.s32 v8, $0x0;
	v2 =	vor.u32 v3, v2  }
0x20f: {  	v5 =	vld [tilespmem:s5+$0x8400];
	v3 =	vshll.u32 v44, $0x1;
	v0 =	vsel vm7, $0x0, v0;
	vm7 =	veq.s32 v8, $0xF  }
0x210: {  	p2 =	sge.s32 s12, s18;
	v2 =	vor.u32 v3, v2;
	v1 =	vsel vm7, $0x0, v1;
	v0 =	vshrl.u32 v0, $0x1F  }
.Ltmp9:
0x211: {  	v1 =	vshll.u32 v1, $0x1F;
	v0 =	vor.u32 v0, v2;
	(pc) =	sbr.rel @p2 .LBB2_16-.Ltmp9, $4  }
0x212: {  	v0 =	vor.u32 v1, v0  }
0x213: {  	v0 =	vor.u32 v44, v0  }
0x214: {  	p6 =	seq.s32 s12, s18;
	v39 =	vand.u32 v5, v0  }
0x215: {  	v40 =	vpsel !p6, $0x0, v39;
	[tilespmem:s5+$0xA400] =	vst v39;
	v41 =	vxor.u32 v44, v39  }
0x216: {  	p2 =	slt.s32 s9, s18  }
.Ltmp10:
0x217: {  	_ = 	snop;
	(pc) =	sbr.rel @!p2 .LBB2_10-.Ltmp10, $4  }
0x218: {  	s7 =	sshll.u32 s12, $0x6;
	s10 =	sadd.s32 $0x2, s12  }
0x219: {  	s5 =	sadd.s32 $0x10, s5;
	s8 =	sshra.s32 s7, $0x2;
	p1 =	slt.s32 s10, $0x1FF  }
0x21a: {  	s7 =	sadd.s32 $0xFFFFFFFF, s18;
	s11 =	sadd.s32 $0xA410, s8;
	s10 =	simm.s32 @!p1 $0x1FF  }
0x21b: {  	v45 =	vor.u32 s5, v19;
	v46 =	vor.u32 s5, v23;
	s8 =	sadd.s32 $0x8410, s8;
	p1 =	por $0x0, $0x0;
	s13 =	sshll.u32 s10, $0x4  }
0x21c: {  	_ = 	snop  }
0x21d: {  	s10 =	sand.u32 $0x3FFFFFF0, s13  }
0x21e: {  	v0 =	vld [tilespmem:s10+$0xA400]  }
0x21f: {  	v42 =	vld [tilespmem:s11+$0x0]  }
0x220: {  	v1 =	vld.idx.msk [tilespmem:v45+s26+$0x0], $0xffff  }
0x221: {  	v2 =	vld.idx.msk [tilespmem:v46+s26+$0x0], $0xffff  }
0x222: {  	p1 =	slt.u32 s9, $0x1FF  }
0x223: {  	vm7 =	veq.s32 v8, $0x0;
	v0 =	vpsel !p1, $0x0, v0  }
0x224: {  	vm8 =	veq.s32 v8, $0xF;
	v3 =	vshrl.u32 v42, $0x1;
	v0 =	vor.u32 v44, v0  }
0x225: {  	v5 =	vld [tilespmem:s8+$0x0];
	s17 =	sadd.s32 $0x1, s9;
	v1 =	vsel vm7, $0x0, v1;
	v6 =	vshll.u32 v42, $0x1;
	v0 =	vor.u32 v3, v0  }
0x226: {  	p2 =	slt.s32 s17, s18;
	v2 =	vsel vm8, $0x0, v2;
	v1 =	vshrl.u32 v1, $0x1F;
	v0 =	vor.u32 v6, v0  }
.Ltmp11:
0x227: {  	s10 =	sadd.s32 $0x10, s5;
	v2 =	vshll.u32 v2, $0x1F;
	v0 =	vor.u32 v1, v0;
	(pc) =	sbr.rel @!p2 .LBB2_12-.Ltmp11, $4  }
0x228: {  	s13 =	sadd.s32 $0x2, s9;
	v45 =	vor.u32 s10, v19;
	v0 =	vor.u32 v2, v0  }
0x229: {  	p6 =	seq.s32 s7, s12;
	p1 =	slt.s32 s13, $0x1FF;
	v0 =	vor.u32 v42, v0  }
0x22a: {  	s8 =	sadd.s32 $0x10, s8;
	s22 =	smov.u32 s17;
	s13 =	simm.s32 @!p1 $0x1FF;
	v0 =	vand.u32 v5, v0  }
0x22b: {  	v43 =	vmovc v41;
	s5 =	smov.u32 s11;
	v46 =	vor.u32 s10, v23;
	p1 =	por $0x1, $0x1;
	s13 =	sshll.u32 s13, $0x4;
	[tilespmem:s11+$0x0] =	vst v0;
	v47 =	vxor.u32 v42, v0;
	v40 =	vpsel p6, v0, v40  }
.LBB2_13:
0x22c: {  	s13 =	sand.u32 $0x3FFFFFF0, s13  }
0x22d: {  	v0 =	vld.idx.msk [tilespmem:v45+s26+$0x0], $0xffff;
	v43 =	vor.u32 v43, v47;
	s5 =	sadd.s32 $0x10, s5;
	s14 =	smov.u32 s22;
	s22 =	sadd.s32 $0x1, s22  }
0x22e: {  	p2 =	slt.s32 s22, s18;
	v1 =	vld [tilespmem:s13+$0xA400]  }
0x22f: {  	v2 =	vld [tilespmem:s5+$0x0]  }
0x230: {  	v3 =	vld.idx.msk [tilespmem:v46+s26+$0x0], $0xffff;
	_ =	sdelay $0x1  }
0x231: {  	p3 =	slt.u32 s17, $0x1FF;
	s17 =	smov.u32 s22  }
0x232: {  	v0 =	vsel vm7, $0x0, v0;
	v1 =	vpsel !p3, $0x0, v1  }
0x233: {  	v5 =	vshrl.u32 v2, $0x1;
	v1 =	vor.u32 v42, v1;
	v42 =	vmov v2  }
0x234: {  	v7 =	vshll.u32 v2, $0x1;
	v6 =	vld [tilespmem:s8+$0x0];
	v1 =	vor.u32 v5, v1  }
0x235: {  	s10 =	sadd.s32 $0x10, s10;
	v0 =	vshrl.u32 v0, $0x1F;
	v3 =	vsel vm8, $0x0, v3;
	v1 =	vor.u32 v7, v1  }
.Ltmp12:
0x236: {  	v45 =	vor.u32 s10, v19;
	v3 =	vshll.u32 v3, $0x1F;
	v0 =	vor.u32 v0, v1;
	(pc) =	sbr.rel @p2 .LBB2_13-.Ltmp12, $4  }
0x237: {  	s13 =	sadd.s32 $0x2, s14;
	v0 =	vor.u32 v3, v0  }
0x238: {  	p3 =	slt.s32 s13, $0x1FF;
	v0 =	vor.u32 v2, v0  }
0x239: {  	v46 =	vor.u32 s10, v23;
	s13 =	simm.s32 @!p3 $0x1FF;
	p3 =	seq.s32 s7, s9;
	s9 =	smov.u32 s14;
	v0 =	vand.u32 v6, v0  }
0x23a: {  	s13 =	sshll.u32 s13, $0x4;
	s8 =	sadd.s32 $0x10, s8;
	[tilespmem:s5+$0x0] =	vst v0;
	v47 =	vxor.u32 v2, v0;
	v40 =	vpsel p3, v0, v40  }
.Ltmp13:
0x23b: {  	(pc) =	sbr.rel .LBB2_15-.Ltmp13, $2  }
0x23c: {  	_ =	sdelay $0x2  }
0x23d: {  	v44 =	vmov v42  }
.LBB2_12:
.Ltmp14:
0x23e: {  	(pc) =	sbr.rel .LBB2_15-.Ltmp14, $2  }
0x23f: {  	_ =	sdelay $0x2  }
0x240: {  	v43 =	vmov v41;
	s5 =	smov.u32 s11;
	v44 =	vmov v42  }
.LBB2_20:
0x241: {  	_ =	sfence.sel $0x180000  }
0x242: {  	[bflag:$0x0] =	sbarrier.arrive $0xFFFF  }
0x243: {  	_ =	strace $0x90000047  }
0x244: {  	s0 =	stileid.u32;
	[bflag:$0x2] =	sbarrier.arrive $0xFFFF  }
0x245: {  	p0 =	sne.s32 s0, $0x0;
	s0 =	rddreg [dreg:$0x3]  }
0x246: {  	s0 =	sadd.s32 @!p0 $0x100000, s0  }
0x247: {  	[sflag:s0] =	ssyncadd.tile.s32 @!p0 $0x1;
	_ =	shalt  }
.Lfunc_end2:
_tile_overlayer_lowered:
.L_overlay_start_2:
0x248: {  	(tag) =	ssettag $0x2  }
0x249: {  	s0 =	rddreg [dreg:$0x0];
	s2 =	stileid.u32  }
0x24a: {  	s1 =	rddreg [dreg:$0x1];
	p0 =	sne.s32 s2, $0x0  }
0x24b: {  	s3 =	rddreg [dreg:$0x2];
	[bflag:$0x3] =	sbarrier.arrive $0xFFFF;
	s2 =	simm.s32 @!p0 $0x1C02  }
0x24c: {  	[timem:s3], [sflag:s2] =	dma.local @!p0 [hbm:s0], s1  }
0x24d: {  	s0 =	simm.s32 @!p0 $0x2  }
0x24e: {  	_ =	swait.ge @!p0 [sflag:s0], s1  }
0x24f: {  	s1 =	ssub.s32 @!p0 $0x0, s1;
	[sflag:s0] =	ssyncset.done @!p0 $0x0  }
0x250: {  	[sflag:s0] =	ssyncadd.s32 @!p0 s1  }
0x251: {  	[bflag:$0x3] =	sbarrier.arrive $0xFFFF  }
0x252: {  	_ =	shalt  }

</sc_bundles>
